<compile_context>
chip_gen: v7x
topology: tpu7x:2x2x1
jax: 0.10.2.dev20260603
libtpu: 0.0.44.dev20260713+nightly
codegen_flags: <defaults>
</compile_context>

<pallas_src>
import functools

import jax
import jax.numpy as jnp
from jax import lax
from jax.experimental import pallas as pl
from jax.experimental.pallas import tpu as pltpu
from jax.experimental.pallas import tpu_sc as plsc

D = 64
C = 512
NBUF = 2
GW = 128
RB = 8192
EPS = 1e-5
PAD = 0
LANES = 16
NWORKERS = 32


def _sc_gather(table, idx, n):
    mesh = plsc.VectorSubcoreMesh(core_axis_name="core", subcore_axis_name="subcore")
    nw = n // NWORKERS
    steps = nw // C

    @functools.partial(
        pl.kernel,
        out_type=jax.ShapeDtypeStruct((n, 2 * D), jnp.float32),
        mesh=mesh,
        compiler_params=pltpu.CompilerParams(
            needs_layout_passes=False, use_tc_tiling_on_sc=False
        ),
        scratch_types=[pltpu.VMEM((C, D), jnp.float32) for _ in range(NBUF)]
        + [pltpu.VMEM((C,), jnp.int32) for _ in range(NBUF)]
        + [pltpu.SemaphoreType.DMA for _ in range(2 * NBUF)],
    )
    def run(table_hbm, idx_hbm, out_hbm, *scratch):
        rbuf = scratch[:NBUF]
        ibuf = scratch[NBUF : 2 * NBUF]
        gsem = scratch[2 * NBUF : 3 * NBUF]
        ssem = scratch[3 * NBUF : 4 * NBUF]

        wid = lax.axis_index("subcore") * 2 + lax.axis_index("core")
        base = wid * nw

        def load_and_gather(k, b):
            pltpu.sync_copy(idx_hbm.at[pl.ds(base + k * C, C)], ibuf[b])
            for j in range(C // GW):
                pltpu.async_copy(
                    table_hbm.at[ibuf[b].at[pl.ds(j * GW, GW)]],
                    rbuf[b].at[pl.ds(j * GW, GW)],
                    gsem[b],
                )

        def wait_gather(b):
            for j in range(C // GW):
                pltpu.make_async_copy(
                    table_hbm.at[ibuf[b].at[pl.ds(j * GW, GW)]],
                    rbuf[b].at[pl.ds(j * GW, GW)],
                    gsem[b],
                ).wait()

        def store(k, b):
            pltpu.async_copy(
                rbuf[b],
                out_hbm.at[pl.ds(base + k * C, C), pl.ds(0, D)],
                ssem[b],
            )

        def wait_store(b):
            pltpu.make_async_copy(
                rbuf[b], out_hbm.at[pl.ds(0, C), pl.ds(0, D)], ssem[b]
            ).wait()

        def zero_padding_rows(b):
            @pl.loop(0, C // LANES)
            def _(g):
                ivs = ibuf[b][pl.ds(LANES * g, LANES)]
                haspad = jnp.any(ivs == jnp.int32(PAD))

                @pl.when(haspad)
                def _():
                    mf = jnp.where(ivs != jnp.int32(PAD), 1.0, 0.0)
                    for rr in range(LANES):
                        r = LANES * g + rr
                        bm = lax.broadcast_in_dim(mf[rr], (LANES,), ())
                        for j in range(D // LANES):
                            sl = pl.ds(LANES * j, LANES)
                            rbuf[b][r, sl] = rbuf[b][r, sl] * bm

        load_and_gather(0, 0)

        @pl.loop(0, steps, step=NBUF)
        def _(k0):
            for b in range(NBUF):
                k = k0 + b
                b_next = (b + 1) % NBUF

                @pl.when(k >= NBUF - 1)
                def _():
                    wait_store(b_next)

                @pl.when(k < steps - 1)
                def _():
                    load_and_gather(k + 1, b_next)

                wait_gather(b)
                zero_padding_rows(b)
                store(k, b)

        for t in range(steps - NBUF + 1, steps):
            wait_store(t % NBUF)

    return run(table, idx)


def _tc_layer_norm(emb1d, gamma, beta, n):

    def body(e_ref, g_ref, b_ref, o_ref):
        e = e_ref[...].reshape(RB, 2 * D)[:, :D]
        mu = jnp.mean(e, axis=-1, keepdims=True)
        d = e - mu
        var = jnp.mean(d * d, axis=-1, keepdims=True)
        y = d * lax.rsqrt(var + EPS)
        o_ref[...] = y * g_ref[...] + b_ref[...]

    return pl.pallas_call(
        body,
        grid=(n // RB,),
        in_specs=[
            pl.BlockSpec((RB * 2 * D,), lambda i: (i,)),
            pl.BlockSpec((1, D), lambda i: (0, 0)),
            pl.BlockSpec((1, D), lambda i: (0, 0)),
        ],
        out_specs=pl.BlockSpec((RB, D), lambda i: (i, 0)),
        out_shape=jax.ShapeDtypeStruct((n, D), jnp.float32),
    )(emb1d, gamma.reshape(1, D), beta.reshape(1, D))


def kernel(x, table, gamma, beta):
    B, L = x.shape
    n = B * L
    emb = _sc_gather(table, x.reshape(n), n)
    out = _tc_layer_norm(emb.reshape(n * 2 * D), gamma, beta, n)
    return out.reshape(B, L, D)

# --- scband reference (transcript-rebuilt; emitter-appended) ---
"""Pipeline reference for scband-channel-embedding-18769007084644 (READ-ONLY COPY).

The authoritative reference and input builder live on the scoring server;
editing this copy changes nothing except your own understanding.
"""

import jax, jax.numpy as jnp
import numpy as np

VOCAB = 1000000
EMBED_DIM = 64
B = 4096
L = 200
PADDING_IDX = 0
EPS = 1e-5


def setup_inputs(seed: int = 0) -> dict:
    key = jax.random.key(seed)
    k1, k2 = jax.random.split(key, 2)
    x = jax.random.randint(k1, (B, L), 0, VOCAB, dtype=jnp.int32)
    table = jax.random.normal(k2, (VOCAB, EMBED_DIM), dtype=jnp.float32)
    gamma = jnp.ones((EMBED_DIM,), dtype=jnp.float32)
    beta = jnp.zeros((EMBED_DIM,), dtype=jnp.float32)
    return {"x": x, "table": table, "gamma": gamma, "beta": beta}


def reference(x, table, gamma, beta):
    # nn.Embedding with padding_idx: that row is zero
    table_eff = table.at[PADDING_IDX].set(jnp.zeros((EMBED_DIM,), dtype=table.dtype))
    emb = jnp.take(table_eff, x, axis=0)  # (B, L, D) gather
    # LayerNorm over last dim with affine params
    mean = jnp.mean(emb, axis=-1, keepdims=True)
    var = jnp.mean((emb - mean) ** 2, axis=-1, keepdims=True)
    normed = (emb - mean) / jnp.sqrt(var + EPS)
    out = normed * gamma + beta
    return out

if __name__ == "__main__":
    import jax
    _d = setup_inputs()
    print(jax.jit(kernel)(*tuple(_d.values())))

</pallas_src>

<mosaic_0001>
#map = affine_map<(d0, d1) -> (0, 0)>
#map1 = affine_map<(d0, d1) -> (0)>
module attributes {stable_mosaic.version = 14 : i64} {
  func.func @run(%arg0: i32, %arg1: i32, %arg2: memref<1000000x64xf32, #tpu.memory_space<hbm>>, %arg3: memref<819200xi32, #tpu.memory_space<hbm>>, %arg4: memref<819200x128xf32, #tpu.memory_space<hbm>>, %arg5: memref<512x64xf32, #tpu.memory_space<vmem>>, %arg6: memref<512x64xf32, #tpu.memory_space<vmem>>, %arg7: memref<512xi32, #tpu.memory_space<vmem>>, %arg8: memref<512xi32, #tpu.memory_space<vmem>>, %arg9: memref<!tpu.dma_semaphore, #tpu.memory_space<semaphore_mem>>, %arg10: memref<!tpu.dma_semaphore, #tpu.memory_space<semaphore_mem>>, %arg11: memref<!tpu.dma_semaphore, #tpu.memory_space<semaphore_mem>>, %arg12: memref<!tpu.dma_semaphore, #tpu.memory_space<semaphore_mem>>) attributes {dimension_semantics = [#tpu.dimension_semantics<core_parallel>, #tpu.dimension_semantics<subcore_parallel>], iteration_bounds = array<i64: 2, 16>, scalar_prefetch = 0 : i64, scratch_operands = 8 : i64, tpu.core_type = #tpu.core_type<sc_vector_subcore>, window_params = [{transform_indices = #map}, {transform_indices = #map1}, {transform_indices = #map}]} {
    %mul3A = arith.constant 2 : i32
    %mul3A_0 = arith.muli %arg1, %mul3A : i32
    %add3A = arith.addi %mul3A_0, %arg0 : i32
    %mul3A_1 = arith.constant 25600 : i32
    %mul3A_2 = arith.muli %add3A, %mul3A_1 : i32
    %add3A_3 = arith.constant 0 : i32
    %add3A_4 = arith.addi %mul3A_2, %add3A_3 : i32
    "tpu.region"() ({
      %run_scoped3A = tpu.sem_alloc : memref<!tpu.dma_semaphore, #tpu.memory_space<semaphore_mem>>
      %dma_start3A_45 = tpu.memref_slice %arg3[%add3A_4] : memref<819200xi32, #tpu.memory_space<hbm>> -> memref<512xi32, #tpu.memory_space<hbm>>
      %dma_start3A_46 = tpu.memref_slice %arg3[%add3A_4] : memref<819200xi32, #tpu.memory_space<hbm>> -> memref<512xi32, #tpu.memory_space<hbm>>
      tpu.enqueue_dma source(%dma_start3A_46 : memref<512xi32, #tpu.memory_space<hbm>>) target(%arg7 : memref<512xi32, #tpu.memory_space<vmem>>) target_semaphore(%run_scoped3A : memref<!tpu.dma_semaphore, #tpu.memory_space<semaphore_mem>>)
      %dma_wait3A_47 = tpu.memref_slice %arg3[%add3A_4] : memref<819200xi32, #tpu.memory_space<hbm>> -> memref<512xi32, #tpu.memory_space<hbm>>
      %dma_wait3A_48 = tpu.memref_slice %arg3[%add3A_4] : memref<819200xi32, #tpu.memory_space<hbm>> -> memref<512xi32, #tpu.memory_space<hbm>>
      tpu.wait_dma2 semaphore(%run_scoped3A : memref<!tpu.dma_semaphore, #tpu.memory_space<semaphore_mem>>) src(%dma_wait3A_48 : memref<512xi32, #tpu.memory_space<hbm>>) dst(%arg7 : memref<512xi32, #tpu.memory_space<vmem>>)
      tpu.yield
    }) : () -> ()
    %dma_start3A = arith.constant 0 : i32
    %dma_start3A_5 = arith.constant 0 : i32
    %dma_start3A_6 = tpu.memref_slice %arg5[%dma_start3A, %dma_start3A_5] : memref<512x64xf32, #tpu.memory_space<vmem>> -> memref<128x64xf32, #tpu.memory_space<vmem>>
    %dma_start3A_7 = arith.constant 0 : i32
    %dma_start3A_8 = tpu.memref_slice %arg7[%dma_start3A_7] : memref<512xi32, #tpu.memory_space<vmem>> -> memref<128xi32, #tpu.memory_space<vmem>>
    %dma_start3A_9 = arith.constant 0 : i32
    %dma_start3A_10 = arith.constant 0 : i32
    %dma_start3A_11 = tpu.memref_slice %arg2[%dma_start3A_9, %dma_start3A_10] : memref<1000000x64xf32, #tpu.memory_space<hbm>> -> memref<1000000x64xf32, #tpu.memory_space<hbm>>
    tpu.enqueue_indirect_dma source(%dma_start3A_11 : memref<1000000x64xf32, #tpu.memory_space<hbm>>) target(%dma_start3A_6 : memref<128x64xf32, #tpu.memory_space<vmem>>) offsets(%dma_start3A_8 : memref<128xi32, #tpu.memory_space<vmem>>) semaphore(%arg9 : memref<!tpu.dma_semaphore, #tpu.memory_space<semaphore_mem>>)
    %dma_start3A_12 = arith.constant 128 : i32
    %dma_start3A_13 = arith.constant 0 : i32
    %dma_start3A_14 = tpu.memref_slice %arg5[%dma_start3A_12, %dma_start3A_13] : memref<512x64xf32, #tpu.memory_space<vmem>> -> memref<128x64xf32, #tpu.memory_space<vmem>>
    %dma_start3A_15 = arith.constant 128 : i32
    %dma_start3A_16 = tpu.memref_slice %arg7[%dma_start3A_15] : memref<512xi32, #tpu.memory_space<vmem>> -> memref<128xi32, #tpu.memory_space<vmem>>
    %dma_start3A_17 = arith.constant 0 : i32
    %dma_start3A_18 = arith.constant 0 : i32
    %dma_start3A_19 = tpu.memref_slice %arg2[%dma_start3A_17, %dma_start3A_18] : memref<1000000x64xf32, #tpu.memory_space<hbm>> -> memref<1000000x64xf32, #tpu.memory_space<hbm>>
    tpu.enqueue_indirect_dma source(%dma_start3A_19 : memref<1000000x64xf32, #tpu.memory_space<hbm>>) target(%dma_start3A_14 : memref<128x64xf32, #tpu.memory_space<vmem>>) offsets(%dma_start3A_16 : memref<128xi32, #tpu.memory_space<vmem>>) semaphore(%arg9 : memref<!tpu.dma_semaphore, #tpu.memory_space<semaphore_mem>>)
    %dma_start3A_20 = arith.constant 256 : i32
    %dma_start3A_21 = arith.constant 0 : i32
    %dma_start3A_22 = tpu.memref_slice %arg5[%dma_start3A_20, %dma_start3A_21] : memref<512x64xf32, #tpu.memory_space<vmem>> -> memref<128x64xf32, #tpu.memory_space<vmem>>
    %dma_start3A_23 = arith.constant 256 : i32
    %dma_start3A_24 = tpu.memref_slice %arg7[%dma_start3A_23] : memref<512xi32, #tpu.memory_space<vmem>> -> memref<128xi32, #tpu.memory_space<vmem>>
    %dma_start3A_25 = arith.constant 0 : i32
    %dma_start3A_26 = arith.constant 0 : i32
    %dma_start3A_27 = tpu.memref_slice %arg2[%dma_start3A_25, %dma_start3A_26] : memref<1000000x64xf32, #tpu.memory_space<hbm>> -> memref<1000000x64xf32, #tpu.memory_space<hbm>>
    tpu.enqueue_indirect_dma source(%dma_start3A_27 : memref<1000000x64xf32, #tpu.memory_space<hbm>>) target(%dma_start3A_22 : memref<128x64xf32, #tpu.memory_space<vmem>>) offsets(%dma_start3A_24 : memref<128xi32, #tpu.memory_space<vmem>>) semaphore(%arg9 : memref<!tpu.dma_semaphore, #tpu.memory_space<semaphore_mem>>)
    %dma_start3A_28 = arith.constant 384 : i32
    %dma_start3A_29 = arith.constant 0 : i32
    %dma_start3A_30 = tpu.memref_slice %arg5[%dma_start3A_28, %dma_start3A_29] : memref<512x64xf32, #tpu.memory_space<vmem>> -> memref<128x64xf32, #tpu.memory_space<vmem>>
    %dma_start3A_31 = arith.constant 384 : i32
    %dma_start3A_32 = tpu.memref_slice %arg7[%dma_start3A_31] : memref<512xi32, #tpu.memory_space<vmem>> -> memref<128xi32, #tpu.memory_space<vmem>>
    %dma_start3A_33 = arith.constant 0 : i32
    %dma_start3A_34 = arith.constant 0 : i32
    %dma_start3A_35 = tpu.memref_slice %arg2[%dma_start3A_33, %dma_start3A_34] : memref<1000000x64xf32, #tpu.memory_space<hbm>> -> memref<1000000x64xf32, #tpu.memory_space<hbm>>
    tpu.enqueue_indirect_dma source(%dma_start3A_35 : memref<1000000x64xf32, #tpu.memory_space<hbm>>) target(%dma_start3A_30 : memref<128x64xf32, #tpu.memory_space<vmem>>) offsets(%dma_start3A_32 : memref<128xi32, #tpu.memory_space<vmem>>) semaphore(%arg9 : memref<!tpu.dma_semaphore, #tpu.memory_space<semaphore_mem>>)
    %scan3A = arith.constant 0 : i32
    %scan3A_36 = arith.constant 25 : i32
    %scan3A_37 = arith.addi %scan3A, %scan3A_36 : i32
    %scan3A_38 = arith.constant 1 : i32
    scf.for %scan3A_45 = %scan3A to %scan3A_37 step %scan3A_38  : i32 {
      %mul3A_46 = arith.constant 2 : i32
      %mul3A_47 = arith.muli %scan3A_45, %mul3A_46 : i32
      %add3A_48 = arith.constant 0 : i32
      %add3A_49 = arith.addi %add3A_48, %mul3A_47 : i32
      %add3A_50 = arith.constant 0 : i32
      %add3A_51 = arith.addi %add3A_49, %add3A_50 : i32
      %ge3A = arith.constant 1 : i32
      %ge3A_52 = arith.cmpi sge, %add3A_51, %ge3A : i32
      %convert_element_type3A = arith.extui %ge3A_52 : i1 to i32
      %cond3A = arith.constant 0 : i32
      %cond3A_53 = arith.cmpi ne, %convert_element_type3A, %cond3A : i32
      scf.if %cond3A_53 {
        %dma_wait3A_158 = arith.constant 0 : i32
        %dma_wait3A_159 = arith.constant 0 : i32
        %dma_wait3A_160 = tpu.memref_slice %arg4[%dma_wait3A_158, %dma_wait3A_159] : memref<819200x128xf32, #tpu.memory_space<hbm>> -> memref<512x64xf32, #tpu.memory_space<hbm>>
        %dma_wait3A_161 = arith.constant 0 : i32
        %dma_wait3A_162 = arith.constant 0 : i32
        %dma_wait3A_163 = tpu.memref_slice %arg4[%dma_wait3A_161, %dma_wait3A_162] : memref<819200x128xf32, #tpu.memory_space<hbm>> -> memref<512x64xf32, #tpu.memory_space<hbm>>
        tpu.wait_dma2 semaphore(%arg12 : memref<!tpu.dma_semaphore, #tpu.memory_space<semaphore_mem>>) src(%arg6 : memref<512x64xf32, #tpu.memory_space<vmem>>) dst(%dma_wait3A_163 : memref<512x64xf32, #tpu.memory_space<hbm>>)
      } else {
      }
      %lt3A = arith.constant 49 : i32
      %lt3A_54 = arith.cmpi slt, %add3A_51, %lt3A : i32
      %convert_element_type3A_55 = arith.extui %lt3A_54 : i1 to i32
      %cond3A_56 = arith.constant 0 : i32
      %cond3A_57 = arith.cmpi ne, %convert_element_type3A_55, %cond3A_56 : i32
      scf.if %cond3A_57 {
        %add3A_158 = arith.constant 1 : i32
        %add3A_159 = arith.addi %add3A_51, %add3A_158 : i32
        %mul3A_160 = arith.constant 512 : i32
        %mul3A_161 = arith.muli %add3A_159, %mul3A_160 : i32
        %add3A_162 = arith.addi %mul3A_2, %mul3A_161 : i32
        "tpu.region"() ({
          %run_scoped3A = tpu.sem_alloc : memref<!tpu.dma_semaphore, #tpu.memory_space<semaphore_mem>>
          %dma_start3A_195 = tpu.memref_slice %arg3[%add3A_162] : memref<819200xi32, #tpu.memory_space<hbm>> -> memref<512xi32, #tpu.memory_space<hbm>>
          %dma_start3A_196 = tpu.memref_slice %arg3[%add3A_162] : memref<819200xi32, #tpu.memory_space<hbm>> -> memref<512xi32, #tpu.memory_space<hbm>>
          tpu.enqueue_dma source(%dma_start3A_196 : memref<512xi32, #tpu.memory_space<hbm>>) target(%arg8 : memref<512xi32, #tpu.memory_space<vmem>>) target_semaphore(%run_scoped3A : memref<!tpu.dma_semaphore, #tpu.memory_space<semaphore_mem>>)
          %dma_wait3A_197 = tpu.memref_slice %arg3[%add3A_162] : memref<819200xi32, #tpu.memory_space<hbm>> -> memref<512xi32, #tpu.memory_space<hbm>>
          %dma_wait3A_198 = tpu.memref_slice %arg3[%add3A_162] : memref<819200xi32, #tpu.memory_space<hbm>> -> memref<512xi32, #tpu.memory_space<hbm>>
          tpu.wait_dma2 semaphore(%run_scoped3A : memref<!tpu.dma_semaphore, #tpu.memory_space<semaphore_mem>>) src(%dma_wait3A_198 : memref<512xi32, #tpu.memory_space<hbm>>) dst(%arg8 : memref<512xi32, #tpu.memory_space<vmem>>)
          tpu.yield
        }) : () -> ()
        %dma_start3A_163 = arith.constant 0 : i32
        %dma_start3A_164 = arith.constant 0 : i32
        %dma_start3A_165 = tpu.memref_slice %arg6[%dma_start3A_163, %dma_start3A_164] : memref<512x64xf32, #tpu.memory_space<vmem>> -> memref<128x64xf32, #tpu.memory_space<vmem>>
        %dma_start3A_166 = arith.constant 0 : i32
        %dma_start3A_167 = tpu.memref_slice %arg8[%dma_start3A_166] : memref<512xi32, #tpu.memory_space<vmem>> -> memref<128xi32, #tpu.memory_space<vmem>>
        %dma_start3A_168 = arith.constant 0 : i32
        %dma_start3A_169 = arith.constant 0 : i32
        %dma_start3A_170 = tpu.memref_slice %arg2[%dma_start3A_168, %dma_start3A_169] : memref<1000000x64xf32, #tpu.memory_space<hbm>> -> memref<1000000x64xf32, #tpu.memory_space<hbm>>
        tpu.enqueue_indirect_dma source(%dma_start3A_170 : memref<1000000x64xf32, #tpu.memory_space<hbm>>) target(%dma_start3A_165 : memref<128x64xf32, #tpu.memory_space<vmem>>) offsets(%dma_start3A_167 : memref<128xi32, #tpu.memory_space<vmem>>) semaphore(%arg10 : memref<!tpu.dma_semaphore, #tpu.memory_space<semaphore_mem>>)
        %dma_start3A_171 = arith.constant 128 : i32
        %dma_start3A_172 = arith.constant 0 : i32
        %dma_start3A_173 = tpu.memref_slice %arg6[%dma_start3A_171, %dma_start3A_172] : memref<512x64xf32, #tpu.memory_space<vmem>> -> memref<128x64xf32, #tpu.memory_space<vmem>>
        %dma_start3A_174 = arith.constant 128 : i32
        %dma_start3A_175 = tpu.memref_slice %arg8[%dma_start3A_174] : memref<512xi32, #tpu.memory_space<vmem>> -> memref<128xi32, #tpu.memory_space<vmem>>
        %dma_start3A_176 = arith.constant 0 : i32
        %dma_start3A_177 = arith.constant 0 : i32
        %dma_start3A_178 = tpu.memref_slice %arg2[%dma_start3A_176, %dma_start3A_177] : memref<1000000x64xf32, #tpu.memory_space<hbm>> -> memref<1000000x64xf32, #tpu.memory_space<hbm>>
        tpu.enqueue_indirect_dma source(%dma_start3A_178 : memref<1000000x64xf32, #tpu.memory_space<hbm>>) target(%dma_start3A_173 : memref<128x64xf32, #tpu.memory_space<vmem>>) offsets(%dma_start3A_175 : memref<128xi32, #tpu.memory_space<vmem>>) semaphore(%arg10 : memref<!tpu.dma_semaphore, #tpu.memory_space<semaphore_mem>>)
        %dma_start3A_179 = arith.constant 256 : i32
        %dma_start3A_180 = arith.constant 0 : i32
        %dma_start3A_181 = tpu.memref_slice %arg6[%dma_start3A_179, %dma_start3A_180] : memref<512x64xf32, #tpu.memory_space<vmem>> -> memref<128x64xf32, #tpu.memory_space<vmem>>
        %dma_start3A_182 = arith.constant 256 : i32
        %dma_start3A_183 = tpu.memref_slice %arg8[%dma_start3A_182] : memref<512xi32, #tpu.memory_space<vmem>> -> memref<128xi32, #tpu.memory_space<vmem>>
        %dma_start3A_184 = arith.constant 0 : i32
        %dma_start3A_185 = arith.constant 0 : i32
        %dma_start3A_186 = tpu.memref_slice %arg2[%dma_start3A_184, %dma_start3A_185] : memref<1000000x64xf32, #tpu.memory_space<hbm>> -> memref<1000000x64xf32, #tpu.memory_space<hbm>>
        tpu.enqueue_indirect_dma source(%dma_start3A_186 : memref<1000000x64xf32, #tpu.memory_space<hbm>>) target(%dma_start3A_181 : memref<128x64xf32, #tpu.memory_space<vmem>>) offsets(%dma_start3A_183 : memref<128xi32, #tpu.memory_space<vmem>>) semaphore(%arg10 : memref<!tpu.dma_semaphore, #tpu.memory_space<semaphore_mem>>)
        %dma_start3A_187 = arith.constant 384 : i32
        %dma_start3A_188 = arith.constant 0 : i32
        %dma_start3A_189 = tpu.memref_slice %arg6[%dma_start3A_187, %dma_start3A_188] : memref<512x64xf32, #tpu.memory_space<vmem>> -> memref<128x64xf32, #tpu.memory_space<vmem>>
        %dma_start3A_190 = arith.constant 384 : i32
        %dma_start3A_191 = tpu.memref_slice %arg8[%dma_start3A_190] : memref<512xi32, #tpu.memory_space<vmem>> -> memref<128xi32, #tpu.memory_space<vmem>>
        %dma_start3A_192 = arith.constant 0 : i32
        %dma_start3A_193 = arith.constant 0 : i32
        %dma_start3A_194 = tpu.memref_slice %arg2[%dma_start3A_192, %dma_start3A_193] : memref<1000000x64xf32, #tpu.memory_space<hbm>> -> memref<1000000x64xf32, #tpu.memory_space<hbm>>
        tpu.enqueue_indirect_dma source(%dma_start3A_194 : memref<1000000x64xf32, #tpu.memory_space<hbm>>) target(%dma_start3A_189 : memref<128x64xf32, #tpu.memory_space<vmem>>) offsets(%dma_start3A_191 : memref<128xi32, #tpu.memory_space<vmem>>) semaphore(%arg10 : memref<!tpu.dma_semaphore, #tpu.memory_space<semaphore_mem>>)
      } else {
      }
      %dma_wait3A_58 = arith.constant 0 : i32
      %dma_wait3A_59 = arith.constant 0 : i32
      %dma_wait3A_60 = tpu.memref_slice %arg5[%dma_wait3A_58, %dma_wait3A_59] : memref<512x64xf32, #tpu.memory_space<vmem>> -> memref<128x64xf32, #tpu.memory_space<vmem>>
      %dma_wait3A_61 = arith.constant 0 : i32
      %dma_wait3A_62 = tpu.memref_slice %arg7[%dma_wait3A_61] : memref<512xi32, #tpu.memory_space<vmem>> -> memref<128xi32, #tpu.memory_space<vmem>>
      %dma_wait3A_63 = arith.constant 0 : i32
      %dma_wait3A_64 = arith.constant 0 : i32
      %dma_wait3A_65 = tpu.memref_slice %arg2[%dma_wait3A_63, %dma_wait3A_64] : memref<1000000x64xf32, #tpu.memory_space<hbm>> -> memref<1000000x64xf32, #tpu.memory_space<hbm>>
      tpu.wait_indirect_dma semaphore(%arg9 : memref<!tpu.dma_semaphore, #tpu.memory_space<semaphore_mem>>) src(%dma_wait3A_65 : memref<1000000x64xf32, #tpu.memory_space<hbm>>) dst(%dma_wait3A_60 : memref<128x64xf32, #tpu.memory_space<vmem>>)
      %dma_wait3A_66 = arith.constant 128 : i32
      %dma_wait3A_67 = arith.constant 0 : i32
      %dma_wait3A_68 = tpu.memref_slice %arg5[%dma_wait3A_66, %dma_wait3A_67] : memref<512x64xf32, #tpu.memory_space<vmem>> -> memref<128x64xf32, #tpu.memory_space<vmem>>
      %dma_wait3A_69 = arith.constant 128 : i32
      %dma_wait3A_70 = tpu.memref_slice %arg7[%dma_wait3A_69] : memref<512xi32, #tpu.memory_space<vmem>> -> memref<128xi32, #tpu.memory_space<vmem>>
      %dma_wait3A_71 = arith.constant 0 : i32
      %dma_wait3A_72 = arith.constant 0 : i32
      %dma_wait3A_73 = tpu.memref_slice %arg2[%dma_wait3A_71, %dma_wait3A_72] : memref<1000000x64xf32, #tpu.memory_space<hbm>> -> memref<1000000x64xf32, #tpu.memory_space<hbm>>
      tpu.wait_indirect_dma semaphore(%arg9 : memref<!tpu.dma_semaphore, #tpu.memory_space<semaphore_mem>>) src(%dma_wait3A_73 : memref<1000000x64xf32, #tpu.memory_space<hbm>>) dst(%dma_wait3A_68 : memref<128x64xf32, #tpu.memory_space<vmem>>)
      %dma_wait3A_74 = arith.constant 256 : i32
      %dma_wait3A_75 = arith.constant 0 : i32
      %dma_wait3A_76 = tpu.memref_slice %arg5[%dma_wait3A_74, %dma_wait3A_75] : memref<512x64xf32, #tpu.memory_space<vmem>> -> memref<128x64xf32, #tpu.memory_space<vmem>>
      %dma_wait3A_77 = arith.constant 256 : i32
      %dma_wait3A_78 = tpu.memref_slice %arg7[%dma_wait3A_77] : memref<512xi32, #tpu.memory_space<vmem>> -> memref<128xi32, #tpu.memory_space<vmem>>
      %dma_wait3A_79 = arith.constant 0 : i32
      %dma_wait3A_80 = arith.constant 0 : i32
      %dma_wait3A_81 = tpu.memref_slice %arg2[%dma_wait3A_79, %dma_wait3A_80] : memref<1000000x64xf32, #tpu.memory_space<hbm>> -> memref<1000000x64xf32, #tpu.memory_space<hbm>>
      tpu.wait_indirect_dma semaphore(%arg9 : memref<!tpu.dma_semaphore, #tpu.memory_space<semaphore_mem>>) src(%dma_wait3A_81 : memref<1000000x64xf32, #tpu.memory_space<hbm>>) dst(%dma_wait3A_76 : memref<128x64xf32, #tpu.memory_space<vmem>>)
      %dma_wait3A_82 = arith.constant 384 : i32
      %dma_wait3A_83 = arith.constant 0 : i32
      %dma_wait3A_84 = tpu.memref_slice %arg5[%dma_wait3A_82, %dma_wait3A_83] : memref<512x64xf32, #tpu.memory_space<vmem>> -> memref<128x64xf32, #tpu.memory_space<vmem>>
      %dma_wait3A_85 = arith.constant 384 : i32
      %dma_wait3A_86 = tpu.memref_slice %arg7[%dma_wait3A_85] : memref<512xi32, #tpu.memory_space<vmem>> -> memref<128xi32, #tpu.memory_space<vmem>>
      %dma_wait3A_87 = arith.constant 0 : i32
      %dma_wait3A_88 = arith.constant 0 : i32
      %dma_wait3A_89 = tpu.memref_slice %arg2[%dma_wait3A_87, %dma_wait3A_88] : memref<1000000x64xf32, #tpu.memory_space<hbm>> -> memref<1000000x64xf32, #tpu.memory_space<hbm>>
      tpu.wait_indirect_dma semaphore(%arg9 : memref<!tpu.dma_semaphore, #tpu.memory_space<semaphore_mem>>) src(%dma_wait3A_89 : memref<1000000x64xf32, #tpu.memory_space<hbm>>) dst(%dma_wait3A_84 : memref<128x64xf32, #tpu.memory_space<vmem>>)
      %scan3A_90 = arith.constant 0 : i32
      %scan3A_91 = arith.constant 32 : i32
      %scan3A_92 = arith.addi %scan3A_90, %scan3A_91 : i32
      %scan3A_93 = arith.constant 1 : i32
      scf.for %scan3A_158 = %scan3A_90 to %scan3A_92 step %scan3A_93  : i32 {
        %mul3A_159 = arith.constant 1 : i32
        %mul3A_160 = arith.muli %scan3A_158, %mul3A_159 : i32
        %add3A_161 = arith.constant 0 : i32
        %add3A_162 = arith.addi %add3A_161, %mul3A_160 : i32
        %mul3A_163 = arith.constant 16 : i32
        %mul3A_164 = arith.muli %mul3A_163, %add3A_162 : i32
        %get3A = arith.index_cast %mul3A_164 : i32 to index
        %get3A_165 = tpu.vector_load %arg7[%get3A] {strides = array<i32>} : memref<512xi32, #tpu.memory_space<vmem>>, vector<16xi32>,
        %eq3A = arith.constant 0 : i32
        %eq3A_166 = vector.broadcast %eq3A : i32 to vector<16xi32>
        %eq3A_167 = arith.cmpi eq, %get3A_165, %eq3A_166 : vector<16xi32>
        %reduce_or3A = arith.constant 1.000000e+00 : f32
        %reduce_or3A_168 = arith.constant 0.000000e+00 : f32
        %reduce_or3A_169 = vector.broadcast %reduce_or3A : f32 to vector<16xf32>
        %reduce_or3A_170 = vector.broadcast %reduce_or3A_168 : f32 to vector<16xf32>
        %reduce_or3A_171 = arith.select %eq3A_167, %reduce_or3A_169, %reduce_or3A_170 : vector<16xi1>, vector<16xf32>
        %reduce_or3A_172 = arith.constant true
        %reduce_or3A_173 = vector.broadcast %reduce_or3A_172 : i1 to vector<16xi1>
        %reduce_or3A_174 = tpu.scan <max>, %reduce_or3A_171 masked %reduce_or3A_173 : vector<16xf32>, vector<16xi1> -> vector<16xf32>
        %reduce_or3A_175 = vector.extract %reduce_or3A_174[15] : f32 from vector<16xf32>
        %reduce_or3A_176 = arith.constant 0.000000e+00 : f32
        %reduce_or3A_177 = arith.cmpf ogt, %reduce_or3A_175, %reduce_or3A_176 : f32
        %convert_element_type3A_178 = arith.extui %reduce_or3A_177 : i1 to i32
        %cond3A_179 = arith.constant 0 : i32
        %cond3A_180 = arith.cmpi ne, %convert_element_type3A_178, %cond3A_179 : i32
        scf.if %cond3A_180 {
          %ne3A = arith.constant 0 : i32
          %ne3A_181 = vector.broadcast %ne3A : i32 to vector<16xi32>
          %ne3A_182 = arith.cmpi ne, %get3A_165, %ne3A_181 : vector<16xi32>
          %jit3A = arith.constant 1.000000e+00 : f32
          %jit3A_183 = arith.constant 0.000000e+00 : f32
          %broadcast_in_dim3A = vector.broadcast %jit3A : f32 to vector<16xf32>
          %broadcast_in_dim3A_184 = vector.broadcast %jit3A_183 : f32 to vector<16xf32>
          %select_n3A = arith.select %ne3A_182, %broadcast_in_dim3A, %broadcast_in_dim3A_184 : vector<16xi1>, vector<16xf32>
          %mul3A_185 = arith.constant 16 : i32
          %mul3A_186 = arith.muli %mul3A_185, %add3A_162 : i32
          %add3A_187 = arith.constant 0 : i32
          %add3A_188 = arith.addi %mul3A_186, %add3A_187 : i32
          %slice3A = vector.extract_strided_slice %select_n3A {offsets = [0], sizes = [1], strides = [1]} : vector<16xf32> to vector<1xf32>
          %squeeze3A = vector.extract %slice3A[0] : f32 from vector<1xf32>
          %broadcast_in_dim3A_189 = vector.broadcast %squeeze3A : f32 to vector<16xf32>
          %get3A_190 = arith.index_cast %add3A_188 : i32 to index
          %get3A_191 = arith.constant 0 : index
          %get3A_192 = tpu.vector_load %arg5[%get3A_190, %get3A_191] {strides = array<i32>} : memref<512x64xf32, #tpu.memory_space<vmem>>, vector<16xf32>,
          %mul3A_193 = arith.mulf %get3A_192, %broadcast_in_dim3A_189 : vector<16xf32>
          %swap3A = arith.index_cast %add3A_188 : i32 to index
          %swap3A_194 = arith.constant 0 : index
          %swap3A_195 = tpu.vector_load %arg5[%swap3A, %swap3A_194] {strides = array<i32>} : memref<512x64xf32, #tpu.memory_space<vmem>>, vector<16xf32>,
          tpu.vector_store %arg5[%swap3A, %swap3A_194], %mul3A_193 {strides = array<i32>} : memref<512x64xf32, #tpu.memory_space<vmem>>, vector<16xf32>,
          %get3A_196 = arith.index_cast %add3A_188 : i32 to index
          %get3A_197 = arith.constant 16 : index
          %get3A_198 = tpu.vector_load %arg5[%get3A_196, %get3A_197] {strides = array<i32>} : memref<512x64xf32, #tpu.memory_space<vmem>>, vector<16xf32>,
          %mul3A_199 = arith.mulf %get3A_198, %broadcast_in_dim3A_189 : vector<16xf32>
          %swap3A_200 = arith.index_cast %add3A_188 : i32 to index
          %swap3A_201 = arith.constant 16 : index
          %swap3A_202 = tpu.vector_load %arg5[%swap3A_200, %swap3A_201] {strides = array<i32>} : memref<512x64xf32, #tpu.memory_space<vmem>>, vector<16xf32>,
          tpu.vector_store %arg5[%swap3A_200, %swap3A_201], %mul3A_199 {strides = array<i32>} : memref<512x64xf32, #tpu.memory_space<vmem>>, vector<16xf32>,
          %get3A_203 = arith.index_cast %add3A_188 : i32 to index
          %get3A_204 = arith.constant 32 : index
          %get3A_205 = tpu.vector_load %arg5[%get3A_203, %get3A_204] {strides = array<i32>} : memref<512x64xf32, #tpu.memory_space<vmem>>, vector<16xf32>,
          %mul3A_206 = arith.mulf %get3A_205, %broadcast_in_dim3A_189 : vector<16xf32>
          %swap3A_207 = arith.index_cast %add3A_188 : i32 to index
          %swap3A_208 = arith.constant 32 : index
          %swap3A_209 = tpu.vector_load %arg5[%swap3A_207, %swap3A_208] {strides = array<i32>} : memref<512x64xf32, #tpu.memory_space<vmem>>, vector<16xf32>,
          tpu.vector_store %arg5[%swap3A_207, %swap3A_208], %mul3A_206 {strides = array<i32>} : memref<512x64xf32, #tpu.memory_space<vmem>>, vector<16xf32>,
          %get3A_210 = arith.index_cast %add3A_188 : i32 to index
          %get3A_211 = arith.constant 48 : index
          %get3A_212 = tpu.vector_load %arg5[%get3A_210, %get3A_211] {strides = array<i32>} : memref<512x64xf32, #tpu.memory_space<vmem>>, vector<16xf32>,
          %mul3A_213 = arith.mulf %get3A_212, %broadcast_in_dim3A_189 : vector<16xf32>
          %swap3A_214 = arith.index_cast %add3A_188 : i32 to index
          %swap3A_215 = arith.constant 48 : index
          %swap3A_216 = tpu.vector_load %arg5[%swap3A_214, %swap3A_215] {strides = array<i32>} : memref<512x64xf32, #tpu.memory_space<vmem>>, vector<16xf32>,
          tpu.vector_store %arg5[%swap3A_214, %swap3A_215], %mul3A_213 {strides = array<i32>} : memref<512x64xf32, #tpu.memory_space<vmem>>, vector<16xf32>,
          %mul3A_217 = arith.constant 16 : i32
          %mul3A_218 = arith.muli %mul3A_217, %add3A_162 : i32
          %add3A_219 = arith.constant 1 : i32
          %add3A_220 = arith.addi %mul3A_218, %add3A_219 : i32
          %slice3A_221 = vector.extract_strided_slice %select_n3A {offsets = [1], sizes = [1], strides = [1]} : vector<16xf32> to vector<1xf32>
          %squeeze3A_222 = vector.extract %slice3A_221[0] : f32 from vector<1xf32>
          %broadcast_in_dim3A_223 = vector.broadcast %squeeze3A_222 : f32 to vector<16xf32>
          %get3A_224 = arith.index_cast %add3A_220 : i32 to index
          %get3A_225 = arith.constant 0 : index
          %get3A_226 = tpu.vector_load %arg5[%get3A_224, %get3A_225] {strides = array<i32>} : memref<512x64xf32, #tpu.memory_space<vmem>>, vector<16xf32>,
          %mul3A_227 = arith.mulf %get3A_226, %broadcast_in_dim3A_223 : vector<16xf32>
          %swap3A_228 = arith.index_cast %add3A_220 : i32 to index
          %swap3A_229 = arith.constant 0 : index
          %swap3A_230 = tpu.vector_load %arg5[%swap3A_228, %swap3A_229] {strides = array<i32>} : memref<512x64xf32, #tpu.memory_space<vmem>>, vector<16xf32>,
          tpu.vector_store %arg5[%swap3A_228, %swap3A_229], %mul3A_227 {strides = array<i32>} : memref<512x64xf32, #tpu.memory_space<vmem>>, vector<16xf32>,
          %get3A_231 = arith.index_cast %add3A_220 : i32 to index
          %get3A_232 = arith.constant 16 : index
          %get3A_233 = tpu.vector_load %arg5[%get3A_231, %get3A_232] {strides = array<i32>} : memref<512x64xf32, #tpu.memory_space<vmem>>, vector<16xf32>,
          %mul3A_234 = arith.mulf %get3A_233, %broadcast_in_dim3A_223 : vector<16xf32>
          %swap3A_235 = arith.index_cast %add3A_220 : i32 to index
          %swap3A_236 = arith.constant 16 : index
          %swap3A_237 = tpu.vector_load %arg5[%swap3A_235, %swap3A_236] {strides = array<i32>} : memref<512x64xf32, #tpu.memory_space<vmem>>, vector<16xf32>,
          tpu.vector_store %arg5[%swap3A_235, %swap3A_236], %mul3A_234 {strides = array<i32>} : memref<512x64xf32, #tpu.memory_space<vmem>>, vector<16xf32>,
          %get3A_238 = arith.index_cast %add3A_220 : i32 to index
          %get3A_239 = arith.constant 32 : index
          %get3A_240 = tpu.vector_load %arg5[%get3A_238, %get3A_239] {strides = array<i32>} : memref<512x64xf32, #tpu.memory_space<vmem>>, vector<16xf32>,
          %mul3A_241 = arith.mulf %get3A_240, %broadcast_in_dim3A_223 : vector<16xf32>
          %swap3A_242 = arith.index_cast %add3A_220 : i32 to index
          %swap3A_243 = arith.constant 32 : index
          %swap3A_244 = tpu.vector_load %arg5[%swap3A_242, %swap3A_243] {strides = array<i32>} : memref<512x64xf32, #tpu.memory_space<vmem>>, vector<16xf32>,
          tpu.vector_store %arg5[%swap3A_242, %swap3A_243], %mul3A_241 {strides = array<i32>} : memref<512x64xf32, #tpu.memory_space<vmem>>, vector<16xf32>,
          %get3A_245 = arith.index_cast %add3A_220 : i32 to index
          %get3A_246 = arith.constant 48 : index
          %get3A_247 = tpu.vector_load %arg5[%get3A_245, %get3A_246] {strides = array<i32>} : memref<512x64xf32, #tpu.memory_space<vmem>>, vector<16xf32>,
          %mul3A_248 = arith.mulf %get3A_247, %broadcast_in_dim3A_223 : vector<16xf32>
          %swap3A_249 = arith.index_cast %add3A_220 : i32 to index
          %swap3A_250 = arith.constant 48 : index
          %swap3A_251 = tpu.vector_load %arg5[%swap3A_249, %swap3A_250] {strides = array<i32>} : memref<512x64xf32, #tpu.memory_space<vmem>>, vector<16xf32>,
          tpu.vector_store %arg5[%swap3A_249, %swap3A_250], %mul3A_248 {strides = array<i32>} : memref<512x64xf32, #tpu.memory_space<vmem>>, vector<16xf32>,
          %mul3A_252 = arith.constant 16 : i32
          %mul3A_253 = arith.muli %mul3A_252, %add3A_162 : i32
          %add3A_254 = arith.constant 2 : i32
          %add3A_255 = arith.addi %mul3A_253, %add3A_254 : i32
          %slice3A_256 = vector.extract_strided_slice %select_n3A {offsets = [2], sizes = [1], strides = [1]} : vector<16xf32> to vector<1xf32>
          %squeeze3A_257 = vector.extract %slice3A_256[0] : f32 from vector<1xf32>
          %broadcast_in_dim3A_258 = vector.broadcast %squeeze3A_257 : f32 to vector<16xf32>
          %get3A_259 = arith.index_cast %add3A_255 : i32 to index
          %get3A_260 = arith.constant 0 : index
          %get3A_261 = tpu.vector_load %arg5[%get3A_259, %get3A_260] {strides = array<i32>} : memref<512x64xf32, #tpu.memory_space<vmem>>, vector<16xf32>,
          %mul3A_262 = arith.mulf %get3A_261, %broadcast_in_dim3A_258 : vector<16xf32>
          %swap3A_263 = arith.index_cast %add3A_255 : i32 to index
          %swap3A_264 = arith.constant 0 : index
          %swap3A_265 = tpu.vector_load %arg5[%swap3A_263, %swap3A_264] {strides = array<i32>} : memref<512x64xf32, #tpu.memory_space<vmem>>, vector<16xf32>,
          tpu.vector_store %arg5[%swap3A_263, %swap3A_264], %mul3A_262 {strides = array<i32>} : memref<512x64xf32, #tpu.memory_space<vmem>>, vector<16xf32>,
          %get3A_266 = arith.index_cast %add3A_255 : i32 to index
          %get3A_267 = arith.constant 16 : index
          %get3A_268 = tpu.vector_load %arg5[%get3A_266, %get3A_267] {strides = array<i32>} : memref<512x64xf32, #tpu.memory_space<vmem>>, vector<16xf32>,
          %mul3A_269 = arith.mulf %get3A_268, %broadcast_in_dim3A_258 : vector<16xf32>
          %swap3A_270 = arith.index_cast %add3A_255 : i32 to index
          %swap3A_271 = arith.constant 16 : index
          %swap3A_272 = tpu.vector_load %arg5[%swap3A_270, %swap3A_271] {strides = array<i32>} : memref<512x64xf32, #tpu.memory_space<vmem>>, vector<16xf32>,
          tpu.vector_store %arg5[%swap3A_270, %swap3A_271], %mul3A_269 {strides = array<i32>} : memref<512x64xf32, #tpu.memory_space<vmem>>, vector<16xf32>,
          %get3A_273 = arith.index_cast %add3A_255 : i32 to index
          %get3A_274 = arith.constant 32 : index
          %get3A_275 = tpu.vector_load %arg5[%get3A_273, %get3A_274] {strides = array<i32>} : memref<512x64xf32, #tpu.memory_space<vmem>>, vector<16xf32>,
          %mul3A_276 = arith.mulf %get3A_275, %broadcast_in_dim3A_258 : vector<16xf32>
          %swap3A_277 = arith.index_cast %add3A_255 : i32 to index
          %swap3A_278 = arith.constant 32 : index
          %swap3A_279 = tpu.vector_load %arg5[%swap3A_277, %swap3A_278] {strides = array<i32>} : memref<512x64xf32, #tpu.memory_space<vmem>>, vector<16xf32>,
          tpu.vector_store %arg5[%swap3A_277, %swap3A_278], %mul3A_276 {strides = array<i32>} : memref<512x64xf32, #tpu.memory_space<vmem>>, vector<16xf32>,
          %get3A_280 = arith.index_cast %add3A_255 : i32 to index
          %get3A_281 = arith.constant 48 : index
          %get3A_282 = tpu.vector_load %arg5[%get3A_280, %get3A_281] {strides = array<i32>} : memref<512x64xf32, #tpu.memory_space<vmem>>, vector<16xf32>,
          %mul3A_283 = arith.mulf %get3A_282, %broadcast_in_dim3A_258 : vector<16xf32>
          %swap3A_284 = arith.index_cast %add3A_255 : i32 to index
          %swap3A_285 = arith.constant 48 : index
          %swap3A_286 = tpu.vector_load %arg5[%swap3A_284, %swap3A_285] {strides = array<i32>} : memref<512x64xf32, #tpu.memory_space<vmem>>, vector<16xf32>,
          tpu.vector_store %arg5[%swap3A_284, %swap3A_285], %mul3A_283 {strides = array<i32>} : memref<512x64xf32, #tpu.memory_space<vmem>>, vector<16xf32>,
          %mul3A_287 = arith.constant 16 : i32
          %mul3A_288 = arith.muli %mul3A_287, %add3A_162 : i32
          %add3A_289 = arith.constant 3 : i32
          %add3A_290 = arith.addi %mul3A_288, %add3A_289 : i32
          %slice3A_291 = vector.extract_strided_slice %select_n3A {offsets = [3], sizes = [1], strides = [1]} : vector<16xf32> to vector<1xf32>
          %squeeze3A_292 = vector.extract %slice3A_291[0] : f32 from vector<1xf32>
          %broadcast_in_dim3A_293 = vector.broadcast %squeeze3A_292 : f32 to vector<16xf32>
          %get3A_294 = arith.index_cast %add3A_290 : i32 to index
          %get3A_295 = arith.constant 0 : index
          %get3A_296 = tpu.vector_load %arg5[%get3A_294, %get3A_295] {strides = array<i32>} : memref<512x64xf32, #tpu.memory_space<vmem>>, vector<16xf32>,
          %mul3A_297 = arith.mulf %get3A_296, %broadcast_in_dim3A_293 : vector<16xf32>
          %swap3A_298 = arith.index_cast %add3A_290 : i32 to index
          %swap3A_299 = arith.constant 0 : index
          %swap3A_300 = tpu.vector_load %arg5[%swap3A_298, %swap3A_299] {strides = array<i32>} : memref<512x64xf32, #tpu.memory_space<vmem>>, vector<16xf32>,
          tpu.vector_store %arg5[%swap3A_298, %swap3A_299], %mul3A_297 {strides = array<i32>} : memref<512x64xf32, #tpu.memory_space<vmem>>, vector<16xf32>,
          %get3A_301 = arith.index_cast %add3A_290 : i32 to index
          %get3A_302 = arith.constant 16 : index
          %get3A_303 = tpu.vector_load %arg5[%get3A_301, %get3A_302] {strides = array<i32>} : memref<512x64xf32, #tpu.memory_space<vmem>>, vector<16xf32>,
          %mul3A_304 = arith.mulf %get3A_303, %broadcast_in_dim3A_293 : vector<16xf32>
          %swap3A_305 = arith.index_cast %add3A_290 : i32 to index
          %swap3A_306 = arith.constant 16 : index
          %swap3A_307 = tpu.vector_load %arg5[%swap3A_305, %swap3A_306] {strides = array<i32>} : memref<512x64xf32, #tpu.memory_space<vmem>>, vector<16xf32>,
          tpu.vector_store %arg5[%swap3A_305, %swap3A_306], %mul3A_304 {strides = array<i32>} : memref<512x64xf32, #tpu.memory_space<vmem>>, vector<16xf32>,
          %get3A_308 = arith.index_cast %add3A_290 : i32 to index
          %get3A_309 = arith.constant 32 : index
          %get3A_310 = tpu.vector_load %arg5[%get3A_308, %get3A_309] {strides = array<i32>} : memref<512x64xf32, #tpu.memory_space<vmem>>, vector<16xf32>,
          %mul3A_311 = arith.mulf %get3A_310, %broadcast_in_dim3A_293 : vector<16xf32>
          %swap3A_312 = arith.index_cast %add3A_290 : i32 to index
          %swap3A_313 = arith.constant 32 : index
          %swap3A_314 = tpu.vector_load %arg5[%swap3A_312, %swap3A_313] {strides = array<i32>} : memref<512x64xf32, #tpu.memory_space<vmem>>, vector<16xf32>,
          tpu.vector_store %arg5[%swap3A_312, %swap3A_313], %mul3A_311 {strides = array<i32>} : memref<512x64xf32, #tpu.memory_space<vmem>>, vector<16xf32>,
          %get3A_315 = arith.index_cast %add3A_290 : i32 to index
          %get3A_316 = arith.constant 48 : index
          %get3A_317 = tpu.vector_load %arg5[%get3A_315, %get3A_316] {strides = array<i32>} : memref<512x64xf32, #tpu.memory_space<vmem>>, vector<16xf32>,
          %mul3A_318 = arith.mulf %get3A_317, %broadcast_in_dim3A_293 : vector<16xf32>
          %swap3A_319 = arith.index_cast %add3A_290 : i32 to index
          %swap3A_320 = arith.constant 48 : index
          %swap3A_321 = tpu.vector_load %arg5[%swap3A_319, %swap3A_320] {strides = array<i32>} : memref<512x64xf32, #tpu.memory_space<vmem>>, vector<16xf32>,
          tpu.vector_store %arg5[%swap3A_319, %swap3A_320], %mul3A_318 {strides = array<i32>} : memref<512x64xf32, #tpu.memory_space<vmem>>, vector<16xf32>,
          %mul3A_322 = arith.constant 16 : i32
          %mul3A_323 = arith.muli %mul3A_322, %add3A_162 : i32
          %add3A_324 = arith.constant 4 : i32
          %add3A_325 = arith.addi %mul3A_323, %add3A_324 : i32
          %slice3A_326 = vector.extract_strided_slice %select_n3A {offsets = [4], sizes = [1], strides = [1]} : vector<16xf32> to vector<1xf32>
          %squeeze3A_327 = vector.extract %slice3A_326[0] : f32 from vector<1xf32>
          %broadcast_in_dim3A_328 = vector.broadcast %squeeze3A_327 : f32 to vector<16xf32>
          %get3A_329 = arith.index_cast %add3A_325 : i32 to index
          %get3A_330 = arith.constant 0 : index
          %get3A_331 = tpu.vector_load %arg5[%get3A_329, %get3A_330] {strides = array<i32>} : memref<512x64xf32, #tpu.memory_space<vmem>>, vector<16xf32>,
          %mul3A_332 = arith.mulf %get3A_331, %broadcast_in_dim3A_328 : vector<16xf32>
          %swap3A_333 = arith.index_cast %add3A_325 : i32 to index
          %swap3A_334 = arith.constant 0 : index
          %swap3A_335 = tpu.vector_load %arg5[%swap3A_333, %swap3A_334] {strides = array<i32>} : memref<512x64xf32, #tpu.memory_space<vmem>>, vector<16xf32>,
          tpu.vector_store %arg5[%swap3A_333, %swap3A_334], %mul3A_332 {strides = array<i32>} : memref<512x64xf32, #tpu.memory_space<vmem>>, vector<16xf32>,
          %get3A_336 = arith.index_cast %add3A_325 : i32 to index
          %get3A_337 = arith.constant 16 : index
          %get3A_338 = tpu.vector_load %arg5[%get3A_336, %get3A_337] {strides = array<i32>} : memref<512x64xf32, #tpu.memory_space<vmem>>, vector<16xf32>,
          %mul3A_339 = arith.mulf %get3A_338, %broadcast_in_dim3A_328 : vector<16xf32>
          %swap3A_340 = arith.index_cast %add3A_325 : i32 to index
          %swap3A_341 = arith.constant 16 : index
          %swap3A_342 = tpu.vector_load %arg5[%swap3A_340, %swap3A_341] {strides = array<i32>} : memref<512x64xf32, #tpu.memory_space<vmem>>, vector<16xf32>,
          tpu.vector_store %arg5[%swap3A_340, %swap3A_341], %mul3A_339 {strides = array<i32>} : memref<512x64xf32, #tpu.memory_space<vmem>>, vector<16xf32>,
          %get3A_343 = arith.index_cast %add3A_325 : i32 to index
          %get3A_344 = arith.constant 32 : index
          %get3A_345 = tpu.vector_load %arg5[%get3A_343, %get3A_344] {strides = array<i32>} : memref<512x64xf32, #tpu.memory_space<vmem>>, vector<16xf32>,
          %mul3A_346 = arith.mulf %get3A_345, %broadcast_in_dim3A_328 : vector<16xf32>
          %swap3A_347 = arith.index_cast %add3A_325 : i32 to index
          %swap3A_348 = arith.constant 32 : index
          %swap3A_349 = tpu.vector_load %arg5[%swap3A_347, %swap3A_348] {strides = array<i32>} : memref<512x64xf32, #tpu.memory_space<vmem>>, vector<16xf32>,
          tpu.vector_store %arg5[%swap3A_347, %swap3A_348], %mul3A_346 {strides = array<i32>} : memref<512x64xf32, #tpu.memory_space<vmem>>, vector<16xf32>,
          %get3A_350 = arith.index_cast %add3A_325 : i32 to index
          %get3A_351 = arith.constant 48 : index
          %get3A_352 = tpu.vector_load %arg5[%get3A_350, %get3A_351] {strides = array<i32>} : memref<512x64xf32, #tpu.memory_space<vmem>>, vector<16xf32>,
          %mul3A_353 = arith.mulf %get3A_352, %broadcast_in_dim3A_328 : vector<16xf32>
          %swap3A_354 = arith.index_cast %add3A_325 : i32 to index
          %swap3A_355 = arith.constant 48 : index
          %swap3A_356 = tpu.vector_load %arg5[%swap3A_354, %swap3A_355] {strides = array<i32>} : memref<512x64xf32, #tpu.memory_space<vmem>>, vector<16xf32>,
          tpu.vector_store %arg5[%swap3A_354, %swap3A_355], %mul3A_353 {strides = array<i32>} : memref<512x64xf32, #tpu.memory_space<vmem>>, vector<16xf32>,
          %mul3A_357 = arith.constant 16 : i32
          %mul3A_358 = arith.muli %mul3A_357, %add3A_162 : i32
          %add3A_359 = arith.constant 5 : i32
          %add3A_360 = arith.addi %mul3A_358, %add3A_359 : i32
          %slice3A_361 = vector.extract_strided_slice %select_n3A {offsets = [5], sizes = [1], strides = [1]} : vector<16xf32> to vector<1xf32>
          %squeeze3A_362 = vector.extract %slice3A_361[0] : f32 from vector<1xf32>
          %broadcast_in_dim3A_363 = vector.broadcast %squeeze3A_362 : f32 to vector<16xf32>
          %get3A_364 = arith.index_cast %add3A_360 : i32 to index
          %get3A_365 = arith.constant 0 : index
          %get3A_366 = tpu.vector_load %arg5[%get3A_364, %get3A_365] {strides = array<i32>} : memref<512x64xf32, #tpu.memory_space<vmem>>, vector<16xf32>,
          %mul3A_367 = arith.mulf %get3A_366, %broadcast_in_dim3A_363 : vector<16xf32>
          %swap3A_368 = arith.index_cast %add3A_360 : i32 to index
          %swap3A_369 = arith.constant 0 : index
          %swap3A_370 = tpu.vector_load %arg5[%swap3A_368, %swap3A_369] {strides = array<i32>} : memref<512x64xf32, #tpu.memory_space<vmem>>, vector<16xf32>,
          tpu.vector_store %arg5[%swap3A_368, %swap3A_369], %mul3A_367 {strides = array<i32>} : memref<512x64xf32, #tpu.memory_space<vmem>>, vector<16xf32>,
          %get3A_371 = arith.index_cast %add3A_360 : i32 to index
          %get3A_372 = arith.constant 16 : index
          %get3A_373 = tpu.vector_load %arg5[%get3A_371, %get3A_372] {strides = array<i32>} : memref<512x64xf32, #tpu.memory_space<vmem>>, vector<16xf32>,
          %mul3A_374 = arith.mulf %get3A_373, %broadcast_in_dim3A_363 : vector<16xf32>
          %swap3A_375 = arith.index_cast %add3A_360 : i32 to index
          %swap3A_376 = arith.constant 16 : index
          %swap3A_377 = tpu.vector_load %arg5[%swap3A_375, %swap3A_376] {strides = array<i32>} : memref<512x64xf32, #tpu.memory_space<vmem>>, vector<16xf32>,
          tpu.vector_store %arg5[%swap3A_375, %swap3A_376], %mul3A_374 {strides = array<i32>} : memref<512x64xf32, #tpu.memory_space<vmem>>, vector<16xf32>,
          %get3A_378 = arith.index_cast %add3A_360 : i32 to index
          %get3A_379 = arith.constant 32 : index
          %get3A_380 = tpu.vector_load %arg5[%get3A_378, %get3A_379] {strides = array<i32>} : memref<512x64xf32, #tpu.memory_space<vmem>>, vector<16xf32>,
          %mul3A_381 = arith.mulf %get3A_380, %broadcast_in_dim3A_363 : vector<16xf32>
          %swap3A_382 = arith.index_cast %add3A_360 : i32 to index
          %swap3A_383 = arith.constant 32 : index
          %swap3A_384 = tpu.vector_load %arg5[%swap3A_382, %swap3A_383] {strides = array<i32>} : memref<512x64xf32, #tpu.memory_space<vmem>>, vector<16xf32>,
          tpu.vector_store %arg5[%swap3A_382, %swap3A_383], %mul3A_381 {strides = array<i32>} : memref<512x64xf32, #tpu.memory_space<vmem>>, vector<16xf32>,
          %get3A_385 = arith.index_cast %add3A_360 : i32 to index
          %get3A_386 = arith.constant 48 : index
          %get3A_387 = tpu.vector_load %arg5[%get3A_385, %get3A_386] {strides = array<i32>} : memref<512x64xf32, #tpu.memory_space<vmem>>, vector<16xf32>,
          %mul3A_388 = arith.mulf %get3A_387, %broadcast_in_dim3A_363 : vector<16xf32>
          %swap3A_389 = arith.index_cast %add3A_360 : i32 to index
          %swap3A_390 = arith.constant 48 : index
          %swap3A_391 = tpu.vector_load %arg5[%swap3A_389, %swap3A_390] {strides = array<i32>} : memref<512x64xf32, #tpu.memory_space<vmem>>, vector<16xf32>,
          tpu.vector_store %arg5[%swap3A_389, %swap3A_390], %mul3A_388 {strides = array<i32>} : memref<512x64xf32, #tpu.memory_space<vmem>>, vector<16xf32>,
          %mul3A_392 = arith.constant 16 : i32
          %mul3A_393 = arith.muli %mul3A_392, %add3A_162 : i32
          %add3A_394 = arith.constant 6 : i32
          %add3A_395 = arith.addi %mul3A_393, %add3A_394 : i32
          %slice3A_396 = vector.extract_strided_slice %select_n3A {offsets = [6], sizes = [1], strides = [1]} : vector<16xf32> to vector<1xf32>
          %squeeze3A_397 = vector.extract %slice3A_396[0] : f32 from vector<1xf32>
          %broadcast_in_dim3A_398 = vector.broadcast %squeeze3A_397 : f32 to vector<16xf32>
          %get3A_399 = arith.index_cast %add3A_395 : i32 to index
          %get3A_400 = arith.constant 0 : index
          %get3A_401 = tpu.vector_load %arg5[%get3A_399, %get3A_400] {strides = array<i32>} : memref<512x64xf32, #tpu.memory_space<vmem>>, vector<16xf32>,
          %mul3A_402 = arith.mulf %get3A_401, %broadcast_in_dim3A_398 : vector<16xf32>
          %swap3A_403 = arith.index_cast %add3A_395 : i32 to index
          %swap3A_404 = arith.constant 0 : index
          %swap3A_405 = tpu.vector_load %arg5[%swap3A_403, %swap3A_404] {strides = array<i32>} : memref<512x64xf32, #tpu.memory_space<vmem>>, vector<16xf32>,
          tpu.vector_store %arg5[%swap3A_403, %swap3A_404], %mul3A_402 {strides = array<i32>} : memref<512x64xf32, #tpu.memory_space<vmem>>, vector<16xf32>,
          %get3A_406 = arith.index_cast %add3A_395 : i32 to index
          %get3A_407 = arith.constant 16 : index
          %get3A_408 = tpu.vector_load %arg5[%get3A_406, %get3A_407] {strides = array<i32>} : memref<512x64xf32, #tpu.memory_space<vmem>>, vector<16xf32>,
          %mul3A_409 = arith.mulf %get3A_408, %broadcast_in_dim3A_398 : vector<16xf32>
          %swap3A_410 = arith.index_cast %add3A_395 : i32 to index
          %swap3A_411 = arith.constant 16 : index
          %swap3A_412 = tpu.vector_load %arg5[%swap3A_410, %swap3A_411] {strides = array<i32>} : memref<512x64xf32, #tpu.memory_space<vmem>>, vector<16xf32>,
          tpu.vector_store %arg5[%swap3A_410, %swap3A_411], %mul3A_409 {strides = array<i32>} : memref<512x64xf32, #tpu.memory_space<vmem>>, vector<16xf32>,
          %get3A_413 = arith.index_cast %add3A_395 : i32 to index
          %get3A_414 = arith.constant 32 : index
          %get3A_415 = tpu.vector_load %arg5[%get3A_413, %get3A_414] {strides = array<i32>} : memref<512x64xf32, #tpu.memory_space<vmem>>, vector<16xf32>,
          %mul3A_416 = arith.mulf %get3A_415, %broadcast_in_dim3A_398 : vector<16xf32>
          %swap3A_417 = arith.index_cast %add3A_395 : i32 to index
          %swap3A_418 = arith.constant 32 : index
          %swap3A_419 = tpu.vector_load %arg5[%swap3A_417, %swap3A_418] {strides = array<i32>} : memref<512x64xf32, #tpu.memory_space<vmem>>, vector<16xf32>,
          tpu.vector_store %arg5[%swap3A_417, %swap3A_418], %mul3A_416 {strides = array<i32>} : memref<512x64xf32, #tpu.memory_space<vmem>>, vector<16xf32>,
          %get3A_420 = arith.index_cast %add3A_395 : i32 to index
          %get3A_421 = arith.constant 48 : index
          %get3A_422 = tpu.vector_load %arg5[%get3A_420, %get3A_421] {strides = array<i32>} : memref<512x64xf32, #tpu.memory_space<vmem>>, vector<16xf32>,
          %mul3A_423 = arith.mulf %get3A_422, %broadcast_in_dim3A_398 : vector<16xf32>
          %swap3A_424 = arith.index_cast %add3A_395 : i32 to index
          %swap3A_425 = arith.constant 48 : index
          %swap3A_426 = tpu.vector_load %arg5[%swap3A_424, %swap3A_425] {strides = array<i32>} : memref<512x64xf32, #tpu.memory_space<vmem>>, vector<16xf32>,
          tpu.vector_store %arg5[%swap3A_424, %swap3A_425], %mul3A_423 {strides = array<i32>} : memref<512x64xf32, #tpu.memory_space<vmem>>, vector<16xf32>,
          %mul3A_427 = arith.constant 16 : i32
          %mul3A_428 = arith.muli %mul3A_427, %add3A_162 : i32
          %add3A_429 = arith.constant 7 : i32
          %add3A_430 = arith.addi %mul3A_428, %add3A_429 : i32
          %slice3A_431 = vector.extract_strided_slice %select_n3A {offsets = [7], sizes = [1], strides = [1]} : vector<16xf32> to vector<1xf32>
          %squeeze3A_432 = vector.extract %slice3A_431[0] : f32 from vector<1xf32>
          %broadcast_in_dim3A_433 = vector.broadcast %squeeze3A_432 : f32 to vector<16xf32>
          %get3A_434 = arith.index_cast %add3A_430 : i32 to index
          %get3A_435 = arith.constant 0 : index
          %get3A_436 = tpu.vector_load %arg5[%get3A_434, %get3A_435] {strides = array<i32>} : memref<512x64xf32, #tpu.memory_space<vmem>>, vector<16xf32>,
          %mul3A_437 = arith.mulf %get3A_436, %broadcast_in_dim3A_433 : vector<16xf32>
          %swap3A_438 = arith.index_cast %add3A_430 : i32 to index
          %swap3A_439 = arith.constant 0 : index
          %swap3A_440 = tpu.vector_load %arg5[%swap3A_438, %swap3A_439] {strides = array<i32>} : memref<512x64xf32, #tpu.memory_space<vmem>>, vector<16xf32>,
          tpu.vector_store %arg5[%swap3A_438, %swap3A_439], %mul3A_437 {strides = array<i32>} : memref<512x64xf32, #tpu.memory_space<vmem>>, vector<16xf32>,
          %get3A_441 = arith.index_cast %add3A_430 : i32 to index
          %get3A_442 = arith.constant 16 : index
          %get3A_443 = tpu.vector_load %arg5[%get3A_441, %get3A_442] {strides = array<i32>} : memref<512x64xf32, #tpu.memory_space<vmem>>, vector<16xf32>,
          %mul3A_444 = arith.mulf %get3A_443, %broadcast_in_dim3A_433 : vector<16xf32>
          %swap3A_445 = arith.index_cast %add3A_430 : i32 to index
          %swap3A_446 = arith.constant 16 : index
          %swap3A_447 = tpu.vector_load %arg5[%swap3A_445, %swap3A_446] {strides = array<i32>} : memref<512x64xf32, #tpu.memory_space<vmem>>, vector<16xf32>,
          tpu.vector_store %arg5[%swap3A_445, %swap3A_446], %mul3A_444 {strides = array<i32>} : memref<512x64xf32, #tpu.memory_space<vmem>>, vector<16xf32>,
          %get3A_448 = arith.index_cast %add3A_430 : i32 to index
          %get3A_449 = arith.constant 32 : index
          %get3A_450 = tpu.vector_load %arg5[%get3A_448, %get3A_449] {strides = array<i32>} : memref<512x64xf32, #tpu.memory_space<vmem>>, vector<16xf32>,
          %mul3A_451 = arith.mulf %get3A_450, %broadcast_in_dim3A_433 : vector<16xf32>
          %swap3A_452 = arith.index_cast %add3A_430 : i32 to index
          %swap3A_453 = arith.constant 32 : index
          %swap3A_454 = tpu.vector_load %arg5[%swap3A_452, %swap3A_453] {strides = array<i32>} : memref<512x64xf32, #tpu.memory_space<vmem>>, vector<16xf32>,
          tpu.vector_store %arg5[%swap3A_452, %swap3A_453], %mul3A_451 {strides = array<i32>} : memref<512x64xf32, #tpu.memory_space<vmem>>, vector<16xf32>,
          %get3A_455 = arith.index_cast %add3A_430 : i32 to index
          %get3A_456 = arith.constant 48 : index
          %get3A_457 = tpu.vector_load %arg5[%get3A_455, %get3A_456] {strides = array<i32>} : memref<512x64xf32, #tpu.memory_space<vmem>>, vector<16xf32>,
          %mul3A_458 = arith.mulf %get3A_457, %broadcast_in_dim3A_433 : vector<16xf32>
          %swap3A_459 = arith.index_cast %add3A_430 : i32 to index
          %swap3A_460 = arith.constant 48 : index
          %swap3A_461 = tpu.vector_load %arg5[%swap3A_459, %swap3A_460] {strides = array<i32>} : memref<512x64xf32, #tpu.memory_space<vmem>>, vector<16xf32>,
          tpu.vector_store %arg5[%swap3A_459, %swap3A_460], %mul3A_458 {strides = array<i32>} : memref<512x64xf32, #tpu.memory_space<vmem>>, vector<16xf32>,
          %mul3A_462 = arith.constant 16 : i32
          %mul3A_463 = arith.muli %mul3A_462, %add3A_162 : i32
          %add3A_464 = arith.constant 8 : i32
          %add3A_465 = arith.addi %mul3A_463, %add3A_464 : i32
          %slice3A_466 = vector.extract_strided_slice %select_n3A {offsets = [8], sizes = [1], strides = [1]} : vector<16xf32> to vector<1xf32>
          %squeeze3A_467 = vector.extract %slice3A_466[0] : f32 from vector<1xf32>
          %broadcast_in_dim3A_468 = vector.broadcast %squeeze3A_467 : f32 to vector<16xf32>
          %get3A_469 = arith.index_cast %add3A_465 : i32 to index
          %get3A_470 = arith.constant 0 : index
          %get3A_471 = tpu.vector_load %arg5[%get3A_469, %get3A_470] {strides = array<i32>} : memref<512x64xf32, #tpu.memory_space<vmem>>, vector<16xf32>,
          %mul3A_472 = arith.mulf %get3A_471, %broadcast_in_dim3A_468 : vector<16xf32>
          %swap3A_473 = arith.index_cast %add3A_465 : i32 to index
          %swap3A_474 = arith.constant 0 : index
          %swap3A_475 = tpu.vector_load %arg5[%swap3A_473, %swap3A_474] {strides = array<i32>} : memref<512x64xf32, #tpu.memory_space<vmem>>, vector<16xf32>,
          tpu.vector_store %arg5[%swap3A_473, %swap3A_474], %mul3A_472 {strides = array<i32>} : memref<512x64xf32, #tpu.memory_space<vmem>>, vector<16xf32>,
          %get3A_476 = arith.index_cast %add3A_465 : i32 to index
          %get3A_477 = arith.constant 16 : index
          %get3A_478 = tpu.vector_load %arg5[%get3A_476, %get3A_477] {strides = array<i32>} : memref<512x64xf32, #tpu.memory_space<vmem>>, vector<16xf32>,
          %mul3A_479 = arith.mulf %get3A_478, %broadcast_in_dim3A_468 : vector<16xf32>
          %swap3A_480 = arith.index_cast %add3A_465 : i32 to index
          %swap3A_481 = arith.constant 16 : index
          %swap3A_482 = tpu.vector_load %arg5[%swap3A_480, %swap3A_481] {strides = array<i32>} : memref<512x64xf32, #tpu.memory_space<vmem>>, vector<16xf32>,
          tpu.vector_store %arg5[%swap3A_480, %swap3A_481], %mul3A_479 {strides = array<i32>} : memref<512x64xf32, #tpu.memory_space<vmem>>, vector<16xf32>,
          %get3A_483 = arith.index_cast %add3A_465 : i32 to index
          %get3A_484 = arith.constant 32 : index
          %get3A_485 = tpu.vector_load %arg5[%get3A_483, %get3A_484] {strides = array<i32>} : memref<512x64xf32, #tpu.memory_space<vmem>>, vector<16xf32>,
          %mul3A_486 = arith.mulf %get3A_485, %broadcast_in_dim3A_468 : vector<16xf32>
          %swap3A_487 = arith.index_cast %add3A_465 : i32 to index
          %swap3A_488 = arith.constant 32 : index
          %swap3A_489 = tpu.vector_load %arg5[%swap3A_487, %swap3A_488] {strides = array<i32>} : memref<512x64xf32, #tpu.memory_space<vmem>>, vector<16xf32>,
          tpu.vector_store %arg5[%swap3A_487, %swap3A_488], %mul3A_486 {strides = array<i32>} : memref<512x64xf32, #tpu.memory_space<vmem>>, vector<16xf32>,
          %get3A_490 = arith.index_cast %add3A_465 : i32 to index
          %get3A_491 = arith.constant 48 : index
          %get3A_492 = tpu.vector_load %arg5[%get3A_490, %get3A_491] {strides = array<i32>} : memref<512x64xf32, #tpu.memory_space<vmem>>, vector<16xf32>,
          %mul3A_493 = arith.mulf %get3A_492, %broadcast_in_dim3A_468 : vector<16xf32>
          %swap3A_494 = arith.index_cast %add3A_465 : i32 to index
          %swap3A_495 = arith.constant 48 : index
          %swap3A_496 = tpu.vector_load %arg5[%swap3A_494, %swap3A_495] {strides = array<i32>} : memref<512x64xf32, #tpu.memory_space<vmem>>, vector<16xf32>,
          tpu.vector_store %arg5[%swap3A_494, %swap3A_495], %mul3A_493 {strides = array<i32>} : memref<512x64xf32, #tpu.memory_space<vmem>>, vector<16xf32>,
          %mul3A_497 = arith.constant 16 : i32
          %mul3A_498 = arith.muli %mul3A_497, %add3A_162 : i32
          %add3A_499 = arith.constant 9 : i32
          %add3A_500 = arith.addi %mul3A_498, %add3A_499 : i32
          %slice3A_501 = vector.extract_strided_slice %select_n3A {offsets = [9], sizes = [1], strides = [1]} : vector<16xf32> to vector<1xf32>
          %squeeze3A_502 = vector.extract %slice3A_501[0] : f32 from vector<1xf32>
          %broadcast_in_dim3A_503 = vector.broadcast %squeeze3A_502 : f32 to vector<16xf32>
          %get3A_504 = arith.index_cast %add3A_500 : i32 to index
          %get3A_505 = arith.constant 0 : index
          %get3A_506 = tpu.vector_load %arg5[%get3A_504, %get3A_505] {strides = array<i32>} : memref<512x64xf32, #tpu.memory_space<vmem>>, vector<16xf32>,
          %mul3A_507 = arith.mulf %get3A_506, %broadcast_in_dim3A_503 : vector<16xf32>
          %swap3A_508 = arith.index_cast %add3A_500 : i32 to index
          %swap3A_509 = arith.constant 0 : index
          %swap3A_510 = tpu.vector_load %arg5[%swap3A_508, %swap3A_509] {strides = array<i32>} : memref<512x64xf32, #tpu.memory_space<vmem>>, vector<16xf32>,
          tpu.vector_store %arg5[%swap3A_508, %swap3A_509], %mul3A_507 {strides = array<i32>} : memref<512x64xf32, #tpu.memory_space<vmem>>, vector<16xf32>,
          %get3A_511 = arith.index_cast %add3A_500 : i32 to index
          %get3A_512 = arith.constant 16 : index
          %get3A_513 = tpu.vector_load %arg5[%get3A_511, %get3A_512] {strides = array<i32>} : memref<512x64xf32, #tpu.memory_space<vmem>>, vector<16xf32>,
          %mul3A_514 = arith.mulf %get3A_513, %broadcast_in_dim3A_503 : vector<16xf32>
          %swap3A_515 = arith.index_cast %add3A_500 : i32 to index
          %swap3A_516 = arith.constant 16 : index
          %swap3A_517 = tpu.vector_load %arg5[%swap3A_515, %swap3A_516] {strides = array<i32>} : memref<512x64xf32, #tpu.memory_space<vmem>>, vector<16xf32>,
          tpu.vector_store %arg5[%swap3A_515, %swap3A_516], %mul3A_514 {strides = array<i32>} : memref<512x64xf32, #tpu.memory_space<vmem>>, vector<16xf32>,
          %get3A_518 = arith.index_cast %add3A_500 : i32 to index
          %get3A_519 = arith.constant 32 : index
          %get3A_520 = tpu.vector_load %arg5[%get3A_518, %get3A_519] {strides = array<i32>} : memref<512x64xf32, #tpu.memory_space<vmem>>, vector<16xf32>,
          %mul3A_521 = arith.mulf %get3A_520, %broadcast_in_dim3A_503 : vector<16xf32>
          %swap3A_522 = arith.index_cast %add3A_500 : i32 to index
          %swap3A_523 = arith.constant 32 : index
          %swap3A_524 = tpu.vector_load %arg5[%swap3A_522, %swap3A_523] {strides = array<i32>} : memref<512x64xf32, #tpu.memory_space<vmem>>, vector<16xf32>,
          tpu.vector_store %arg5[%swap3A_522, %swap3A_523], %mul3A_521 {strides = array<i32>} : memref<512x64xf32, #tpu.memory_space<vmem>>, vector<16xf32>,
          %get3A_525 = arith.index_cast %add3A_500 : i32 to index
          %get3A_526 = arith.constant 48 : index
          %get3A_527 = tpu.vector_load %arg5[%get3A_525, %get3A_526] {strides = array<i32>} : memref<512x64xf32, #tpu.memory_space<vmem>>, vector<16xf32>,
          %mul3A_528 = arith.mulf %get3A_527, %broadcast_in_dim3A_503 : vector<16xf32>
          %swap3A_529 = arith.index_cast %add3A_500 : i32 to index
          %swap3A_530 = arith.constant 48 : index
          %swap3A_531 = tpu.vector_load %arg5[%swap3A_529, %swap3A_530] {strides = array<i32>} : memref<512x64xf32, #tpu.memory_space<vmem>>, vector<16xf32>,
          tpu.vector_store %arg5[%swap3A_529, %swap3A_530], %mul3A_528 {strides = array<i32>} : memref<512x64xf32, #tpu.memory_space<vmem>>, vector<16xf32>,
          %mul3A_532 = arith.constant 16 : i32
          %mul3A_533 = arith.muli %mul3A_532, %add3A_162 : i32
          %add3A_534 = arith.constant 10 : i32
          %add3A_535 = arith.addi %mul3A_533, %add3A_534 : i32
          %slice3A_536 = vector.extract_strided_slice %select_n3A {offsets = [10], sizes = [1], strides = [1]} : vector<16xf32> to vector<1xf32>
          %squeeze3A_537 = vector.extract %slice3A_536[0] : f32 from vector<1xf32>
          %broadcast_in_dim3A_538 = vector.broadcast %squeeze3A_537 : f32 to vector<16xf32>
          %get3A_539 = arith.index_cast %add3A_535 : i32 to index
          %get3A_540 = arith.constant 0 : index
          %get3A_541 = tpu.vector_load %arg5[%get3A_539, %get3A_540] {strides = array<i32>} : memref<512x64xf32, #tpu.memory_space<vmem>>, vector<16xf32>,
          %mul3A_542 = arith.mulf %get3A_541, %broadcast_in_dim3A_538 : vector<16xf32>
          %swap3A_543 = arith.index_cast %add3A_535 : i32 to index
          %swap3A_544 = arith.constant 0 : index
          %swap3A_545 = tpu.vector_load %arg5[%swap3A_543, %swap3A_544] {strides = array<i32>} : memref<512x64xf32, #tpu.memory_space<vmem>>, vector<16xf32>,
          tpu.vector_store %arg5[%swap3A_543, %swap3A_544], %mul3A_542 {strides = array<i32>} : memref<512x64xf32, #tpu.memory_space<vmem>>, vector<16xf32>,
          %get3A_546 = arith.index_cast %add3A_535 : i32 to index
          %get3A_547 = arith.constant 16 : index
          %get3A_548 = tpu.vector_load %arg5[%get3A_546, %get3A_547] {strides = array<i32>} : memref<512x64xf32, #tpu.memory_space<vmem>>, vector<16xf32>,
          %mul3A_549 = arith.mulf %get3A_548, %broadcast_in_dim3A_538 : vector<16xf32>
          %swap3A_550 = arith.index_cast %add3A_535 : i32 to index
          %swap3A_551 = arith.constant 16 : index
          %swap3A_552 = tpu.vector_load %arg5[%swap3A_550, %swap3A_551] {strides = array<i32>} : memref<512x64xf32, #tpu.memory_space<vmem>>, vector<16xf32>,
          tpu.vector_store %arg5[%swap3A_550, %swap3A_551], %mul3A_549 {strides = array<i32>} : memref<512x64xf32, #tpu.memory_space<vmem>>, vector<16xf32>,
          %get3A_553 = arith.index_cast %add3A_535 : i32 to index
          %get3A_554 = arith.constant 32 : index
          %get3A_555 = tpu.vector_load %arg5[%get3A_553, %get3A_554] {strides = array<i32>} : memref<512x64xf32, #tpu.memory_space<vmem>>, vector<16xf32>,
          %mul3A_556 = arith.mulf %get3A_555, %broadcast_in_dim3A_538 : vector<16xf32>
          %swap3A_557 = arith.index_cast %add3A_535 : i32 to index
          %swap3A_558 = arith.constant 32 : index
          %swap3A_559 = tpu.vector_load %arg5[%swap3A_557, %swap3A_558] {strides = array<i32>} : memref<512x64xf32, #tpu.memory_space<vmem>>, vector<16xf32>,
          tpu.vector_store %arg5[%swap3A_557, %swap3A_558], %mul3A_556 {strides = array<i32>} : memref<512x64xf32, #tpu.memory_space<vmem>>, vector<16xf32>,
          %get3A_560 = arith.index_cast %add3A_535 : i32 to index
          %get3A_561 = arith.constant 48 : index
          %get3A_562 = tpu.vector_load %arg5[%get3A_560, %get3A_561] {strides = array<i32>} : memref<512x64xf32, #tpu.memory_space<vmem>>, vector<16xf32>,
          %mul3A_563 = arith.mulf %get3A_562, %broadcast_in_dim3A_538 : vector<16xf32>
          %swap3A_564 = arith.index_cast %add3A_535 : i32 to index
          %swap3A_565 = arith.constant 48 : index
          %swap3A_566 = tpu.vector_load %arg5[%swap3A_564, %swap3A_565] {strides = array<i32>} : memref<512x64xf32, #tpu.memory_space<vmem>>, vector<16xf32>,
          tpu.vector_store %arg5[%swap3A_564, %swap3A_565], %mul3A_563 {strides = array<i32>} : memref<512x64xf32, #tpu.memory_space<vmem>>, vector<16xf32>,
          %mul3A_567 = arith.constant 16 : i32
          %mul3A_568 = arith.muli %mul3A_567, %add3A_162 : i32
          %add3A_569 = arith.constant 11 : i32
          %add3A_570 = arith.addi %mul3A_568, %add3A_569 : i32
          %slice3A_571 = vector.extract_strided_slice %select_n3A {offsets = [11], sizes = [1], strides = [1]} : vector<16xf32> to vector<1xf32>
          %squeeze3A_572 = vector.extract %slice3A_571[0] : f32 from vector<1xf32>
          %broadcast_in_dim3A_573 = vector.broadcast %squeeze3A_572 : f32 to vector<16xf32>
          %get3A_574 = arith.index_cast %add3A_570 : i32 to index
          %get3A_575 = arith.constant 0 : index
          %get3A_576 = tpu.vector_load %arg5[%get3A_574, %get3A_575] {strides = array<i32>} : memref<512x64xf32, #tpu.memory_space<vmem>>, vector<16xf32>,
          %mul3A_577 = arith.mulf %get3A_576, %broadcast_in_dim3A_573 : vector<16xf32>
          %swap3A_578 = arith.index_cast %add3A_570 : i32 to index
          %swap3A_579 = arith.constant 0 : index
          %swap3A_580 = tpu.vector_load %arg5[%swap3A_578, %swap3A_579] {strides = array<i32>} : memref<512x64xf32, #tpu.memory_space<vmem>>, vector<16xf32>,
          tpu.vector_store %arg5[%swap3A_578, %swap3A_579], %mul3A_577 {strides = array<i32>} : memref<512x64xf32, #tpu.memory_space<vmem>>, vector<16xf32>,
          %get3A_581 = arith.index_cast %add3A_570 : i32 to index
          %get3A_582 = arith.constant 16 : index
          %get3A_583 = tpu.vector_load %arg5[%get3A_581, %get3A_582] {strides = array<i32>} : memref<512x64xf32, #tpu.memory_space<vmem>>, vector<16xf32>,
          %mul3A_584 = arith.mulf %get3A_583, %broadcast_in_dim3A_573 : vector<16xf32>
          %swap3A_585 = arith.index_cast %add3A_570 : i32 to index
          %swap3A_586 = arith.constant 16 : index
          %swap3A_587 = tpu.vector_load %arg5[%swap3A_585, %swap3A_586] {strides = array<i32>} : memref<512x64xf32, #tpu.memory_space<vmem>>, vector<16xf32>,
          tpu.vector_store %arg5[%swap3A_585, %swap3A_586], %mul3A_584 {strides = array<i32>} : memref<512x64xf32, #tpu.memory_space<vmem>>, vector<16xf32>,
          %get3A_588 = arith.index_cast %add3A_570 : i32 to index
          %get3A_589 = arith.constant 32 : index
          %get3A_590 = tpu.vector_load %arg5[%get3A_588, %get3A_589] {strides = array<i32>} : memref<512x64xf32, #tpu.memory_space<vmem>>, vector<16xf32>,
          %mul3A_591 = arith.mulf %get3A_590, %broadcast_in_dim3A_573 : vector<16xf32>
          %swap3A_592 = arith.index_cast %add3A_570 : i32 to index
          %swap3A_593 = arith.constant 32 : index
          %swap3A_594 = tpu.vector_load %arg5[%swap3A_592, %swap3A_593] {strides = array<i32>} : memref<512x64xf32, #tpu.memory_space<vmem>>, vector<16xf32>,
          tpu.vector_store %arg5[%swap3A_592, %swap3A_593], %mul3A_591 {strides = array<i32>} : memref<512x64xf32, #tpu.memory_space<vmem>>, vector<16xf32>,
          %get3A_595 = arith.index_cast %add3A_570 : i32 to index
          %get3A_596 = arith.constant 48 : index
          %get3A_597 = tpu.vector_load %arg5[%get3A_595, %get3A_596] {strides = array<i32>} : memref<512x64xf32, #tpu.memory_space<vmem>>, vector<16xf32>,
          %mul3A_598 = arith.mulf %get3A_597, %broadcast_in_dim3A_573 : vector<16xf32>
          %swap3A_599 = arith.index_cast %add3A_570 : i32 to index
          %swap3A_600 = arith.constant 48 : index
          %swap3A_601 = tpu.vector_load %arg5[%swap3A_599, %swap3A_600] {strides = array<i32>} : memref<512x64xf32, #tpu.memory_space<vmem>>, vector<16xf32>,
          tpu.vector_store %arg5[%swap3A_599, %swap3A_600], %mul3A_598 {strides = array<i32>} : memref<512x64xf32, #tpu.memory_space<vmem>>, vector<16xf32>,
          %mul3A_602 = arith.constant 16 : i32
          %mul3A_603 = arith.muli %mul3A_602, %add3A_162 : i32
          %add3A_604 = arith.constant 12 : i32
          %add3A_605 = arith.addi %mul3A_603, %add3A_604 : i32
          %slice3A_606 = vector.extract_strided_slice %select_n3A {offsets = [12], sizes = [1], strides = [1]} : vector<16xf32> to vector<1xf32>
          %squeeze3A_607 = vector.extract %slice3A_606[0] : f32 from vector<1xf32>
          %broadcast_in_dim3A_608 = vector.broadcast %squeeze3A_607 : f32 to vector<16xf32>
          %get3A_609 = arith.index_cast %add3A_605 : i32 to index
          %get3A_610 = arith.constant 0 : index
          %get3A_611 = tpu.vector_load %arg5[%get3A_609, %get3A_610] {strides = array<i32>} : memref<512x64xf32, #tpu.memory_space<vmem>>, vector<16xf32>,
          %mul3A_612 = arith.mulf %get3A_611, %broadcast_in_dim3A_608 : vector<16xf32>
          %swap3A_613 = arith.index_cast %add3A_605 : i32 to index
          %swap3A_614 = arith.constant 0 : index
          %swap3A_615 = tpu.vector_load %arg5[%swap3A_613, %swap3A_614] {strides = array<i32>} : memref<512x64xf32, #tpu.memory_space<vmem>>, vector<16xf32>,
          tpu.vector_store %arg5[%swap3A_613, %swap3A_614], %mul3A_612 {strides = array<i32>} : memref<512x64xf32, #tpu.memory_space<vmem>>, vector<16xf32>,
          %get3A_616 = arith.index_cast %add3A_605 : i32 to index
          %get3A_617 = arith.constant 16 : index
          %get3A_618 = tpu.vector_load %arg5[%get3A_616, %get3A_617] {strides = array<i32>} : memref<512x64xf32, #tpu.memory_space<vmem>>, vector<16xf32>,
          %mul3A_619 = arith.mulf %get3A_618, %broadcast_in_dim3A_608 : vector<16xf32>
          %swap3A_620 = arith.index_cast %add3A_605 : i32 to index
          %swap3A_621 = arith.constant 16 : index
          %swap3A_622 = tpu.vector_load %arg5[%swap3A_620, %swap3A_621] {strides = array<i32>} : memref<512x64xf32, #tpu.memory_space<vmem>>, vector<16xf32>,
          tpu.vector_store %arg5[%swap3A_620, %swap3A_621], %mul3A_619 {strides = array<i32>} : memref<512x64xf32, #tpu.memory_space<vmem>>, vector<16xf32>,
          %get3A_623 = arith.index_cast %add3A_605 : i32 to index
          %get3A_624 = arith.constant 32 : index
          %get3A_625 = tpu.vector_load %arg5[%get3A_623, %get3A_624] {strides = array<i32>} : memref<512x64xf32, #tpu.memory_space<vmem>>, vector<16xf32>,
          %mul3A_626 = arith.mulf %get3A_625, %broadcast_in_dim3A_608 : vector<16xf32>
          %swap3A_627 = arith.index_cast %add3A_605 : i32 to index
          %swap3A_628 = arith.constant 32 : index
          %swap3A_629 = tpu.vector_load %arg5[%swap3A_627, %swap3A_628] {strides = array<i32>} : memref<512x64xf32, #tpu.memory_space<vmem>>, vector<16xf32>,
          tpu.vector_store %arg5[%swap3A_627, %swap3A_628], %mul3A_626 {strides = array<i32>} : memref<512x64xf32, #tpu.memory_space<vmem>>, vector<16xf32>,
          %get3A_630 = arith.index_cast %add3A_605 : i32 to index
          %get3A_631 = arith.constant 48 : index
          %get3A_632 = tpu.vector_load %arg5[%get3A_630, %get3A_631] {strides = array<i32>} : memref<512x64xf32, #tpu.memory_space<vmem>>, vector<16xf32>,
          %mul3A_633 = arith.mulf %get3A_632, %broadcast_in_dim3A_608 : vector<16xf32>
          %swap3A_634 = arith.index_cast %add3A_605 : i32 to index
          %swap3A_635 = arith.constant 48 : index
          %swap3A_636 = tpu.vector_load %arg5[%swap3A_634, %swap3A_635] {strides = array<i32>} : memref<512x64xf32, #tpu.memory_space<vmem>>, vector<16xf32>,
          tpu.vector_store %arg5[%swap3A_634, %swap3A_635], %mul3A_633 {strides = array<i32>} : memref<512x64xf32, #tpu.memory_space<vmem>>, vector<16xf32>,
          %mul3A_637 = arith.constant 16 : i32
          %mul3A_638 = arith.muli %mul3A_637, %add3A_162 : i32
          %add3A_639 = arith.constant 13 : i32
          %add3A_640 = arith.addi %mul3A_638, %add3A_639 : i32
          %slice3A_641 = vector.extract_strided_slice %select_n3A {offsets = [13], sizes = [1], strides = [1]} : vector<16xf32> to vector<1xf32>
          %squeeze3A_642 = vector.extract %slice3A_641[0] : f32 from vector<1xf32>
          %broadcast_in_dim3A_643 = vector.broadcast %squeeze3A_642 : f32 to vector<16xf32>
          %get3A_644 = arith.index_cast %add3A_640 : i32 to index
          %get3A_645 = arith.constant 0 : index
          %get3A_646 = tpu.vector_load %arg5[%get3A_644, %get3A_645] {strides = array<i32>} : memref<512x64xf32, #tpu.memory_space<vmem>>, vector<16xf32>,
          %mul3A_647 = arith.mulf %get3A_646, %broadcast_in_dim3A_643 : vector<16xf32>
          %swap3A_648 = arith.index_cast %add3A_640 : i32 to index
          %swap3A_649 = arith.constant 0 : index
          %swap3A_650 = tpu.vector_load %arg5[%swap3A_648, %swap3A_649] {strides = array<i32>} : memref<512x64xf32, #tpu.memory_space<vmem>>, vector<16xf32>,
          tpu.vector_store %arg5[%swap3A_648, %swap3A_649], %mul3A_647 {strides = array<i32>} : memref<512x64xf32, #tpu.memory_space<vmem>>, vector<16xf32>,
          %get3A_651 = arith.index_cast %add3A_640 : i32 to index
          %get3A_652 = arith.constant 16 : index
          %get3A_653 = tpu.vector_load %arg5[%get3A_651, %get3A_652] {strides = array<i32>} : memref<512x64xf32, #tpu.memory_space<vmem>>, vector<16xf32>,
          %mul3A_654 = arith.mulf %get3A_653, %broadcast_in_dim3A_643 : vector<16xf32>
          %swap3A_655 = arith.index_cast %add3A_640 : i32 to index
          %swap3A_656 = arith.constant 16 : index
          %swap3A_657 = tpu.vector_load %arg5[%swap3A_655, %swap3A_656] {strides = array<i32>} : memref<512x64xf32, #tpu.memory_space<vmem>>, vector<16xf32>,
          tpu.vector_store %arg5[%swap3A_655, %swap3A_656], %mul3A_654 {strides = array<i32>} : memref<512x64xf32, #tpu.memory_space<vmem>>, vector<16xf32>,
          %get3A_658 = arith.index_cast %add3A_640 : i32 to index
          %get3A_659 = arith.constant 32 : index
          %get3A_660 = tpu.vector_load %arg5[%get3A_658, %get3A_659] {strides = array<i32>} : memref<512x64xf32, #tpu.memory_space<vmem>>, vector<16xf32>,
          %mul3A_661 = arith.mulf %get3A_660, %broadcast_in_dim3A_643 : vector<16xf32>
          %swap3A_662 = arith.index_cast %add3A_640 : i32 to index
          %swap3A_663 = arith.constant 32 : index
          %swap3A_664 = tpu.vector_load %arg5[%swap3A_662, %swap3A_663] {strides = array<i32>} : memref<512x64xf32, #tpu.memory_space<vmem>>, vector<16xf32>,
          tpu.vector_store %arg5[%swap3A_662, %swap3A_663], %mul3A_661 {strides = array<i32>} : memref<512x64xf32, #tpu.memory_space<vmem>>, vector<16xf32>,
          %get3A_665 = arith.index_cast %add3A_640 : i32 to index
          %get3A_666 = arith.constant 48 : index
          %get3A_667 = tpu.vector_load %arg5[%get3A_665, %get3A_666] {strides = array<i32>} : memref<512x64xf32, #tpu.memory_space<vmem>>, vector<16xf32>,
          %mul3A_668 = arith.mulf %get3A_667, %broadcast_in_dim3A_643 : vector<16xf32>
          %swap3A_669 = arith.index_cast %add3A_640 : i32 to index
          %swap3A_670 = arith.constant 48 : index
          %swap3A_671 = tpu.vector_load %arg5[%swap3A_669, %swap3A_670] {strides = array<i32>} : memref<512x64xf32, #tpu.memory_space<vmem>>, vector<16xf32>,
          tpu.vector_store %arg5[%swap3A_669, %swap3A_670], %mul3A_668 {strides = array<i32>} : memref<512x64xf32, #tpu.memory_space<vmem>>, vector<16xf32>,
          %mul3A_672 = arith.constant 16 : i32
          %mul3A_673 = arith.muli %mul3A_672, %add3A_162 : i32
          %add3A_674 = arith.constant 14 : i32
          %add3A_675 = arith.addi %mul3A_673, %add3A_674 : i32
          %slice3A_676 = vector.extract_strided_slice %select_n3A {offsets = [14], sizes = [1], strides = [1]} : vector<16xf32> to vector<1xf32>
          %squeeze3A_677 = vector.extract %slice3A_676[0] : f32 from vector<1xf32>
          %broadcast_in_dim3A_678 = vector.broadcast %squeeze3A_677 : f32 to vector<16xf32>
          %get3A_679 = arith.index_cast %add3A_675 : i32 to index
          %get3A_680 = arith.constant 0 : index
          %get3A_681 = tpu.vector_load %arg5[%get3A_679, %get3A_680] {strides = array<i32>} : memref<512x64xf32, #tpu.memory_space<vmem>>, vector<16xf32>,
          %mul3A_682 = arith.mulf %get3A_681, %broadcast_in_dim3A_678 : vector<16xf32>
          %swap3A_683 = arith.index_cast %add3A_675 : i32 to index
          %swap3A_684 = arith.constant 0 : index
          %swap3A_685 = tpu.vector_load %arg5[%swap3A_683, %swap3A_684] {strides = array<i32>} : memref<512x64xf32, #tpu.memory_space<vmem>>, vector<16xf32>,
          tpu.vector_store %arg5[%swap3A_683, %swap3A_684], %mul3A_682 {strides = array<i32>} : memref<512x64xf32, #tpu.memory_space<vmem>>, vector<16xf32>,
          %get3A_686 = arith.index_cast %add3A_675 : i32 to index
          %get3A_687 = arith.constant 16 : index
          %get3A_688 = tpu.vector_load %arg5[%get3A_686, %get3A_687] {strides = array<i32>} : memref<512x64xf32, #tpu.memory_space<vmem>>, vector<16xf32>,
          %mul3A_689 = arith.mulf %get3A_688, %broadcast_in_dim3A_678 : vector<16xf32>
          %swap3A_690 = arith.index_cast %add3A_675 : i32 to index
          %swap3A_691 = arith.constant 16 : index
          %swap3A_692 = tpu.vector_load %arg5[%swap3A_690, %swap3A_691] {strides = array<i32>} : memref<512x64xf32, #tpu.memory_space<vmem>>, vector<16xf32>,
          tpu.vector_store %arg5[%swap3A_690, %swap3A_691], %mul3A_689 {strides = array<i32>} : memref<512x64xf32, #tpu.memory_space<vmem>>, vector<16xf32>,
          %get3A_693 = arith.index_cast %add3A_675 : i32 to index
          %get3A_694 = arith.constant 32 : index
          %get3A_695 = tpu.vector_load %arg5[%get3A_693, %get3A_694] {strides = array<i32>} : memref<512x64xf32, #tpu.memory_space<vmem>>, vector<16xf32>,
          %mul3A_696 = arith.mulf %get3A_695, %broadcast_in_dim3A_678 : vector<16xf32>
          %swap3A_697 = arith.index_cast %add3A_675 : i32 to index
          %swap3A_698 = arith.constant 32 : index
          %swap3A_699 = tpu.vector_load %arg5[%swap3A_697, %swap3A_698] {strides = array<i32>} : memref<512x64xf32, #tpu.memory_space<vmem>>, vector<16xf32>,
          tpu.vector_store %arg5[%swap3A_697, %swap3A_698], %mul3A_696 {strides = array<i32>} : memref<512x64xf32, #tpu.memory_space<vmem>>, vector<16xf32>,
          %get3A_700 = arith.index_cast %add3A_675 : i32 to index
          %get3A_701 = arith.constant 48 : index
          %get3A_702 = tpu.vector_load %arg5[%get3A_700, %get3A_701] {strides = array<i32>} : memref<512x64xf32, #tpu.memory_space<vmem>>, vector<16xf32>,
          %mul3A_703 = arith.mulf %get3A_702, %broadcast_in_dim3A_678 : vector<16xf32>
          %swap3A_704 = arith.index_cast %add3A_675 : i32 to index
          %swap3A_705 = arith.constant 48 : index
          %swap3A_706 = tpu.vector_load %arg5[%swap3A_704, %swap3A_705] {strides = array<i32>} : memref<512x64xf32, #tpu.memory_space<vmem>>, vector<16xf32>,
          tpu.vector_store %arg5[%swap3A_704, %swap3A_705], %mul3A_703 {strides = array<i32>} : memref<512x64xf32, #tpu.memory_space<vmem>>, vector<16xf32>,
          %mul3A_707 = arith.constant 16 : i32
          %mul3A_708 = arith.muli %mul3A_707, %add3A_162 : i32
          %add3A_709 = arith.constant 15 : i32
          %add3A_710 = arith.addi %mul3A_708, %add3A_709 : i32
          %slice3A_711 = vector.extract_strided_slice %select_n3A {offsets = [15], sizes = [1], strides = [1]} : vector<16xf32> to vector<1xf32>
          %squeeze3A_712 = vector.extract %slice3A_711[0] : f32 from vector<1xf32>
          %broadcast_in_dim3A_713 = vector.broadcast %squeeze3A_712 : f32 to vector<16xf32>
          %get3A_714 = arith.index_cast %add3A_710 : i32 to index
          %get3A_715 = arith.constant 0 : index
          %get3A_716 = tpu.vector_load %arg5[%get3A_714, %get3A_715] {strides = array<i32>} : memref<512x64xf32, #tpu.memory_space<vmem>>, vector<16xf32>,
          %mul3A_717 = arith.mulf %get3A_716, %broadcast_in_dim3A_713 : vector<16xf32>
          %swap3A_718 = arith.index_cast %add3A_710 : i32 to index
          %swap3A_719 = arith.constant 0 : index
          %swap3A_720 = tpu.vector_load %arg5[%swap3A_718, %swap3A_719] {strides = array<i32>} : memref<512x64xf32, #tpu.memory_space<vmem>>, vector<16xf32>,
          tpu.vector_store %arg5[%swap3A_718, %swap3A_719], %mul3A_717 {strides = array<i32>} : memref<512x64xf32, #tpu.memory_space<vmem>>, vector<16xf32>,
          %get3A_721 = arith.index_cast %add3A_710 : i32 to index
          %get3A_722 = arith.constant 16 : index
          %get3A_723 = tpu.vector_load %arg5[%get3A_721, %get3A_722] {strides = array<i32>} : memref<512x64xf32, #tpu.memory_space<vmem>>, vector<16xf32>,
          %mul3A_724 = arith.mulf %get3A_723, %broadcast_in_dim3A_713 : vector<16xf32>
          %swap3A_725 = arith.index_cast %add3A_710 : i32 to index
          %swap3A_726 = arith.constant 16 : index
          %swap3A_727 = tpu.vector_load %arg5[%swap3A_725, %swap3A_726] {strides = array<i32>} : memref<512x64xf32, #tpu.memory_space<vmem>>, vector<16xf32>,
          tpu.vector_store %arg5[%swap3A_725, %swap3A_726], %mul3A_724 {strides = array<i32>} : memref<512x64xf32, #tpu.memory_space<vmem>>, vector<16xf32>,
          %get3A_728 = arith.index_cast %add3A_710 : i32 to index
          %get3A_729 = arith.constant 32 : index
          %get3A_730 = tpu.vector_load %arg5[%get3A_728, %get3A_729] {strides = array<i32>} : memref<512x64xf32, #tpu.memory_space<vmem>>, vector<16xf32>,
          %mul3A_731 = arith.mulf %get3A_730, %broadcast_in_dim3A_713 : vector<16xf32>
          %swap3A_732 = arith.index_cast %add3A_710 : i32 to index
          %swap3A_733 = arith.constant 32 : index
          %swap3A_734 = tpu.vector_load %arg5[%swap3A_732, %swap3A_733] {strides = array<i32>} : memref<512x64xf32, #tpu.memory_space<vmem>>, vector<16xf32>,
          tpu.vector_store %arg5[%swap3A_732, %swap3A_733], %mul3A_731 {strides = array<i32>} : memref<512x64xf32, #tpu.memory_space<vmem>>, vector<16xf32>,
          %get3A_735 = arith.index_cast %add3A_710 : i32 to index
          %get3A_736 = arith.constant 48 : index
          %get3A_737 = tpu.vector_load %arg5[%get3A_735, %get3A_736] {strides = array<i32>} : memref<512x64xf32, #tpu.memory_space<vmem>>, vector<16xf32>,
          %mul3A_738 = arith.mulf %get3A_737, %broadcast_in_dim3A_713 : vector<16xf32>
          %swap3A_739 = arith.index_cast %add3A_710 : i32 to index
          %swap3A_740 = arith.constant 48 : index
          %swap3A_741 = tpu.vector_load %arg5[%swap3A_739, %swap3A_740] {strides = array<i32>} : memref<512x64xf32, #tpu.memory_space<vmem>>, vector<16xf32>,
          tpu.vector_store %arg5[%swap3A_739, %swap3A_740], %mul3A_738 {strides = array<i32>} : memref<512x64xf32, #tpu.memory_space<vmem>>, vector<16xf32>,
        } else {
        }
      }
      %scan3A_94 = arith.constant 32 : i32
      %mul3A_95 = arith.constant 512 : i32
      %mul3A_96 = arith.muli %add3A_51, %mul3A_95 : i32
      %add3A_97 = arith.addi %mul3A_2, %mul3A_96 : i32
      %dma_start3A_98 = arith.constant 0 : i32
      %dma_start3A_99 = tpu.memref_slice %arg4[%add3A_97, %dma_start3A_98] : memref<819200x128xf32, #tpu.memory_space<hbm>> -> memref<512x64xf32, #tpu.memory_space<hbm>>
      %dma_start3A_100 = arith.constant 0 : i32
      %dma_start3A_101 = tpu.memref_slice %arg4[%add3A_97, %dma_start3A_100] : memref<819200x128xf32, #tpu.memory_space<hbm>> -> memref<512x64xf32, #tpu.memory_space<hbm>>
      tpu.enqueue_dma source(%arg5 : memref<512x64xf32, #tpu.memory_space<vmem>>) target(%dma_start3A_101 : memref<512x64xf32, #tpu.memory_space<hbm>>) target_semaphore(%arg11 : memref<!tpu.dma_semaphore, #tpu.memory_space<semaphore_mem>>)
      %add3A_102 = arith.constant 1 : i32
      %add3A_103 = arith.addi %add3A_49, %add3A_102 : i32
      %ge3A_104 = arith.constant 1 : i32
      %ge3A_105 = arith.cmpi sge, %add3A_103, %ge3A_104 : i32
      %convert_element_type3A_106 = arith.extui %ge3A_105 : i1 to i32
      %cond3A_107 = arith.constant 0 : i32
      %cond3A_108 = arith.cmpi ne, %convert_element_type3A_106, %cond3A_107 : i32
      scf.if %cond3A_108 {
        %dma_wait3A_158 = arith.constant 0 : i32
        %dma_wait3A_159 = arith.constant 0 : i32
        %dma_wait3A_160 = tpu.memref_slice %arg4[%dma_wait3A_158, %dma_wait3A_159] : memref<819200x128xf32, #tpu.memory_space<hbm>> -> memref<512x64xf32, #tpu.memory_space<hbm>>
        %dma_wait3A_161 = arith.constant 0 : i32
        %dma_wait3A_162 = arith.constant 0 : i32
        %dma_wait3A_163 = tpu.memref_slice %arg4[%dma_wait3A_161, %dma_wait3A_162] : memref<819200x128xf32, #tpu.memory_space<hbm>> -> memref<512x64xf32, #tpu.memory_space<hbm>>
        tpu.wait_dma2 semaphore(%arg11 : memref<!tpu.dma_semaphore, #tpu.memory_space<semaphore_mem>>) src(%arg5 : memref<512x64xf32, #tpu.memory_space<vmem>>) dst(%dma_wait3A_163 : memref<512x64xf32, #tpu.memory_space<hbm>>)
      } else {
      }
      %lt3A_109 = arith.constant 49 : i32
      %lt3A_110 = arith.cmpi slt, %add3A_103, %lt3A_109 : i32
      %convert_element_type3A_111 = arith.extui %lt3A_110 : i1 to i32
      %cond3A_112 = arith.constant 0 : i32
      %cond3A_113 = arith.cmpi ne, %convert_element_type3A_111, %cond3A_112 : i32
      scf.if %cond3A_113 {
        %add3A_158 = arith.constant 1 : i32
        %add3A_159 = arith.addi %add3A_103, %add3A_158 : i32
        %mul3A_160 = arith.constant 512 : i32
        %mul3A_161 = arith.muli %add3A_159, %mul3A_160 : i32
        %add3A_162 = arith.addi %mul3A_2, %mul3A_161 : i32
        "tpu.region"() ({
          %run_scoped3A = tpu.sem_alloc : memref<!tpu.dma_semaphore, #tpu.memory_space<semaphore_mem>>
          %dma_start3A_195 = tpu.memref_slice %arg3[%add3A_162] : memref<819200xi32, #tpu.memory_space<hbm>> -> memref<512xi32, #tpu.memory_space<hbm>>
          %dma_start3A_196 = tpu.memref_slice %arg3[%add3A_162] : memref<819200xi32, #tpu.memory_space<hbm>> -> memref<512xi32, #tpu.memory_space<hbm>>
          tpu.enqueue_dma source(%dma_start3A_196 : memref<512xi32, #tpu.memory_space<hbm>>) target(%arg7 : memref<512xi32, #tpu.memory_space<vmem>>) target_semaphore(%run_scoped3A : memref<!tpu.dma_semaphore, #tpu.memory_space<semaphore_mem>>)
          %dma_wait3A_197 = tpu.memref_slice %arg3[%add3A_162] : memref<819200xi32, #tpu.memory_space<hbm>> -> memref<512xi32, #tpu.memory_space<hbm>>
          %dma_wait3A_198 = tpu.memref_slice %arg3[%add3A_162] : memref<819200xi32, #tpu.memory_space<hbm>> -> memref<512xi32, #tpu.memory_space<hbm>>
          tpu.wait_dma2 semaphore(%run_scoped3A : memref<!tpu.dma_semaphore, #tpu.memory_space<semaphore_mem>>) src(%dma_wait3A_198 : memref<512xi32, #tpu.memory_space<hbm>>) dst(%arg7 : memref<512xi32, #tpu.memory_space<vmem>>)
          tpu.yield
        }) : () -> ()
        %dma_start3A_163 = arith.constant 0 : i32
        %dma_start3A_164 = arith.constant 0 : i32
        %dma_start3A_165 = tpu.memref_slice %arg5[%dma_start3A_163, %dma_start3A_164] : memref<512x64xf32, #tpu.memory_space<vmem>> -> memref<128x64xf32, #tpu.memory_space<vmem>>
        %dma_start3A_166 = arith.constant 0 : i32
        %dma_start3A_167 = tpu.memref_slice %arg7[%dma_start3A_166] : memref<512xi32, #tpu.memory_space<vmem>> -> memref<128xi32, #tpu.memory_space<vmem>>
        %dma_start3A_168 = arith.constant 0 : i32
        %dma_start3A_169 = arith.constant 0 : i32
        %dma_start3A_170 = tpu.memref_slice %arg2[%dma_start3A_168, %dma_start3A_169] : memref<1000000x64xf32, #tpu.memory_space<hbm>> -> memref<1000000x64xf32, #tpu.memory_space<hbm>>
        tpu.enqueue_indirect_dma source(%dma_start3A_170 : memref<1000000x64xf32, #tpu.memory_space<hbm>>) target(%dma_start3A_165 : memref<128x64xf32, #tpu.memory_space<vmem>>) offsets(%dma_start3A_167 : memref<128xi32, #tpu.memory_space<vmem>>) semaphore(%arg9 : memref<!tpu.dma_semaphore, #tpu.memory_space<semaphore_mem>>)
        %dma_start3A_171 = arith.constant 128 : i32
        %dma_start3A_172 = arith.constant 0 : i32
        %dma_start3A_173 = tpu.memref_slice %arg5[%dma_start3A_171, %dma_start3A_172] : memref<512x64xf32, #tpu.memory_space<vmem>> -> memref<128x64xf32, #tpu.memory_space<vmem>>
        %dma_start3A_174 = arith.constant 128 : i32
        %dma_start3A_175 = tpu.memref_slice %arg7[%dma_start3A_174] : memref<512xi32, #tpu.memory_space<vmem>> -> memref<128xi32, #tpu.memory_space<vmem>>
        %dma_start3A_176 = arith.constant 0 : i32
        %dma_start3A_177 = arith.constant 0 : i32
        %dma_start3A_178 = tpu.memref_slice %arg2[%dma_start3A_176, %dma_start3A_177] : memref<1000000x64xf32, #tpu.memory_space<hbm>> -> memref<1000000x64xf32, #tpu.memory_space<hbm>>
        tpu.enqueue_indirect_dma source(%dma_start3A_178 : memref<1000000x64xf32, #tpu.memory_space<hbm>>) target(%dma_start3A_173 : memref<128x64xf32, #tpu.memory_space<vmem>>) offsets(%dma_start3A_175 : memref<128xi32, #tpu.memory_space<vmem>>) semaphore(%arg9 : memref<!tpu.dma_semaphore, #tpu.memory_space<semaphore_mem>>)
        %dma_start3A_179 = arith.constant 256 : i32
        %dma_start3A_180 = arith.constant 0 : i32
        %dma_start3A_181 = tpu.memref_slice %arg5[%dma_start3A_179, %dma_start3A_180] : memref<512x64xf32, #tpu.memory_space<vmem>> -> memref<128x64xf32, #tpu.memory_space<vmem>>
        %dma_start3A_182 = arith.constant 256 : i32
        %dma_start3A_183 = tpu.memref_slice %arg7[%dma_start3A_182] : memref<512xi32, #tpu.memory_space<vmem>> -> memref<128xi32, #tpu.memory_space<vmem>>
        %dma_start3A_184 = arith.constant 0 : i32
        %dma_start3A_185 = arith.constant 0 : i32
        %dma_start3A_186 = tpu.memref_slice %arg2[%dma_start3A_184, %dma_start3A_185] : memref<1000000x64xf32, #tpu.memory_space<hbm>> -> memref<1000000x64xf32, #tpu.memory_space<hbm>>
        tpu.enqueue_indirect_dma source(%dma_start3A_186 : memref<1000000x64xf32, #tpu.memory_space<hbm>>) target(%dma_start3A_181 : memref<128x64xf32, #tpu.memory_space<vmem>>) offsets(%dma_start3A_183 : memref<128xi32, #tpu.memory_space<vmem>>) semaphore(%arg9 : memref<!tpu.dma_semaphore, #tpu.memory_space<semaphore_mem>>)
        %dma_start3A_187 = arith.constant 384 : i32
        %dma_start3A_188 = arith.constant 0 : i32
        %dma_start3A_189 = tpu.memref_slice %arg5[%dma_start3A_187, %dma_start3A_188] : memref<512x64xf32, #tpu.memory_space<vmem>> -> memref<128x64xf32, #tpu.memory_space<vmem>>
        %dma_start3A_190 = arith.constant 384 : i32
        %dma_start3A_191 = tpu.memref_slice %arg7[%dma_start3A_190] : memref<512xi32, #tpu.memory_space<vmem>> -> memref<128xi32, #tpu.memory_space<vmem>>
        %dma_start3A_192 = arith.constant 0 : i32
        %dma_start3A_193 = arith.constant 0 : i32
        %dma_start3A_194 = tpu.memref_slice %arg2[%dma_start3A_192, %dma_start3A_193] : memref<1000000x64xf32, #tpu.memory_space<hbm>> -> memref<1000000x64xf32, #tpu.memory_space<hbm>>
        tpu.enqueue_indirect_dma source(%dma_start3A_194 : memref<1000000x64xf32, #tpu.memory_space<hbm>>) target(%dma_start3A_189 : memref<128x64xf32, #tpu.memory_space<vmem>>) offsets(%dma_start3A_191 : memref<128xi32, #tpu.memory_space<vmem>>) semaphore(%arg9 : memref<!tpu.dma_semaphore, #tpu.memory_space<semaphore_mem>>)
      } else {
      }
      %dma_wait3A_114 = arith.constant 0 : i32
      %dma_wait3A_115 = arith.constant 0 : i32
      %dma_wait3A_116 = tpu.memref_slice %arg6[%dma_wait3A_114, %dma_wait3A_115] : memref<512x64xf32, #tpu.memory_space<vmem>> -> memref<128x64xf32, #tpu.memory_space<vmem>>
      %dma_wait3A_117 = arith.constant 0 : i32
      %dma_wait3A_118 = tpu.memref_slice %arg8[%dma_wait3A_117] : memref<512xi32, #tpu.memory_space<vmem>> -> memref<128xi32, #tpu.memory_space<vmem>>
      %dma_wait3A_119 = arith.constant 0 : i32
      %dma_wait3A_120 = arith.constant 0 : i32
      %dma_wait3A_121 = tpu.memref_slice %arg2[%dma_wait3A_119, %dma_wait3A_120] : memref<1000000x64xf32, #tpu.memory_space<hbm>> -> memref<1000000x64xf32, #tpu.memory_space<hbm>>
      tpu.wait_indirect_dma semaphore(%arg10 : memref<!tpu.dma_semaphore, #tpu.memory_space<semaphore_mem>>) src(%dma_wait3A_121 : memref<1000000x64xf32, #tpu.memory_space<hbm>>) dst(%dma_wait3A_116 : memref<128x64xf32, #tpu.memory_space<vmem>>)
      %dma_wait3A_122 = arith.constant 128 : i32
      %dma_wait3A_123 = arith.constant 0 : i32
      %dma_wait3A_124 = tpu.memref_slice %arg6[%dma_wait3A_122, %dma_wait3A_123] : memref<512x64xf32, #tpu.memory_space<vmem>> -> memref<128x64xf32, #tpu.memory_space<vmem>>
      %dma_wait3A_125 = arith.constant 128 : i32
      %dma_wait3A_126 = tpu.memref_slice %arg8[%dma_wait3A_125] : memref<512xi32, #tpu.memory_space<vmem>> -> memref<128xi32, #tpu.memory_space<vmem>>
      %dma_wait3A_127 = arith.constant 0 : i32
      %dma_wait3A_128 = arith.constant 0 : i32
      %dma_wait3A_129 = tpu.memref_slice %arg2[%dma_wait3A_127, %dma_wait3A_128] : memref<1000000x64xf32, #tpu.memory_space<hbm>> -> memref<1000000x64xf32, #tpu.memory_space<hbm>>
      tpu.wait_indirect_dma semaphore(%arg10 : memref<!tpu.dma_semaphore, #tpu.memory_space<semaphore_mem>>) src(%dma_wait3A_129 : memref<1000000x64xf32, #tpu.memory_space<hbm>>) dst(%dma_wait3A_124 : memref<128x64xf32, #tpu.memory_space<vmem>>)
      %dma_wait3A_130 = arith.constant 256 : i32
      %dma_wait3A_131 = arith.constant 0 : i32
      %dma_wait3A_132 = tpu.memref_slice %arg6[%dma_wait3A_130, %dma_wait3A_131] : memref<512x64xf32, #tpu.memory_space<vmem>> -> memref<128x64xf32, #tpu.memory_space<vmem>>
      %dma_wait3A_133 = arith.constant 256 : i32
      %dma_wait3A_134 = tpu.memref_slice %arg8[%dma_wait3A_133] : memref<512xi32, #tpu.memory_space<vmem>> -> memref<128xi32, #tpu.memory_space<vmem>>
      %dma_wait3A_135 = arith.constant 0 : i32
      %dma_wait3A_136 = arith.constant 0 : i32
      %dma_wait3A_137 = tpu.memref_slice %arg2[%dma_wait3A_135, %dma_wait3A_136] : memref<1000000x64xf32, #tpu.memory_space<hbm>> -> memref<1000000x64xf32, #tpu.memory_space<hbm>>
      tpu.wait_indirect_dma semaphore(%arg10 : memref<!tpu.dma_semaphore, #tpu.memory_space<semaphore_mem>>) src(%dma_wait3A_137 : memref<1000000x64xf32, #tpu.memory_space<hbm>>) dst(%dma_wait3A_132 : memref<128x64xf32, #tpu.memory_space<vmem>>)
      %dma_wait3A_138 = arith.constant 384 : i32
      %dma_wait3A_139 = arith.constant 0 : i32
      %dma_wait3A_140 = tpu.memref_slice %arg6[%dma_wait3A_138, %dma_wait3A_139] : memref<512x64xf32, #tpu.memory_space<vmem>> -> memref<128x64xf32, #tpu.memory_space<vmem>>
      %dma_wait3A_141 = arith.constant 384 : i32
      %dma_wait3A_142 = tpu.memref_slice %arg8[%dma_wait3A_141] : memref<512xi32, #tpu.memory_space<vmem>> -> memref<128xi32, #tpu.memory_space<vmem>>
      %dma_wait3A_143 = arith.constant 0 : i32
      %dma_wait3A_144 = arith.constant 0 : i32
      %dma_wait3A_145 = tpu.memref_slice %arg2[%dma_wait3A_143, %dma_wait3A_144] : memref<1000000x64xf32, #tpu.memory_space<hbm>> -> memref<1000000x64xf32, #tpu.memory_space<hbm>>
      tpu.wait_indirect_dma semaphore(%arg10 : memref<!tpu.dma_semaphore, #tpu.memory_space<semaphore_mem>>) src(%dma_wait3A_145 : memref<1000000x64xf32, #tpu.memory_space<hbm>>) dst(%dma_wait3A_140 : memref<128x64xf32, #tpu.memory_space<vmem>>)
      %scan3A_146 = arith.constant 0 : i32
      %scan3A_147 = arith.constant 32 : i32
      %scan3A_148 = arith.addi %scan3A_146, %scan3A_147 : i32
      %scan3A_149 = arith.constant 1 : i32
      scf.for %scan3A_158 = %scan3A_146 to %scan3A_148 step %scan3A_149  : i32 {
        %mul3A_159 = arith.constant 1 : i32
        %mul3A_160 = arith.muli %scan3A_158, %mul3A_159 : i32
        %add3A_161 = arith.constant 0 : i32
        %add3A_162 = arith.addi %add3A_161, %mul3A_160 : i32
        %mul3A_163 = arith.constant 16 : i32
        %mul3A_164 = arith.muli %mul3A_163, %add3A_162 : i32
        %get3A = arith.index_cast %mul3A_164 : i32 to index
        %get3A_165 = tpu.vector_load %arg8[%get3A] {strides = array<i32>} : memref<512xi32, #tpu.memory_space<vmem>>, vector<16xi32>,
        %eq3A = arith.constant 0 : i32
        %eq3A_166 = vector.broadcast %eq3A : i32 to vector<16xi32>
        %eq3A_167 = arith.cmpi eq, %get3A_165, %eq3A_166 : vector<16xi32>
        %reduce_or3A = arith.constant 1.000000e+00 : f32
        %reduce_or3A_168 = arith.constant 0.000000e+00 : f32
        %reduce_or3A_169 = vector.broadcast %reduce_or3A : f32 to vector<16xf32>
        %reduce_or3A_170 = vector.broadcast %reduce_or3A_168 : f32 to vector<16xf32>
        %reduce_or3A_171 = arith.select %eq3A_167, %reduce_or3A_169, %reduce_or3A_170 : vector<16xi1>, vector<16xf32>
        %reduce_or3A_172 = arith.constant true
        %reduce_or3A_173 = vector.broadcast %reduce_or3A_172 : i1 to vector<16xi1>
        %reduce_or3A_174 = tpu.scan <max>, %reduce_or3A_171 masked %reduce_or3A_173 : vector<16xf32>, vector<16xi1> -> vector<16xf32>
        %reduce_or3A_175 = vector.extract %reduce_or3A_174[15] : f32 from vector<16xf32>
        %reduce_or3A_176 = arith.constant 0.000000e+00 : f32
        %reduce_or3A_177 = arith.cmpf ogt, %reduce_or3A_175, %reduce_or3A_176 : f32
        %convert_element_type3A_178 = arith.extui %reduce_or3A_177 : i1 to i32
        %cond3A_179 = arith.constant 0 : i32
        %cond3A_180 = arith.cmpi ne, %convert_element_type3A_178, %cond3A_179 : i32
        scf.if %cond3A_180 {
          %ne3A = arith.constant 0 : i32
          %ne3A_181 = vector.broadcast %ne3A : i32 to vector<16xi32>
          %ne3A_182 = arith.cmpi ne, %get3A_165, %ne3A_181 : vector<16xi32>
          %jit3A = arith.constant 1.000000e+00 : f32
          %jit3A_183 = arith.constant 0.000000e+00 : f32
          %broadcast_in_dim3A = vector.broadcast %jit3A : f32 to vector<16xf32>
          %broadcast_in_dim3A_184 = vector.broadcast %jit3A_183 : f32 to vector<16xf32>
          %select_n3A = arith.select %ne3A_182, %broadcast_in_dim3A, %broadcast_in_dim3A_184 : vector<16xi1>, vector<16xf32>
          %mul3A_185 = arith.constant 16 : i32
          %mul3A_186 = arith.muli %mul3A_185, %add3A_162 : i32
          %add3A_187 = arith.constant 0 : i32
          %add3A_188 = arith.addi %mul3A_186, %add3A_187 : i32
          %slice3A = vector.extract_strided_slice %select_n3A {offsets = [0], sizes = [1], strides = [1]} : vector<16xf32> to vector<1xf32>
          %squeeze3A = vector.extract %slice3A[0] : f32 from vector<1xf32>
          %broadcast_in_dim3A_189 = vector.broadcast %squeeze3A : f32 to vector<16xf32>
          %get3A_190 = arith.index_cast %add3A_188 : i32 to index
          %get3A_191 = arith.constant 0 : index
          %get3A_192 = tpu.vector_load %arg6[%get3A_190, %get3A_191] {strides = array<i32>} : memref<512x64xf32, #tpu.memory_space<vmem>>, vector<16xf32>,
          %mul3A_193 = arith.mulf %get3A_192, %broadcast_in_dim3A_189 : vector<16xf32>
          %swap3A = arith.index_cast %add3A_188 : i32 to index
          %swap3A_194 = arith.constant 0 : index
          %swap3A_195 = tpu.vector_load %arg6[%swap3A, %swap3A_194] {strides = array<i32>} : memref<512x64xf32, #tpu.memory_space<vmem>>, vector<16xf32>,
          tpu.vector_store %arg6[%swap3A, %swap3A_194], %mul3A_193 {strides = array<i32>} : memref<512x64xf32, #tpu.memory_space<vmem>>, vector<16xf32>,
          %get3A_196 = arith.index_cast %add3A_188 : i32 to index
          %get3A_197 = arith.constant 16 : index
          %get3A_198 = tpu.vector_load %arg6[%get3A_196, %get3A_197] {strides = array<i32>} : memref<512x64xf32, #tpu.memory_space<vmem>>, vector<16xf32>,
          %mul3A_199 = arith.mulf %get3A_198, %broadcast_in_dim3A_189 : vector<16xf32>
          %swap3A_200 = arith.index_cast %add3A_188 : i32 to index
          %swap3A_201 = arith.constant 16 : index
          %swap3A_202 = tpu.vector_load %arg6[%swap3A_200, %swap3A_201] {strides = array<i32>} : memref<512x64xf32, #tpu.memory_space<vmem>>, vector<16xf32>,
          tpu.vector_store %arg6[%swap3A_200, %swap3A_201], %mul3A_199 {strides = array<i32>} : memref<512x64xf32, #tpu.memory_space<vmem>>, vector<16xf32>,
          %get3A_203 = arith.index_cast %add3A_188 : i32 to index
          %get3A_204 = arith.constant 32 : index
          %get3A_205 = tpu.vector_load %arg6[%get3A_203, %get3A_204] {strides = array<i32>} : memref<512x64xf32, #tpu.memory_space<vmem>>, vector<16xf32>,
          %mul3A_206 = arith.mulf %get3A_205, %broadcast_in_dim3A_189 : vector<16xf32>
          %swap3A_207 = arith.index_cast %add3A_188 : i32 to index
          %swap3A_208 = arith.constant 32 : index
          %swap3A_209 = tpu.vector_load %arg6[%swap3A_207, %swap3A_208] {strides = array<i32>} : memref<512x64xf32, #tpu.memory_space<vmem>>, vector<16xf32>,
          tpu.vector_store %arg6[%swap3A_207, %swap3A_208], %mul3A_206 {strides = array<i32>} : memref<512x64xf32, #tpu.memory_space<vmem>>, vector<16xf32>,
          %get3A_210 = arith.index_cast %add3A_188 : i32 to index
          %get3A_211 = arith.constant 48 : index
          %get3A_212 = tpu.vector_load %arg6[%get3A_210, %get3A_211] {strides = array<i32>} : memref<512x64xf32, #tpu.memory_space<vmem>>, vector<16xf32>,
          %mul3A_213 = arith.mulf %get3A_212, %broadcast_in_dim3A_189 : vector<16xf32>
          %swap3A_214 = arith.index_cast %add3A_188 : i32 to index
          %swap3A_215 = arith.constant 48 : index
          %swap3A_216 = tpu.vector_load %arg6[%swap3A_214, %swap3A_215] {strides = array<i32>} : memref<512x64xf32, #tpu.memory_space<vmem>>, vector<16xf32>,
          tpu.vector_store %arg6[%swap3A_214, %swap3A_215], %mul3A_213 {strides = array<i32>} : memref<512x64xf32, #tpu.memory_space<vmem>>, vector<16xf32>,
          %mul3A_217 = arith.constant 16 : i32
          %mul3A_218 = arith.muli %mul3A_217, %add3A_162 : i32
          %add3A_219 = arith.constant 1 : i32
          %add3A_220 = arith.addi %mul3A_218, %add3A_219 : i32
          %slice3A_221 = vector.extract_strided_slice %select_n3A {offsets = [1], sizes = [1], strides = [1]} : vector<16xf32> to vector<1xf32>
          %squeeze3A_222 = vector.extract %slice3A_221[0] : f32 from vector<1xf32>
          %broadcast_in_dim3A_223 = vector.broadcast %squeeze3A_222 : f32 to vector<16xf32>
          %get3A_224 = arith.index_cast %add3A_220 : i32 to index
          %get3A_225 = arith.constant 0 : index
          %get3A_226 = tpu.vector_load %arg6[%get3A_224, %get3A_225] {strides = array<i32>} : memref<512x64xf32, #tpu.memory_space<vmem>>, vector<16xf32>,
          %mul3A_227 = arith.mulf %get3A_226, %broadcast_in_dim3A_223 : vector<16xf32>
          %swap3A_228 = arith.index_cast %add3A_220 : i32 to index
          %swap3A_229 = arith.constant 0 : index
          %swap3A_230 = tpu.vector_load %arg6[%swap3A_228, %swap3A_229] {strides = array<i32>} : memref<512x64xf32, #tpu.memory_space<vmem>>, vector<16xf32>,
          tpu.vector_store %arg6[%swap3A_228, %swap3A_229], %mul3A_227 {strides = array<i32>} : memref<512x64xf32, #tpu.memory_space<vmem>>, vector<16xf32>,
          %get3A_231 = arith.index_cast %add3A_220 : i32 to index
          %get3A_232 = arith.constant 16 : index
          %get3A_233 = tpu.vector_load %arg6[%get3A_231, %get3A_232] {strides = array<i32>} : memref<512x64xf32, #tpu.memory_space<vmem>>, vector<16xf32>,
          %mul3A_234 = arith.mulf %get3A_233, %broadcast_in_dim3A_223 : vector<16xf32>
          %swap3A_235 = arith.index_cast %add3A_220 : i32 to index
          %swap3A_236 = arith.constant 16 : index
          %swap3A_237 = tpu.vector_load %arg6[%swap3A_235, %swap3A_236] {strides = array<i32>} : memref<512x64xf32, #tpu.memory_space<vmem>>, vector<16xf32>,
          tpu.vector_store %arg6[%swap3A_235, %swap3A_236], %mul3A_234 {strides = array<i32>} : memref<512x64xf32, #tpu.memory_space<vmem>>, vector<16xf32>,
          %get3A_238 = arith.index_cast %add3A_220 : i32 to index
          %get3A_239 = arith.constant 32 : index
          %get3A_240 = tpu.vector_load %arg6[%get3A_238, %get3A_239] {strides = array<i32>} : memref<512x64xf32, #tpu.memory_space<vmem>>, vector<16xf32>,
          %mul3A_241 = arith.mulf %get3A_240, %broadcast_in_dim3A_223 : vector<16xf32>
          %swap3A_242 = arith.index_cast %add3A_220 : i32 to index
          %swap3A_243 = arith.constant 32 : index
          %swap3A_244 = tpu.vector_load %arg6[%swap3A_242, %swap3A_243] {strides = array<i32>} : memref<512x64xf32, #tpu.memory_space<vmem>>, vector<16xf32>,
          tpu.vector_store %arg6[%swap3A_242, %swap3A_243], %mul3A_241 {strides = array<i32>} : memref<512x64xf32, #tpu.memory_space<vmem>>, vector<16xf32>,
          %get3A_245 = arith.index_cast %add3A_220 : i32 to index
          %get3A_246 = arith.constant 48 : index
          %get3A_247 = tpu.vector_load %arg6[%get3A_245, %get3A_246] {strides = array<i32>} : memref<512x64xf32, #tpu.memory_space<vmem>>, vector<16xf32>,
          %mul3A_248 = arith.mulf %get3A_247, %broadcast_in_dim3A_223 : vector<16xf32>
          %swap3A_249 = arith.index_cast %add3A_220 : i32 to index
          %swap3A_250 = arith.constant 48 : index
          %swap3A_251 = tpu.vector_load %arg6[%swap3A_249, %swap3A_250] {strides = array<i32>} : memref<512x64xf32, #tpu.memory_space<vmem>>, vector<16xf32>,
          tpu.vector_store %arg6[%swap3A_249, %swap3A_250], %mul3A_248 {strides = array<i32>} : memref<512x64xf32, #tpu.memory_space<vmem>>, vector<16xf32>,
          %mul3A_252 = arith.constant 16 : i32
          %mul3A_253 = arith.muli %mul3A_252, %add3A_162 : i32
          %add3A_254 = arith.constant 2 : i32
          %add3A_255 = arith.addi %mul3A_253, %add3A_254 : i32
          %slice3A_256 = vector.extract_strided_slice %select_n3A {offsets = [2], sizes = [1], strides = [1]} : vector<16xf32> to vector<1xf32>
          %squeeze3A_257 = vector.extract %slice3A_256[0] : f32 from vector<1xf32>
          %broadcast_in_dim3A_258 = vector.broadcast %squeeze3A_257 : f32 to vector<16xf32>
          %get3A_259 = arith.index_cast %add3A_255 : i32 to index
          %get3A_260 = arith.constant 0 : index
          %get3A_261 = tpu.vector_load %arg6[%get3A_259, %get3A_260] {strides = array<i32>} : memref<512x64xf32, #tpu.memory_space<vmem>>, vector<16xf32>,
          %mul3A_262 = arith.mulf %get3A_261, %broadcast_in_dim3A_258 : vector<16xf32>
          %swap3A_263 = arith.index_cast %add3A_255 : i32 to index
          %swap3A_264 = arith.constant 0 : index
          %swap3A_265 = tpu.vector_load %arg6[%swap3A_263, %swap3A_264] {strides = array<i32>} : memref<512x64xf32, #tpu.memory_space<vmem>>, vector<16xf32>,
          tpu.vector_store %arg6[%swap3A_263, %swap3A_264], %mul3A_262 {strides = array<i32>} : memref<512x64xf32, #tpu.memory_space<vmem>>, vector<16xf32>,
          %get3A_266 = arith.index_cast %add3A_255 : i32 to index
          %get3A_267 = arith.constant 16 : index
          %get3A_268 = tpu.vector_load %arg6[%get3A_266, %get3A_267] {strides = array<i32>} : memref<512x64xf32, #tpu.memory_space<vmem>>, vector<16xf32>,
          %mul3A_269 = arith.mulf %get3A_268, %broadcast_in_dim3A_258 : vector<16xf32>
          %swap3A_270 = arith.index_cast %add3A_255 : i32 to index
          %swap3A_271 = arith.constant 16 : index
          %swap3A_272 = tpu.vector_load %arg6[%swap3A_270, %swap3A_271] {strides = array<i32>} : memref<512x64xf32, #tpu.memory_space<vmem>>, vector<16xf32>,
          tpu.vector_store %arg6[%swap3A_270, %swap3A_271], %mul3A_269 {strides = array<i32>} : memref<512x64xf32, #tpu.memory_space<vmem>>, vector<16xf32>,
          %get3A_273 = arith.index_cast %add3A_255 : i32 to index
          %get3A_274 = arith.constant 32 : index
          %get3A_275 = tpu.vector_load %arg6[%get3A_273, %get3A_274] {strides = array<i32>} : memref<512x64xf32, #tpu.memory_space<vmem>>, vector<16xf32>,
          %mul3A_276 = arith.mulf %get3A_275, %broadcast_in_dim3A_258 : vector<16xf32>
          %swap3A_277 = arith.index_cast %add3A_255 : i32 to index
          %swap3A_278 = arith.constant 32 : index
          %swap3A_279 = tpu.vector_load %arg6[%swap3A_277, %swap3A_278] {strides = array<i32>} : memref<512x64xf32, #tpu.memory_space<vmem>>, vector<16xf32>,
          tpu.vector_store %arg6[%swap3A_277, %swap3A_278], %mul3A_276 {strides = array<i32>} : memref<512x64xf32, #tpu.memory_space<vmem>>, vector<16xf32>,
          %get3A_280 = arith.index_cast %add3A_255 : i32 to index
          %get3A_281 = arith.constant 48 : index
          %get3A_282 = tpu.vector_load %arg6[%get3A_280, %get3A_281] {strides = array<i32>} : memref<512x64xf32, #tpu.memory_space<vmem>>, vector<16xf32>,
          %mul3A_283 = arith.mulf %get3A_282, %broadcast_in_dim3A_258 : vector<16xf32>
          %swap3A_284 = arith.index_cast %add3A_255 : i32 to index
          %swap3A_285 = arith.constant 48 : index
          %swap3A_286 = tpu.vector_load %arg6[%swap3A_284, %swap3A_285] {strides = array<i32>} : memref<512x64xf32, #tpu.memory_space<vmem>>, vector<16xf32>,
          tpu.vector_store %arg6[%swap3A_284, %swap3A_285], %mul3A_283 {strides = array<i32>} : memref<512x64xf32, #tpu.memory_space<vmem>>, vector<16xf32>,
          %mul3A_287 = arith.constant 16 : i32
          %mul3A_288 = arith.muli %mul3A_287, %add3A_162 : i32
          %add3A_289 = arith.constant 3 : i32
          %add3A_290 = arith.addi %mul3A_288, %add3A_289 : i32
          %slice3A_291 = vector.extract_strided_slice %select_n3A {offsets = [3], sizes = [1], strides = [1]} : vector<16xf32> to vector<1xf32>
          %squeeze3A_292 = vector.extract %slice3A_291[0] : f32 from vector<1xf32>
          %broadcast_in_dim3A_293 = vector.broadcast %squeeze3A_292 : f32 to vector<16xf32>
          %get3A_294 = arith.index_cast %add3A_290 : i32 to index
          %get3A_295 = arith.constant 0 : index
          %get3A_296 = tpu.vector_load %arg6[%get3A_294, %get3A_295] {strides = array<i32>} : memref<512x64xf32, #tpu.memory_space<vmem>>, vector<16xf32>,
          %mul3A_297 = arith.mulf %get3A_296, %broadcast_in_dim3A_293 : vector<16xf32>
          %swap3A_298 = arith.index_cast %add3A_290 : i32 to index
          %swap3A_299 = arith.constant 0 : index
          %swap3A_300 = tpu.vector_load %arg6[%swap3A_298, %swap3A_299] {strides = array<i32>} : memref<512x64xf32, #tpu.memory_space<vmem>>, vector<16xf32>,
          tpu.vector_store %arg6[%swap3A_298, %swap3A_299], %mul3A_297 {strides = array<i32>} : memref<512x64xf32, #tpu.memory_space<vmem>>, vector<16xf32>,
          %get3A_301 = arith.index_cast %add3A_290 : i32 to index
          %get3A_302 = arith.constant 16 : index
          %get3A_303 = tpu.vector_load %arg6[%get3A_301, %get3A_302] {strides = array<i32>} : memref<512x64xf32, #tpu.memory_space<vmem>>, vector<16xf32>,
          %mul3A_304 = arith.mulf %get3A_303, %broadcast_in_dim3A_293 : vector<16xf32>
          %swap3A_305 = arith.index_cast %add3A_290 : i32 to index
          %swap3A_306 = arith.constant 16 : index
          %swap3A_307 = tpu.vector_load %arg6[%swap3A_305, %swap3A_306] {strides = array<i32>} : memref<512x64xf32, #tpu.memory_space<vmem>>, vector<16xf32>,
          tpu.vector_store %arg6[%swap3A_305, %swap3A_306], %mul3A_304 {strides = array<i32>} : memref<512x64xf32, #tpu.memory_space<vmem>>, vector<16xf32>,
          %get3A_308 = arith.index_cast %add3A_290 : i32 to index
          %get3A_309 = arith.constant 32 : index
          %get3A_310 = tpu.vector_load %arg6[%get3A_308, %get3A_309] {strides = array<i32>} : memref<512x64xf32, #tpu.memory_space<vmem>>, vector<16xf32>,
          %mul3A_311 = arith.mulf %get3A_310, %broadcast_in_dim3A_293 : vector<16xf32>
          %swap3A_312 = arith.index_cast %add3A_290 : i32 to index
          %swap3A_313 = arith.constant 32 : index
          %swap3A_314 = tpu.vector_load %arg6[%swap3A_312, %swap3A_313] {strides = array<i32>} : memref<512x64xf32, #tpu.memory_space<vmem>>, vector<16xf32>,
          tpu.vector_store %arg6[%swap3A_312, %swap3A_313], %mul3A_311 {strides = array<i32>} : memref<512x64xf32, #tpu.memory_space<vmem>>, vector<16xf32>,
          %get3A_315 = arith.index_cast %add3A_290 : i32 to index
          %get3A_316 = arith.constant 48 : index
          %get3A_317 = tpu.vector_load %arg6[%get3A_315, %get3A_316] {strides = array<i32>} : memref<512x64xf32, #tpu.memory_space<vmem>>, vector<16xf32>,
          %mul3A_318 = arith.mulf %get3A_317, %broadcast_in_dim3A_293 : vector<16xf32>
          %swap3A_319 = arith.index_cast %add3A_290 : i32 to index
          %swap3A_320 = arith.constant 48 : index
          %swap3A_321 = tpu.vector_load %arg6[%swap3A_319, %swap3A_320] {strides = array<i32>} : memref<512x64xf32, #tpu.memory_space<vmem>>, vector<16xf32>,
          tpu.vector_store %arg6[%swap3A_319, %swap3A_320], %mul3A_318 {strides = array<i32>} : memref<512x64xf32, #tpu.memory_space<vmem>>, vector<16xf32>,
          %mul3A_322 = arith.constant 16 : i32
          %mul3A_323 = arith.muli %mul3A_322, %add3A_162 : i32
          %add3A_324 = arith.constant 4 : i32
          %add3A_325 = arith.addi %mul3A_323, %add3A_324 : i32
          %slice3A_326 = vector.extract_strided_slice %select_n3A {offsets = [4], sizes = [1], strides = [1]} : vector<16xf32> to vector<1xf32>
          %squeeze3A_327 = vector.extract %slice3A_326[0] : f32 from vector<1xf32>
          %broadcast_in_dim3A_328 = vector.broadcast %squeeze3A_327 : f32 to vector<16xf32>
          %get3A_329 = arith.index_cast %add3A_325 : i32 to index
          %get3A_330 = arith.constant 0 : index
          %get3A_331 = tpu.vector_load %arg6[%get3A_329, %get3A_330] {strides = array<i32>} : memref<512x64xf32, #tpu.memory_space<vmem>>, vector<16xf32>,
          %mul3A_332 = arith.mulf %get3A_331, %broadcast_in_dim3A_328 : vector<16xf32>
          %swap3A_333 = arith.index_cast %add3A_325 : i32 to index
          %swap3A_334 = arith.constant 0 : index
          %swap3A_335 = tpu.vector_load %arg6[%swap3A_333, %swap3A_334] {strides = array<i32>} : memref<512x64xf32, #tpu.memory_space<vmem>>, vector<16xf32>,
          tpu.vector_store %arg6[%swap3A_333, %swap3A_334], %mul3A_332 {strides = array<i32>} : memref<512x64xf32, #tpu.memory_space<vmem>>, vector<16xf32>,
          %get3A_336 = arith.index_cast %add3A_325 : i32 to index
          %get3A_337 = arith.constant 16 : index
          %get3A_338 = tpu.vector_load %arg6[%get3A_336, %get3A_337] {strides = array<i32>} : memref<512x64xf32, #tpu.memory_space<vmem>>, vector<16xf32>,
          %mul3A_339 = arith.mulf %get3A_338, %broadcast_in_dim3A_328 : vector<16xf32>
          %swap3A_340 = arith.index_cast %add3A_325 : i32 to index
          %swap3A_341 = arith.constant 16 : index
          %swap3A_342 = tpu.vector_load %arg6[%swap3A_340, %swap3A_341] {strides = array<i32>} : memref<512x64xf32, #tpu.memory_space<vmem>>, vector<16xf32>,
          tpu.vector_store %arg6[%swap3A_340, %swap3A_341], %mul3A_339 {strides = array<i32>} : memref<512x64xf32, #tpu.memory_space<vmem>>, vector<16xf32>,
          %get3A_343 = arith.index_cast %add3A_325 : i32 to index
          %get3A_344 = arith.constant 32 : index
          %get3A_345 = tpu.vector_load %arg6[%get3A_343, %get3A_344] {strides = array<i32>} : memref<512x64xf32, #tpu.memory_space<vmem>>, vector<16xf32>,
          %mul3A_346 = arith.mulf %get3A_345, %broadcast_in_dim3A_328 : vector<16xf32>
          %swap3A_347 = arith.index_cast %add3A_325 : i32 to index
          %swap3A_348 = arith.constant 32 : index
          %swap3A_349 = tpu.vector_load %arg6[%swap3A_347, %swap3A_348] {strides = array<i32>} : memref<512x64xf32, #tpu.memory_space<vmem>>, vector<16xf32>,
          tpu.vector_store %arg6[%swap3A_347, %swap3A_348], %mul3A_346 {strides = array<i32>} : memref<512x64xf32, #tpu.memory_space<vmem>>, vector<16xf32>,
          %get3A_350 = arith.index_cast %add3A_325 : i32 to index
          %get3A_351 = arith.constant 48 : index
          %get3A_352 = tpu.vector_load %arg6[%get3A_350, %get3A_351] {strides = array<i32>} : memref<512x64xf32, #tpu.memory_space<vmem>>, vector<16xf32>,
          %mul3A_353 = arith.mulf %get3A_352, %broadcast_in_dim3A_328 : vector<16xf32>
          %swap3A_354 = arith.index_cast %add3A_325 : i32 to index
          %swap3A_355 = arith.constant 48 : index
          %swap3A_356 = tpu.vector_load %arg6[%swap3A_354, %swap3A_355] {strides = array<i32>} : memref<512x64xf32, #tpu.memory_space<vmem>>, vector<16xf32>,
          tpu.vector_store %arg6[%swap3A_354, %swap3A_355], %mul3A_353 {strides = array<i32>} : memref<512x64xf32, #tpu.memory_space<vmem>>, vector<16xf32>,
          %mul3A_357 = arith.constant 16 : i32
          %mul3A_358 = arith.muli %mul3A_357, %add3A_162 : i32
          %add3A_359 = arith.constant 5 : i32
          %add3A_360 = arith.addi %mul3A_358, %add3A_359 : i32
          %slice3A_361 = vector.extract_strided_slice %select_n3A {offsets = [5], sizes = [1], strides = [1]} : vector<16xf32> to vector<1xf32>
          %squeeze3A_362 = vector.extract %slice3A_361[0] : f32 from vector<1xf32>
          %broadcast_in_dim3A_363 = vector.broadcast %squeeze3A_362 : f32 to vector<16xf32>
          %get3A_364 = arith.index_cast %add3A_360 : i32 to index
          %get3A_365 = arith.constant 0 : index
          %get3A_366 = tpu.vector_load %arg6[%get3A_364, %get3A_365] {strides = array<i32>} : memref<512x64xf32, #tpu.memory_space<vmem>>, vector<16xf32>,
          %mul3A_367 = arith.mulf %get3A_366, %broadcast_in_dim3A_363 : vector<16xf32>
          %swap3A_368 = arith.index_cast %add3A_360 : i32 to index
          %swap3A_369 = arith.constant 0 : index
          %swap3A_370 = tpu.vector_load %arg6[%swap3A_368, %swap3A_369] {strides = array<i32>} : memref<512x64xf32, #tpu.memory_space<vmem>>, vector<16xf32>,
          tpu.vector_store %arg6[%swap3A_368, %swap3A_369], %mul3A_367 {strides = array<i32>} : memref<512x64xf32, #tpu.memory_space<vmem>>, vector<16xf32>,
          %get3A_371 = arith.index_cast %add3A_360 : i32 to index
          %get3A_372 = arith.constant 16 : index
          %get3A_373 = tpu.vector_load %arg6[%get3A_371, %get3A_372] {strides = array<i32>} : memref<512x64xf32, #tpu.memory_space<vmem>>, vector<16xf32>,
          %mul3A_374 = arith.mulf %get3A_373, %broadcast_in_dim3A_363 : vector<16xf32>
          %swap3A_375 = arith.index_cast %add3A_360 : i32 to index
          %swap3A_376 = arith.constant 16 : index
          %swap3A_377 = tpu.vector_load %arg6[%swap3A_375, %swap3A_376] {strides = array<i32>} : memref<512x64xf32, #tpu.memory_space<vmem>>, vector<16xf32>,
          tpu.vector_store %arg6[%swap3A_375, %swap3A_376], %mul3A_374 {strides = array<i32>} : memref<512x64xf32, #tpu.memory_space<vmem>>, vector<16xf32>,
          %get3A_378 = arith.index_cast %add3A_360 : i32 to index
          %get3A_379 = arith.constant 32 : index
          %get3A_380 = tpu.vector_load %arg6[%get3A_378, %get3A_379] {strides = array<i32>} : memref<512x64xf32, #tpu.memory_space<vmem>>, vector<16xf32>,
          %mul3A_381 = arith.mulf %get3A_380, %broadcast_in_dim3A_363 : vector<16xf32>
          %swap3A_382 = arith.index_cast %add3A_360 : i32 to index
          %swap3A_383 = arith.constant 32 : index
          %swap3A_384 = tpu.vector_load %arg6[%swap3A_382, %swap3A_383] {strides = array<i32>} : memref<512x64xf32, #tpu.memory_space<vmem>>, vector<16xf32>,
          tpu.vector_store %arg6[%swap3A_382, %swap3A_383], %mul3A_381 {strides = array<i32>} : memref<512x64xf32, #tpu.memory_space<vmem>>, vector<16xf32>,
          %get3A_385 = arith.index_cast %add3A_360 : i32 to index
          %get3A_386 = arith.constant 48 : index
          %get3A_387 = tpu.vector_load %arg6[%get3A_385, %get3A_386] {strides = array<i32>} : memref<512x64xf32, #tpu.memory_space<vmem>>, vector<16xf32>,
          %mul3A_388 = arith.mulf %get3A_387, %broadcast_in_dim3A_363 : vector<16xf32>
          %swap3A_389 = arith.index_cast %add3A_360 : i32 to index
          %swap3A_390 = arith.constant 48 : index
          %swap3A_391 = tpu.vector_load %arg6[%swap3A_389, %swap3A_390] {strides = array<i32>} : memref<512x64xf32, #tpu.memory_space<vmem>>, vector<16xf32>,
          tpu.vector_store %arg6[%swap3A_389, %swap3A_390], %mul3A_388 {strides = array<i32>} : memref<512x64xf32, #tpu.memory_space<vmem>>, vector<16xf32>,
          %mul3A_392 = arith.constant 16 : i32
          %mul3A_393 = arith.muli %mul3A_392, %add3A_162 : i32
          %add3A_394 = arith.constant 6 : i32
          %add3A_395 = arith.addi %mul3A_393, %add3A_394 : i32
          %slice3A_396 = vector.extract_strided_slice %select_n3A {offsets = [6], sizes = [1], strides = [1]} : vector<16xf32> to vector<1xf32>
          %squeeze3A_397 = vector.extract %slice3A_396[0] : f32 from vector<1xf32>
          %broadcast_in_dim3A_398 = vector.broadcast %squeeze3A_397 : f32 to vector<16xf32>
          %get3A_399 = arith.index_cast %add3A_395 : i32 to index
          %get3A_400 = arith.constant 0 : index
          %get3A_401 = tpu.vector_load %arg6[%get3A_399, %get3A_400] {strides = array<i32>} : memref<512x64xf32, #tpu.memory_space<vmem>>, vector<16xf32>,
          %mul3A_402 = arith.mulf %get3A_401, %broadcast_in_dim3A_398 : vector<16xf32>
          %swap3A_403 = arith.index_cast %add3A_395 : i32 to index
          %swap3A_404 = arith.constant 0 : index
          %swap3A_405 = tpu.vector_load %arg6[%swap3A_403, %swap3A_404] {strides = array<i32>} : memref<512x64xf32, #tpu.memory_space<vmem>>, vector<16xf32>,
          tpu.vector_store %arg6[%swap3A_403, %swap3A_404], %mul3A_402 {strides = array<i32>} : memref<512x64xf32, #tpu.memory_space<vmem>>, vector<16xf32>,
          %get3A_406 = arith.index_cast %add3A_395 : i32 to index
          %get3A_407 = arith.constant 16 : index
          %get3A_408 = tpu.vector_load %arg6[%get3A_406, %get3A_407] {strides = array<i32>} : memref<512x64xf32, #tpu.memory_space<vmem>>, vector<16xf32>,
          %mul3A_409 = arith.mulf %get3A_408, %broadcast_in_dim3A_398 : vector<16xf32>
          %swap3A_410 = arith.index_cast %add3A_395 : i32 to index
          %swap3A_411 = arith.constant 16 : index
          %swap3A_412 = tpu.vector_load %arg6[%swap3A_410, %swap3A_411] {strides = array<i32>} : memref<512x64xf32, #tpu.memory_space<vmem>>, vector<16xf32>,
          tpu.vector_store %arg6[%swap3A_410, %swap3A_411], %mul3A_409 {strides = array<i32>} : memref<512x64xf32, #tpu.memory_space<vmem>>, vector<16xf32>,
          %get3A_413 = arith.index_cast %add3A_395 : i32 to index
          %get3A_414 = arith.constant 32 : index
          %get3A_415 = tpu.vector_load %arg6[%get3A_413, %get3A_414] {strides = array<i32>} : memref<512x64xf32, #tpu.memory_space<vmem>>, vector<16xf32>,
          %mul3A_416 = arith.mulf %get3A_415, %broadcast_in_dim3A_398 : vector<16xf32>
          %swap3A_417 = arith.index_cast %add3A_395 : i32 to index
          %swap3A_418 = arith.constant 32 : index
          %swap3A_419 = tpu.vector_load %arg6[%swap3A_417, %swap3A_418] {strides = array<i32>} : memref<512x64xf32, #tpu.memory_space<vmem>>, vector<16xf32>,
          tpu.vector_store %arg6[%swap3A_417, %swap3A_418], %mul3A_416 {strides = array<i32>} : memref<512x64xf32, #tpu.memory_space<vmem>>, vector<16xf32>,
          %get3A_420 = arith.index_cast %add3A_395 : i32 to index
          %get3A_421 = arith.constant 48 : index
          %get3A_422 = tpu.vector_load %arg6[%get3A_420, %get3A_421] {strides = array<i32>} : memref<512x64xf32, #tpu.memory_space<vmem>>, vector<16xf32>,
          %mul3A_423 = arith.mulf %get3A_422, %broadcast_in_dim3A_398 : vector<16xf32>
          %swap3A_424 = arith.index_cast %add3A_395 : i32 to index
          %swap3A_425 = arith.constant 48 : index
          %swap3A_426 = tpu.vector_load %arg6[%swap3A_424, %swap3A_425] {strides = array<i32>} : memref<512x64xf32, #tpu.memory_space<vmem>>, vector<16xf32>,
          tpu.vector_store %arg6[%swap3A_424, %swap3A_425], %mul3A_423 {strides = array<i32>} : memref<512x64xf32, #tpu.memory_space<vmem>>, vector<16xf32>,
          %mul3A_427 = arith.constant 16 : i32
          %mul3A_428 = arith.muli %mul3A_427, %add3A_162 : i32
          %add3A_429 = arith.constant 7 : i32
          %add3A_430 = arith.addi %mul3A_428, %add3A_429 : i32
          %slice3A_431 = vector.extract_strided_slice %select_n3A {offsets = [7], sizes = [1], strides = [1]} : vector<16xf32> to vector<1xf32>
          %squeeze3A_432 = vector.extract %slice3A_431[0] : f32 from vector<1xf32>
          %broadcast_in_dim3A_433 = vector.broadcast %squeeze3A_432 : f32 to vector<16xf32>
          %get3A_434 = arith.index_cast %add3A_430 : i32 to index
          %get3A_435 = arith.constant 0 : index
          %get3A_436 = tpu.vector_load %arg6[%get3A_434, %get3A_435] {strides = array<i32>} : memref<512x64xf32, #tpu.memory_space<vmem>>, vector<16xf32>,
          %mul3A_437 = arith.mulf %get3A_436, %broadcast_in_dim3A_433 : vector<16xf32>
          %swap3A_438 = arith.index_cast %add3A_430 : i32 to index
          %swap3A_439 = arith.constant 0 : index
          %swap3A_440 = tpu.vector_load %arg6[%swap3A_438, %swap3A_439] {strides = array<i32>} : memref<512x64xf32, #tpu.memory_space<vmem>>, vector<16xf32>,
          tpu.vector_store %arg6[%swap3A_438, %swap3A_439], %mul3A_437 {strides = array<i32>} : memref<512x64xf32, #tpu.memory_space<vmem>>, vector<16xf32>,
          %get3A_441 = arith.index_cast %add3A_430 : i32 to index
          %get3A_442 = arith.constant 16 : index
          %get3A_443 = tpu.vector_load %arg6[%get3A_441, %get3A_442] {strides = array<i32>} : memref<512x64xf32, #tpu.memory_space<vmem>>, vector<16xf32>,
          %mul3A_444 = arith.mulf %get3A_443, %broadcast_in_dim3A_433 : vector<16xf32>
          %swap3A_445 = arith.index_cast %add3A_430 : i32 to index
          %swap3A_446 = arith.constant 16 : index
          %swap3A_447 = tpu.vector_load %arg6[%swap3A_445, %swap3A_446] {strides = array<i32>} : memref<512x64xf32, #tpu.memory_space<vmem>>, vector<16xf32>,
          tpu.vector_store %arg6[%swap3A_445, %swap3A_446], %mul3A_444 {strides = array<i32>} : memref<512x64xf32, #tpu.memory_space<vmem>>, vector<16xf32>,
          %get3A_448 = arith.index_cast %add3A_430 : i32 to index
          %get3A_449 = arith.constant 32 : index
          %get3A_450 = tpu.vector_load %arg6[%get3A_448, %get3A_449] {strides = array<i32>} : memref<512x64xf32, #tpu.memory_space<vmem>>, vector<16xf32>,
          %mul3A_451 = arith.mulf %get3A_450, %broadcast_in_dim3A_433 : vector<16xf32>
          %swap3A_452 = arith.index_cast %add3A_430 : i32 to index
          %swap3A_453 = arith.constant 32 : index
          %swap3A_454 = tpu.vector_load %arg6[%swap3A_452, %swap3A_453] {strides = array<i32>} : memref<512x64xf32, #tpu.memory_space<vmem>>, vector<16xf32>,
          tpu.vector_store %arg6[%swap3A_452, %swap3A_453], %mul3A_451 {strides = array<i32>} : memref<512x64xf32, #tpu.memory_space<vmem>>, vector<16xf32>,
          %get3A_455 = arith.index_cast %add3A_430 : i32 to index
          %get3A_456 = arith.constant 48 : index
          %get3A_457 = tpu.vector_load %arg6[%get3A_455, %get3A_456] {strides = array<i32>} : memref<512x64xf32, #tpu.memory_space<vmem>>, vector<16xf32>,
          %mul3A_458 = arith.mulf %get3A_457, %broadcast_in_dim3A_433 : vector<16xf32>
          %swap3A_459 = arith.index_cast %add3A_430 : i32 to index
          %swap3A_460 = arith.constant 48 : index
          %swap3A_461 = tpu.vector_load %arg6[%swap3A_459, %swap3A_460] {strides = array<i32>} : memref<512x64xf32, #tpu.memory_space<vmem>>, vector<16xf32>,
          tpu.vector_store %arg6[%swap3A_459, %swap3A_460], %mul3A_458 {strides = array<i32>} : memref<512x64xf32, #tpu.memory_space<vmem>>, vector<16xf32>,
          %mul3A_462 = arith.constant 16 : i32
          %mul3A_463 = arith.muli %mul3A_462, %add3A_162 : i32
          %add3A_464 = arith.constant 8 : i32
          %add3A_465 = arith.addi %mul3A_463, %add3A_464 : i32
          %slice3A_466 = vector.extract_strided_slice %select_n3A {offsets = [8], sizes = [1], strides = [1]} : vector<16xf32> to vector<1xf32>
          %squeeze3A_467 = vector.extract %slice3A_466[0] : f32 from vector<1xf32>
          %broadcast_in_dim3A_468 = vector.broadcast %squeeze3A_467 : f32 to vector<16xf32>
          %get3A_469 = arith.index_cast %add3A_465 : i32 to index
          %get3A_470 = arith.constant 0 : index
          %get3A_471 = tpu.vector_load %arg6[%get3A_469, %get3A_470] {strides = array<i32>} : memref<512x64xf32, #tpu.memory_space<vmem>>, vector<16xf32>,
          %mul3A_472 = arith.mulf %get3A_471, %broadcast_in_dim3A_468 : vector<16xf32>
          %swap3A_473 = arith.index_cast %add3A_465 : i32 to index
          %swap3A_474 = arith.constant 0 : index
          %swap3A_475 = tpu.vector_load %arg6[%swap3A_473, %swap3A_474] {strides = array<i32>} : memref<512x64xf32, #tpu.memory_space<vmem>>, vector<16xf32>,
          tpu.vector_store %arg6[%swap3A_473, %swap3A_474], %mul3A_472 {strides = array<i32>} : memref<512x64xf32, #tpu.memory_space<vmem>>, vector<16xf32>,
          %get3A_476 = arith.index_cast %add3A_465 : i32 to index
          %get3A_477 = arith.constant 16 : index
          %get3A_478 = tpu.vector_load %arg6[%get3A_476, %get3A_477] {strides = array<i32>} : memref<512x64xf32, #tpu.memory_space<vmem>>, vector<16xf32>,
          %mul3A_479 = arith.mulf %get3A_478, %broadcast_in_dim3A_468 : vector<16xf32>
          %swap3A_480 = arith.index_cast %add3A_465 : i32 to index
          %swap3A_481 = arith.constant 16 : index
          %swap3A_482 = tpu.vector_load %arg6[%swap3A_480, %swap3A_481] {strides = array<i32>} : memref<512x64xf32, #tpu.memory_space<vmem>>, vector<16xf32>,
          tpu.vector_store %arg6[%swap3A_480, %swap3A_481], %mul3A_479 {strides = array<i32>} : memref<512x64xf32, #tpu.memory_space<vmem>>, vector<16xf32>,
          %get3A_483 = arith.index_cast %add3A_465 : i32 to index
          %get3A_484 = arith.constant 32 : index
          %get3A_485 = tpu.vector_load %arg6[%get3A_483, %get3A_484] {strides = array<i32>} : memref<512x64xf32, #tpu.memory_space<vmem>>, vector<16xf32>,
          %mul3A_486 = arith.mulf %get3A_485, %broadcast_in_dim3A_468 : vector<16xf32>
          %swap3A_487 = arith.index_cast %add3A_465 : i32 to index
          %swap3A_488 = arith.constant 32 : index
          %swap3A_489 = tpu.vector_load %arg6[%swap3A_487, %swap3A_488] {strides = array<i32>} : memref<512x64xf32, #tpu.memory_space<vmem>>, vector<16xf32>,
          tpu.vector_store %arg6[%swap3A_487, %swap3A_488], %mul3A_486 {strides = array<i32>} : memref<512x64xf32, #tpu.memory_space<vmem>>, vector<16xf32>,
          %get3A_490 = arith.index_cast %add3A_465 : i32 to index
          %get3A_491 = arith.constant 48 : index
          %get3A_492 = tpu.vector_load %arg6[%get3A_490, %get3A_491] {strides = array<i32>} : memref<512x64xf32, #tpu.memory_space<vmem>>, vector<16xf32>,
          %mul3A_493 = arith.mulf %get3A_492, %broadcast_in_dim3A_468 : vector<16xf32>
          %swap3A_494 = arith.index_cast %add3A_465 : i32 to index
          %swap3A_495 = arith.constant 48 : index
          %swap3A_496 = tpu.vector_load %arg6[%swap3A_494, %swap3A_495] {strides = array<i32>} : memref<512x64xf32, #tpu.memory_space<vmem>>, vector<16xf32>,
          tpu.vector_store %arg6[%swap3A_494, %swap3A_495], %mul3A_493 {strides = array<i32>} : memref<512x64xf32, #tpu.memory_space<vmem>>, vector<16xf32>,
          %mul3A_497 = arith.constant 16 : i32
          %mul3A_498 = arith.muli %mul3A_497, %add3A_162 : i32
          %add3A_499 = arith.constant 9 : i32
          %add3A_500 = arith.addi %mul3A_498, %add3A_499 : i32
          %slice3A_501 = vector.extract_strided_slice %select_n3A {offsets = [9], sizes = [1], strides = [1]} : vector<16xf32> to vector<1xf32>
          %squeeze3A_502 = vector.extract %slice3A_501[0] : f32 from vector<1xf32>
          %broadcast_in_dim3A_503 = vector.broadcast %squeeze3A_502 : f32 to vector<16xf32>
          %get3A_504 = arith.index_cast %add3A_500 : i32 to index
          %get3A_505 = arith.constant 0 : index
          %get3A_506 = tpu.vector_load %arg6[%get3A_504, %get3A_505] {strides = array<i32>} : memref<512x64xf32, #tpu.memory_space<vmem>>, vector<16xf32>,
          %mul3A_507 = arith.mulf %get3A_506, %broadcast_in_dim3A_503 : vector<16xf32>
          %swap3A_508 = arith.index_cast %add3A_500 : i32 to index
          %swap3A_509 = arith.constant 0 : index
          %swap3A_510 = tpu.vector_load %arg6[%swap3A_508, %swap3A_509] {strides = array<i32>} : memref<512x64xf32, #tpu.memory_space<vmem>>, vector<16xf32>,
          tpu.vector_store %arg6[%swap3A_508, %swap3A_509], %mul3A_507 {strides = array<i32>} : memref<512x64xf32, #tpu.memory_space<vmem>>, vector<16xf32>,
          %get3A_511 = arith.index_cast %add3A_500 : i32 to index
          %get3A_512 = arith.constant 16 : index
          %get3A_513 = tpu.vector_load %arg6[%get3A_511, %get3A_512] {strides = array<i32>} : memref<512x64xf32, #tpu.memory_space<vmem>>, vector<16xf32>,
          %mul3A_514 = arith.mulf %get3A_513, %broadcast_in_dim3A_503 : vector<16xf32>
          %swap3A_515 = arith.index_cast %add3A_500 : i32 to index
          %swap3A_516 = arith.constant 16 : index
          %swap3A_517 = tpu.vector_load %arg6[%swap3A_515, %swap3A_516] {strides = array<i32>} : memref<512x64xf32, #tpu.memory_space<vmem>>, vector<16xf32>,
          tpu.vector_store %arg6[%swap3A_515, %swap3A_516], %mul3A_514 {strides = array<i32>} : memref<512x64xf32, #tpu.memory_space<vmem>>, vector<16xf32>,
          %get3A_518 = arith.index_cast %add3A_500 : i32 to index
          %get3A_519 = arith.constant 32 : index
          %get3A_520 = tpu.vector_load %arg6[%get3A_518, %get3A_519] {strides = array<i32>} : memref<512x64xf32, #tpu.memory_space<vmem>>, vector<16xf32>,
          %mul3A_521 = arith.mulf %get3A_520, %broadcast_in_dim3A_503 : vector<16xf32>
          %swap3A_522 = arith.index_cast %add3A_500 : i32 to index
          %swap3A_523 = arith.constant 32 : index
          %swap3A_524 = tpu.vector_load %arg6[%swap3A_522, %swap3A_523] {strides = array<i32>} : memref<512x64xf32, #tpu.memory_space<vmem>>, vector<16xf32>,
          tpu.vector_store %arg6[%swap3A_522, %swap3A_523], %mul3A_521 {strides = array<i32>} : memref<512x64xf32, #tpu.memory_space<vmem>>, vector<16xf32>,
          %get3A_525 = arith.index_cast %add3A_500 : i32 to index
          %get3A_526 = arith.constant 48 : index
          %get3A_527 = tpu.vector_load %arg6[%get3A_525, %get3A_526] {strides = array<i32>} : memref<512x64xf32, #tpu.memory_space<vmem>>, vector<16xf32>,
          %mul3A_528 = arith.mulf %get3A_527, %broadcast_in_dim3A_503 : vector<16xf32>
          %swap3A_529 = arith.index_cast %add3A_500 : i32 to index
          %swap3A_530 = arith.constant 48 : index
          %swap3A_531 = tpu.vector_load %arg6[%swap3A_529, %swap3A_530] {strides = array<i32>} : memref<512x64xf32, #tpu.memory_space<vmem>>, vector<16xf32>,
          tpu.vector_store %arg6[%swap3A_529, %swap3A_530], %mul3A_528 {strides = array<i32>} : memref<512x64xf32, #tpu.memory_space<vmem>>, vector<16xf32>,
          %mul3A_532 = arith.constant 16 : i32
          %mul3A_533 = arith.muli %mul3A_532, %add3A_162 : i32
          %add3A_534 = arith.constant 10 : i32
          %add3A_535 = arith.addi %mul3A_533, %add3A_534 : i32
          %slice3A_536 = vector.extract_strided_slice %select_n3A {offsets = [10], sizes = [1], strides = [1]} : vector<16xf32> to vector<1xf32>
          %squeeze3A_537 = vector.extract %slice3A_536[0] : f32 from vector<1xf32>
          %broadcast_in_dim3A_538 = vector.broadcast %squeeze3A_537 : f32 to vector<16xf32>
          %get3A_539 = arith.index_cast %add3A_535 : i32 to index
          %get3A_540 = arith.constant 0 : index
          %get3A_541 = tpu.vector_load %arg6[%get3A_539, %get3A_540] {strides = array<i32>} : memref<512x64xf32, #tpu.memory_space<vmem>>, vector<16xf32>,
          %mul3A_542 = arith.mulf %get3A_541, %broadcast_in_dim3A_538 : vector<16xf32>
          %swap3A_543 = arith.index_cast %add3A_535 : i32 to index
          %swap3A_544 = arith.constant 0 : index
          %swap3A_545 = tpu.vector_load %arg6[%swap3A_543, %swap3A_544] {strides = array<i32>} : memref<512x64xf32, #tpu.memory_space<vmem>>, vector<16xf32>,
          tpu.vector_store %arg6[%swap3A_543, %swap3A_544], %mul3A_542 {strides = array<i32>} : memref<512x64xf32, #tpu.memory_space<vmem>>, vector<16xf32>,
          %get3A_546 = arith.index_cast %add3A_535 : i32 to index
          %get3A_547 = arith.constant 16 : index
          %get3A_548 = tpu.vector_load %arg6[%get3A_546, %get3A_547] {strides = array<i32>} : memref<512x64xf32, #tpu.memory_space<vmem>>, vector<16xf32>,
          %mul3A_549 = arith.mulf %get3A_548, %broadcast_in_dim3A_538 : vector<16xf32>
          %swap3A_550 = arith.index_cast %add3A_535 : i32 to index
          %swap3A_551 = arith.constant 16 : index
          %swap3A_552 = tpu.vector_load %arg6[%swap3A_550, %swap3A_551] {strides = array<i32>} : memref<512x64xf32, #tpu.memory_space<vmem>>, vector<16xf32>,
          tpu.vector_store %arg6[%swap3A_550, %swap3A_551], %mul3A_549 {strides = array<i32>} : memref<512x64xf32, #tpu.memory_space<vmem>>, vector<16xf32>,
          %get3A_553 = arith.index_cast %add3A_535 : i32 to index
          %get3A_554 = arith.constant 32 : index
          %get3A_555 = tpu.vector_load %arg6[%get3A_553, %get3A_554] {strides = array<i32>} : memref<512x64xf32, #tpu.memory_space<vmem>>, vector<16xf32>,
          %mul3A_556 = arith.mulf %get3A_555, %broadcast_in_dim3A_538 : vector<16xf32>
          %swap3A_557 = arith.index_cast %add3A_535 : i32 to index
          %swap3A_558 = arith.constant 32 : index
          %swap3A_559 = tpu.vector_load %arg6[%swap3A_557, %swap3A_558] {strides = array<i32>} : memref<512x64xf32, #tpu.memory_space<vmem>>, vector<16xf32>,
          tpu.vector_store %arg6[%swap3A_557, %swap3A_558], %mul3A_556 {strides = array<i32>} : memref<512x64xf32, #tpu.memory_space<vmem>>, vector<16xf32>,
          %get3A_560 = arith.index_cast %add3A_535 : i32 to index
          %get3A_561 = arith.constant 48 : index
          %get3A_562 = tpu.vector_load %arg6[%get3A_560, %get3A_561] {strides = array<i32>} : memref<512x64xf32, #tpu.memory_space<vmem>>, vector<16xf32>,
          %mul3A_563 = arith.mulf %get3A_562, %broadcast_in_dim3A_538 : vector<16xf32>
          %swap3A_564 = arith.index_cast %add3A_535 : i32 to index
          %swap3A_565 = arith.constant 48 : index
          %swap3A_566 = tpu.vector_load %arg6[%swap3A_564, %swap3A_565] {strides = array<i32>} : memref<512x64xf32, #tpu.memory_space<vmem>>, vector<16xf32>,
          tpu.vector_store %arg6[%swap3A_564, %swap3A_565], %mul3A_563 {strides = array<i32>} : memref<512x64xf32, #tpu.memory_space<vmem>>, vector<16xf32>,
          %mul3A_567 = arith.constant 16 : i32
          %mul3A_568 = arith.muli %mul3A_567, %add3A_162 : i32
          %add3A_569 = arith.constant 11 : i32
          %add3A_570 = arith.addi %mul3A_568, %add3A_569 : i32
          %slice3A_571 = vector.extract_strided_slice %select_n3A {offsets = [11], sizes = [1], strides = [1]} : vector<16xf32> to vector<1xf32>
          %squeeze3A_572 = vector.extract %slice3A_571[0] : f32 from vector<1xf32>
          %broadcast_in_dim3A_573 = vector.broadcast %squeeze3A_572 : f32 to vector<16xf32>
          %get3A_574 = arith.index_cast %add3A_570 : i32 to index
          %get3A_575 = arith.constant 0 : index
          %get3A_576 = tpu.vector_load %arg6[%get3A_574, %get3A_575] {strides = array<i32>} : memref<512x64xf32, #tpu.memory_space<vmem>>, vector<16xf32>,
          %mul3A_577 = arith.mulf %get3A_576, %broadcast_in_dim3A_573 : vector<16xf32>
          %swap3A_578 = arith.index_cast %add3A_570 : i32 to index
          %swap3A_579 = arith.constant 0 : index
          %swap3A_580 = tpu.vector_load %arg6[%swap3A_578, %swap3A_579] {strides = array<i32>} : memref<512x64xf32, #tpu.memory_space<vmem>>, vector<16xf32>,
          tpu.vector_store %arg6[%swap3A_578, %swap3A_579], %mul3A_577 {strides = array<i32>} : memref<512x64xf32, #tpu.memory_space<vmem>>, vector<16xf32>,
          %get3A_581 = arith.index_cast %add3A_570 : i32 to index
          %get3A_582 = arith.constant 16 : index
          %get3A_583 = tpu.vector_load %arg6[%get3A_581, %get3A_582] {strides = array<i32>} : memref<512x64xf32, #tpu.memory_space<vmem>>, vector<16xf32>,
          %mul3A_584 = arith.mulf %get3A_583, %broadcast_in_dim3A_573 : vector<16xf32>
          %swap3A_585 = arith.index_cast %add3A_570 : i32 to index
          %swap3A_586 = arith.constant 16 : index
          %swap3A_587 = tpu.vector_load %arg6[%swap3A_585, %swap3A_586] {strides = array<i32>} : memref<512x64xf32, #tpu.memory_space<vmem>>, vector<16xf32>,
          tpu.vector_store %arg6[%swap3A_585, %swap3A_586], %mul3A_584 {strides = array<i32>} : memref<512x64xf32, #tpu.memory_space<vmem>>, vector<16xf32>,
          %get3A_588 = arith.index_cast %add3A_570 : i32 to index
          %get3A_589 = arith.constant 32 : index
          %get3A_590 = tpu.vector_load %arg6[%get3A_588, %get3A_589] {strides = array<i32>} : memref<512x64xf32, #tpu.memory_space<vmem>>, vector<16xf32>,
          %mul3A_591 = arith.mulf %get3A_590, %broadcast_in_dim3A_573 : vector<16xf32>
          %swap3A_592 = arith.index_cast %add3A_570 : i32 to index
          %swap3A_593 = arith.constant 32 : index
          %swap3A_594 = tpu.vector_load %arg6[%swap3A_592, %swap3A_593] {strides = array<i32>} : memref<512x64xf32, #tpu.memory_space<vmem>>, vector<16xf32>,
          tpu.vector_store %arg6[%swap3A_592, %swap3A_593], %mul3A_591 {strides = array<i32>} : memref<512x64xf32, #tpu.memory_space<vmem>>, vector<16xf32>,
          %get3A_595 = arith.index_cast %add3A_570 : i32 to index
          %get3A_596 = arith.constant 48 : index
          %get3A_597 = tpu.vector_load %arg6[%get3A_595, %get3A_596] {strides = array<i32>} : memref<512x64xf32, #tpu.memory_space<vmem>>, vector<16xf32>,
          %mul3A_598 = arith.mulf %get3A_597, %broadcast_in_dim3A_573 : vector<16xf32>
          %swap3A_599 = arith.index_cast %add3A_570 : i32 to index
          %swap3A_600 = arith.constant 48 : index
          %swap3A_601 = tpu.vector_load %arg6[%swap3A_599, %swap3A_600] {strides = array<i32>} : memref<512x64xf32, #tpu.memory_space<vmem>>, vector<16xf32>,
          tpu.vector_store %arg6[%swap3A_599, %swap3A_600], %mul3A_598 {strides = array<i32>} : memref<512x64xf32, #tpu.memory_space<vmem>>, vector<16xf32>,
          %mul3A_602 = arith.constant 16 : i32
          %mul3A_603 = arith.muli %mul3A_602, %add3A_162 : i32
          %add3A_604 = arith.constant 12 : i32
          %add3A_605 = arith.addi %mul3A_603, %add3A_604 : i32
          %slice3A_606 = vector.extract_strided_slice %select_n3A {offsets = [12], sizes = [1], strides = [1]} : vector<16xf32> to vector<1xf32>
          %squeeze3A_607 = vector.extract %slice3A_606[0] : f32 from vector<1xf32>
          %broadcast_in_dim3A_608 = vector.broadcast %squeeze3A_607 : f32 to vector<16xf32>
          %get3A_609 = arith.index_cast %add3A_605 : i32 to index
          %get3A_610 = arith.constant 0 : index
          %get3A_611 = tpu.vector_load %arg6[%get3A_609, %get3A_610] {strides = array<i32>} : memref<512x64xf32, #tpu.memory_space<vmem>>, vector<16xf32>,
          %mul3A_612 = arith.mulf %get3A_611, %broadcast_in_dim3A_608 : vector<16xf32>
          %swap3A_613 = arith.index_cast %add3A_605 : i32 to index
          %swap3A_614 = arith.constant 0 : index
          %swap3A_615 = tpu.vector_load %arg6[%swap3A_613, %swap3A_614] {strides = array<i32>} : memref<512x64xf32, #tpu.memory_space<vmem>>, vector<16xf32>,
          tpu.vector_store %arg6[%swap3A_613, %swap3A_614], %mul3A_612 {strides = array<i32>} : memref<512x64xf32, #tpu.memory_space<vmem>>, vector<16xf32>,
          %get3A_616 = arith.index_cast %add3A_605 : i32 to index
          %get3A_617 = arith.constant 16 : index
          %get3A_618 = tpu.vector_load %arg6[%get3A_616, %get3A_617] {strides = array<i32>} : memref<512x64xf32, #tpu.memory_space<vmem>>, vector<16xf32>,
          %mul3A_619 = arith.mulf %get3A_618, %broadcast_in_dim3A_608 : vector<16xf32>
          %swap3A_620 = arith.index_cast %add3A_605 : i32 to index
          %swap3A_621 = arith.constant 16 : index
          %swap3A_622 = tpu.vector_load %arg6[%swap3A_620, %swap3A_621] {strides = array<i32>} : memref<512x64xf32, #tpu.memory_space<vmem>>, vector<16xf32>,
          tpu.vector_store %arg6[%swap3A_620, %swap3A_621], %mul3A_619 {strides = array<i32>} : memref<512x64xf32, #tpu.memory_space<vmem>>, vector<16xf32>,
          %get3A_623 = arith.index_cast %add3A_605 : i32 to index
          %get3A_624 = arith.constant 32 : index
          %get3A_625 = tpu.vector_load %arg6[%get3A_623, %get3A_624] {strides = array<i32>} : memref<512x64xf32, #tpu.memory_space<vmem>>, vector<16xf32>,
          %mul3A_626 = arith.mulf %get3A_625, %broadcast_in_dim3A_608 : vector<16xf32>
          %swap3A_627 = arith.index_cast %add3A_605 : i32 to index
          %swap3A_628 = arith.constant 32 : index
          %swap3A_629 = tpu.vector_load %arg6[%swap3A_627, %swap3A_628] {strides = array<i32>} : memref<512x64xf32, #tpu.memory_space<vmem>>, vector<16xf32>,
          tpu.vector_store %arg6[%swap3A_627, %swap3A_628], %mul3A_626 {strides = array<i32>} : memref<512x64xf32, #tpu.memory_space<vmem>>, vector<16xf32>,
          %get3A_630 = arith.index_cast %add3A_605 : i32 to index
          %get3A_631 = arith.constant 48 : index
          %get3A_632 = tpu.vector_load %arg6[%get3A_630, %get3A_631] {strides = array<i32>} : memref<512x64xf32, #tpu.memory_space<vmem>>, vector<16xf32>,
          %mul3A_633 = arith.mulf %get3A_632, %broadcast_in_dim3A_608 : vector<16xf32>
          %swap3A_634 = arith.index_cast %add3A_605 : i32 to index
          %swap3A_635 = arith.constant 48 : index
          %swap3A_636 = tpu.vector_load %arg6[%swap3A_634, %swap3A_635] {strides = array<i32>} : memref<512x64xf32, #tpu.memory_space<vmem>>, vector<16xf32>,
          tpu.vector_store %arg6[%swap3A_634, %swap3A_635], %mul3A_633 {strides = array<i32>} : memref<512x64xf32, #tpu.memory_space<vmem>>, vector<16xf32>,
          %mul3A_637 = arith.constant 16 : i32
          %mul3A_638 = arith.muli %mul3A_637, %add3A_162 : i32
          %add3A_639 = arith.constant 13 : i32
          %add3A_640 = arith.addi %mul3A_638, %add3A_639 : i32
          %slice3A_641 = vector.extract_strided_slice %select_n3A {offsets = [13], sizes = [1], strides = [1]} : vector<16xf32> to vector<1xf32>
          %squeeze3A_642 = vector.extract %slice3A_641[0] : f32 from vector<1xf32>
          %broadcast_in_dim3A_643 = vector.broadcast %squeeze3A_642 : f32 to vector<16xf32>
          %get3A_644 = arith.index_cast %add3A_640 : i32 to index
          %get3A_645 = arith.constant 0 : index
          %get3A_646 = tpu.vector_load %arg6[%get3A_644, %get3A_645] {strides = array<i32>} : memref<512x64xf32, #tpu.memory_space<vmem>>, vector<16xf32>,
          %mul3A_647 = arith.mulf %get3A_646, %broadcast_in_dim3A_643 : vector<16xf32>
          %swap3A_648 = arith.index_cast %add3A_640 : i32 to index
          %swap3A_649 = arith.constant 0 : index
          %swap3A_650 = tpu.vector_load %arg6[%swap3A_648, %swap3A_649] {strides = array<i32>} : memref<512x64xf32, #tpu.memory_space<vmem>>, vector<16xf32>,
          tpu.vector_store %arg6[%swap3A_648, %swap3A_649], %mul3A_647 {strides = array<i32>} : memref<512x64xf32, #tpu.memory_space<vmem>>, vector<16xf32>,
          %get3A_651 = arith.index_cast %add3A_640 : i32 to index
          %get3A_652 = arith.constant 16 : index
          %get3A_653 = tpu.vector_load %arg6[%get3A_651, %get3A_652] {strides = array<i32>} : memref<512x64xf32, #tpu.memory_space<vmem>>, vector<16xf32>,
          %mul3A_654 = arith.mulf %get3A_653, %broadcast_in_dim3A_643 : vector<16xf32>
          %swap3A_655 = arith.index_cast %add3A_640 : i32 to index
          %swap3A_656 = arith.constant 16 : index
          %swap3A_657 = tpu.vector_load %arg6[%swap3A_655, %swap3A_656] {strides = array<i32>} : memref<512x64xf32, #tpu.memory_space<vmem>>, vector<16xf32>,
          tpu.vector_store %arg6[%swap3A_655, %swap3A_656], %mul3A_654 {strides = array<i32>} : memref<512x64xf32, #tpu.memory_space<vmem>>, vector<16xf32>,
          %get3A_658 = arith.index_cast %add3A_640 : i32 to index
          %get3A_659 = arith.constant 32 : index
          %get3A_660 = tpu.vector_load %arg6[%get3A_658, %get3A_659] {strides = array<i32>} : memref<512x64xf32, #tpu.memory_space<vmem>>, vector<16xf32>,
          %mul3A_661 = arith.mulf %get3A_660, %broadcast_in_dim3A_643 : vector<16xf32>
          %swap3A_662 = arith.index_cast %add3A_640 : i32 to index
          %swap3A_663 = arith.constant 32 : index
          %swap3A_664 = tpu.vector_load %arg6[%swap3A_662, %swap3A_663] {strides = array<i32>} : memref<512x64xf32, #tpu.memory_space<vmem>>, vector<16xf32>,
          tpu.vector_store %arg6[%swap3A_662, %swap3A_663], %mul3A_661 {strides = array<i32>} : memref<512x64xf32, #tpu.memory_space<vmem>>, vector<16xf32>,
          %get3A_665 = arith.index_cast %add3A_640 : i32 to index
          %get3A_666 = arith.constant 48 : index
          %get3A_667 = tpu.vector_load %arg6[%get3A_665, %get3A_666] {strides = array<i32>} : memref<512x64xf32, #tpu.memory_space<vmem>>, vector<16xf32>,
          %mul3A_668 = arith.mulf %get3A_667, %broadcast_in_dim3A_643 : vector<16xf32>
          %swap3A_669 = arith.index_cast %add3A_640 : i32 to index
          %swap3A_670 = arith.constant 48 : index
          %swap3A_671 = tpu.vector_load %arg6[%swap3A_669, %swap3A_670] {strides = array<i32>} : memref<512x64xf32, #tpu.memory_space<vmem>>, vector<16xf32>,
          tpu.vector_store %arg6[%swap3A_669, %swap3A_670], %mul3A_668 {strides = array<i32>} : memref<512x64xf32, #tpu.memory_space<vmem>>, vector<16xf32>,
          %mul3A_672 = arith.constant 16 : i32
          %mul3A_673 = arith.muli %mul3A_672, %add3A_162 : i32
          %add3A_674 = arith.constant 14 : i32
          %add3A_675 = arith.addi %mul3A_673, %add3A_674 : i32
          %slice3A_676 = vector.extract_strided_slice %select_n3A {offsets = [14], sizes = [1], strides = [1]} : vector<16xf32> to vector<1xf32>
          %squeeze3A_677 = vector.extract %slice3A_676[0] : f32 from vector<1xf32>
          %broadcast_in_dim3A_678 = vector.broadcast %squeeze3A_677 : f32 to vector<16xf32>
          %get3A_679 = arith.index_cast %add3A_675 : i32 to index
          %get3A_680 = arith.constant 0 : index
          %get3A_681 = tpu.vector_load %arg6[%get3A_679, %get3A_680] {strides = array<i32>} : memref<512x64xf32, #tpu.memory_space<vmem>>, vector<16xf32>,
          %mul3A_682 = arith.mulf %get3A_681, %broadcast_in_dim3A_678 : vector<16xf32>
          %swap3A_683 = arith.index_cast %add3A_675 : i32 to index
          %swap3A_684 = arith.constant 0 : index
          %swap3A_685 = tpu.vector_load %arg6[%swap3A_683, %swap3A_684] {strides = array<i32>} : memref<512x64xf32, #tpu.memory_space<vmem>>, vector<16xf32>,
          tpu.vector_store %arg6[%swap3A_683, %swap3A_684], %mul3A_682 {strides = array<i32>} : memref<512x64xf32, #tpu.memory_space<vmem>>, vector<16xf32>,
          %get3A_686 = arith.index_cast %add3A_675 : i32 to index
          %get3A_687 = arith.constant 16 : index
          %get3A_688 = tpu.vector_load %arg6[%get3A_686, %get3A_687] {strides = array<i32>} : memref<512x64xf32, #tpu.memory_space<vmem>>, vector<16xf32>,
          %mul3A_689 = arith.mulf %get3A_688, %broadcast_in_dim3A_678 : vector<16xf32>
          %swap3A_690 = arith.index_cast %add3A_675 : i32 to index
          %swap3A_691 = arith.constant 16 : index
          %swap3A_692 = tpu.vector_load %arg6[%swap3A_690, %swap3A_691] {strides = array<i32>} : memref<512x64xf32, #tpu.memory_space<vmem>>, vector<16xf32>,
          tpu.vector_store %arg6[%swap3A_690, %swap3A_691], %mul3A_689 {strides = array<i32>} : memref<512x64xf32, #tpu.memory_space<vmem>>, vector<16xf32>,
          %get3A_693 = arith.index_cast %add3A_675 : i32 to index
          %get3A_694 = arith.constant 32 : index
          %get3A_695 = tpu.vector_load %arg6[%get3A_693, %get3A_694] {strides = array<i32>} : memref<512x64xf32, #tpu.memory_space<vmem>>, vector<16xf32>,
          %mul3A_696 = arith.mulf %get3A_695, %broadcast_in_dim3A_678 : vector<16xf32>
          %swap3A_697 = arith.index_cast %add3A_675 : i32 to index
          %swap3A_698 = arith.constant 32 : index
          %swap3A_699 = tpu.vector_load %arg6[%swap3A_697, %swap3A_698] {strides = array<i32>} : memref<512x64xf32, #tpu.memory_space<vmem>>, vector<16xf32>,
          tpu.vector_store %arg6[%swap3A_697, %swap3A_698], %mul3A_696 {strides = array<i32>} : memref<512x64xf32, #tpu.memory_space<vmem>>, vector<16xf32>,
          %get3A_700 = arith.index_cast %add3A_675 : i32 to index
          %get3A_701 = arith.constant 48 : index
          %get3A_702 = tpu.vector_load %arg6[%get3A_700, %get3A_701] {strides = array<i32>} : memref<512x64xf32, #tpu.memory_space<vmem>>, vector<16xf32>,
          %mul3A_703 = arith.mulf %get3A_702, %broadcast_in_dim3A_678 : vector<16xf32>
          %swap3A_704 = arith.index_cast %add3A_675 : i32 to index
          %swap3A_705 = arith.constant 48 : index
          %swap3A_706 = tpu.vector_load %arg6[%swap3A_704, %swap3A_705] {strides = array<i32>} : memref<512x64xf32, #tpu.memory_space<vmem>>, vector<16xf32>,
          tpu.vector_store %arg6[%swap3A_704, %swap3A_705], %mul3A_703 {strides = array<i32>} : memref<512x64xf32, #tpu.memory_space<vmem>>, vector<16xf32>,
          %mul3A_707 = arith.constant 16 : i32
          %mul3A_708 = arith.muli %mul3A_707, %add3A_162 : i32
          %add3A_709 = arith.constant 15 : i32
          %add3A_710 = arith.addi %mul3A_708, %add3A_709 : i32
          %slice3A_711 = vector.extract_strided_slice %select_n3A {offsets = [15], sizes = [1], strides = [1]} : vector<16xf32> to vector<1xf32>
          %squeeze3A_712 = vector.extract %slice3A_711[0] : f32 from vector<1xf32>
          %broadcast_in_dim3A_713 = vector.broadcast %squeeze3A_712 : f32 to vector<16xf32>
          %get3A_714 = arith.index_cast %add3A_710 : i32 to index
          %get3A_715 = arith.constant 0 : index
          %get3A_716 = tpu.vector_load %arg6[%get3A_714, %get3A_715] {strides = array<i32>} : memref<512x64xf32, #tpu.memory_space<vmem>>, vector<16xf32>,
          %mul3A_717 = arith.mulf %get3A_716, %broadcast_in_dim3A_713 : vector<16xf32>
          %swap3A_718 = arith.index_cast %add3A_710 : i32 to index
          %swap3A_719 = arith.constant 0 : index
          %swap3A_720 = tpu.vector_load %arg6[%swap3A_718, %swap3A_719] {strides = array<i32>} : memref<512x64xf32, #tpu.memory_space<vmem>>, vector<16xf32>,
          tpu.vector_store %arg6[%swap3A_718, %swap3A_719], %mul3A_717 {strides = array<i32>} : memref<512x64xf32, #tpu.memory_space<vmem>>, vector<16xf32>,
          %get3A_721 = arith.index_cast %add3A_710 : i32 to index
          %get3A_722 = arith.constant 16 : index
          %get3A_723 = tpu.vector_load %arg6[%get3A_721, %get3A_722] {strides = array<i32>} : memref<512x64xf32, #tpu.memory_space<vmem>>, vector<16xf32>,
          %mul3A_724 = arith.mulf %get3A_723, %broadcast_in_dim3A_713 : vector<16xf32>
          %swap3A_725 = arith.index_cast %add3A_710 : i32 to index
          %swap3A_726 = arith.constant 16 : index
          %swap3A_727 = tpu.vector_load %arg6[%swap3A_725, %swap3A_726] {strides = array<i32>} : memref<512x64xf32, #tpu.memory_space<vmem>>, vector<16xf32>,
          tpu.vector_store %arg6[%swap3A_725, %swap3A_726], %mul3A_724 {strides = array<i32>} : memref<512x64xf32, #tpu.memory_space<vmem>>, vector<16xf32>,
          %get3A_728 = arith.index_cast %add3A_710 : i32 to index
          %get3A_729 = arith.constant 32 : index
          %get3A_730 = tpu.vector_load %arg6[%get3A_728, %get3A_729] {strides = array<i32>} : memref<512x64xf32, #tpu.memory_space<vmem>>, vector<16xf32>,
          %mul3A_731 = arith.mulf %get3A_730, %broadcast_in_dim3A_713 : vector<16xf32>
          %swap3A_732 = arith.index_cast %add3A_710 : i32 to index
          %swap3A_733 = arith.constant 32 : index
          %swap3A_734 = tpu.vector_load %arg6[%swap3A_732, %swap3A_733] {strides = array<i32>} : memref<512x64xf32, #tpu.memory_space<vmem>>, vector<16xf32>,
          tpu.vector_store %arg6[%swap3A_732, %swap3A_733], %mul3A_731 {strides = array<i32>} : memref<512x64xf32, #tpu.memory_space<vmem>>, vector<16xf32>,
          %get3A_735 = arith.index_cast %add3A_710 : i32 to index
          %get3A_736 = arith.constant 48 : index
          %get3A_737 = tpu.vector_load %arg6[%get3A_735, %get3A_736] {strides = array<i32>} : memref<512x64xf32, #tpu.memory_space<vmem>>, vector<16xf32>,
          %mul3A_738 = arith.mulf %get3A_737, %broadcast_in_dim3A_713 : vector<16xf32>
          %swap3A_739 = arith.index_cast %add3A_710 : i32 to index
          %swap3A_740 = arith.constant 48 : index
          %swap3A_741 = tpu.vector_load %arg6[%swap3A_739, %swap3A_740] {strides = array<i32>} : memref<512x64xf32, #tpu.memory_space<vmem>>, vector<16xf32>,
          tpu.vector_store %arg6[%swap3A_739, %swap3A_740], %mul3A_738 {strides = array<i32>} : memref<512x64xf32, #tpu.memory_space<vmem>>, vector<16xf32>,
        } else {
        }
      }
      %scan3A_150 = arith.constant 32 : i32
      %mul3A_151 = arith.constant 512 : i32
      %mul3A_152 = arith.muli %add3A_103, %mul3A_151 : i32
      %add3A_153 = arith.addi %mul3A_2, %mul3A_152 : i32
      %dma_start3A_154 = arith.constant 0 : i32
      %dma_start3A_155 = tpu.memref_slice %arg4[%add3A_153, %dma_start3A_154] : memref<819200x128xf32, #tpu.memory_space<hbm>> -> memref<512x64xf32, #tpu.memory_space<hbm>>
      %dma_start3A_156 = arith.constant 0 : i32
      %dma_start3A_157 = tpu.memref_slice %arg4[%add3A_153, %dma_start3A_156] : memref<819200x128xf32, #tpu.memory_space<hbm>> -> memref<512x64xf32, #tpu.memory_space<hbm>>
      tpu.enqueue_dma source(%arg6 : memref<512x64xf32, #tpu.memory_space<vmem>>) target(%dma_start3A_157 : memref<512x64xf32, #tpu.memory_space<hbm>>) target_semaphore(%arg12 : memref<!tpu.dma_semaphore, #tpu.memory_space<semaphore_mem>>)
    }
    %scan3A_39 = arith.constant 25 : i32
    %dma_wait3A = arith.constant 0 : i32
    %dma_wait3A_40 = arith.constant 0 : i32
    %dma_wait3A_41 = tpu.memref_slice %arg4[%dma_wait3A, %dma_wait3A_40] : memref<819200x128xf32, #tpu.memory_space<hbm>> -> memref<512x64xf32, #tpu.memory_space<hbm>>
    %dma_wait3A_42 = arith.constant 0 : i32
    %dma_wait3A_43 = arith.constant 0 : i32
    %dma_wait3A_44 = tpu.memref_slice %arg4[%dma_wait3A_42, %dma_wait3A_43] : memref<819200x128xf32, #tpu.memory_space<hbm>> -> memref<512x64xf32, #tpu.memory_space<hbm>>
    tpu.wait_dma2 semaphore(%arg12 : memref<!tpu.dma_semaphore, #tpu.memory_space<semaphore_mem>>) src(%arg6 : memref<512x64xf32, #tpu.memory_space<vmem>>) dst(%dma_wait3A_44 : memref<512x64xf32, #tpu.memory_space<hbm>>)
    return
  }
}

module attributes {stable_mosaic.version = 14 : i64} {
  func.func @body(%arg0: i32, %arg1: memref<1048576xf32, #tpu.memory_space<vmem>>, %arg2: memref<1x64xf32, #tpu.memory_space<vmem>>, %arg3: memref<1x64xf32, #tpu.memory_space<vmem>>, %arg4: memref<8192x64xf32, #tpu.memory_space<vmem>>) attributes {dimension_semantics = [#tpu.dimension_semantics<arbitrary>], iteration_bounds = array<i64: 100>, scalar_prefetch = 0 : i64, scratch_operands = 0 : i64, tpu.core_type = #tpu.core_type<tc>, window_params = [{transform_indices = @transform_0, window_bounds = array<i64: 1048576>}, {pipeline_mode = #tpu.pipeline_mode<synchronous>, transform_indices = @transform_1, window_bounds = array<i64: 1, 64>}, {pipeline_mode = #tpu.pipeline_mode<synchronous>, transform_indices = @transform_2, window_bounds = array<i64: 1, 64>}, {transform_indices = @transform_3, window_bounds = array<i64: 8192, 64>}]} {
    %get3A = arith.constant 0 : index
    %get3A_0 = vector.load %arg1[%get3A] : memref<1048576xf32, #tpu.memory_space<vmem>>, vector<1048576xf32>
    %reshape3A = vector.shape_cast %get3A_0 : vector<1048576xf32> to vector<8192x128xf32>
    %slice3A = vector.extract_strided_slice %reshape3A {offsets = [0, 0], sizes = [8192, 64], strides = [1, 1]} : vector<8192x128xf32> to vector<8192x64xf32>
    %reduce_sum3A = arith.constant dense<0.000000e+00> : vector<8192xf32>
    %reduce_sum3A_1 = vector.multi_reduction <add>, %slice3A, %reduce_sum3A [1] : vector<8192x64xf32> to vector<8192xf32>
    %broadcast_in_dim3A = vector.shape_cast %reduce_sum3A_1 : vector<8192xf32> to vector<8192x1xf32>
    %div3A = arith.constant 6.400000e+01 : f32
    %div3A_2 = vector.broadcast %div3A : f32 to vector<8192x1xf32>
    %div3A_3 = arith.divf %broadcast_in_dim3A, %div3A_2 : vector<8192x1xf32>
    %sub3A = vector.broadcast %div3A_3 : vector<8192x1xf32> to vector<8192x64xf32>
    %sub3A_4 = arith.subf %slice3A, %sub3A : vector<8192x64xf32>
    %mul3A = arith.mulf %sub3A_4, %sub3A_4 : vector<8192x64xf32>
    %reduce_sum3A_5 = arith.constant dense<0.000000e+00> : vector<8192xf32>
    %reduce_sum3A_6 = vector.multi_reduction <add>, %mul3A, %reduce_sum3A_5 [1] : vector<8192x64xf32> to vector<8192xf32>
    %broadcast_in_dim3A_7 = vector.shape_cast %reduce_sum3A_6 : vector<8192xf32> to vector<8192x1xf32>
    %div3A_8 = arith.constant 6.400000e+01 : f32
    %div3A_9 = vector.broadcast %div3A_8 : f32 to vector<8192x1xf32>
    %div3A_10 = arith.divf %broadcast_in_dim3A_7, %div3A_9 : vector<8192x1xf32>
    %add3A = arith.constant 9.99999974E-6 : f32
    %add3A_11 = vector.broadcast %add3A : f32 to vector<8192x1xf32>
    %add3A_12 = arith.addf %div3A_10, %add3A_11 : vector<8192x1xf32>
    %rsqrt3A = math.rsqrt %add3A_12 : vector<8192x1xf32>
    %mul3A_13 = vector.broadcast %rsqrt3A : vector<8192x1xf32> to vector<8192x64xf32>
    %mul3A_14 = arith.mulf %sub3A_4, %mul3A_13 : vector<8192x64xf32>
    %get3A_15 = arith.constant 0 : index
    %get3A_16 = arith.constant 0 : index
    %get3A_17 = vector.load %arg2[%get3A_15, %get3A_16] : memref<1x64xf32, #tpu.memory_space<vmem>>, vector<1x64xf32>
    %mul3A_18 = vector.broadcast %get3A_17 : vector<1x64xf32> to vector<8192x64xf32>
    %mul3A_19 = arith.mulf %mul3A_14, %mul3A_18 : vector<8192x64xf32>
    %get3A_20 = arith.constant 0 : index
    %get3A_21 = arith.constant 0 : index
    %get3A_22 = vector.load %arg3[%get3A_20, %get3A_21] : memref<1x64xf32, #tpu.memory_space<vmem>>, vector<1x64xf32>
    %add3A_23 = vector.broadcast %get3A_22 : vector<1x64xf32> to vector<8192x64xf32>
    %add3A_24 = arith.addf %mul3A_19, %add3A_23 : vector<8192x64xf32>
    %swap3A = arith.constant 0 : index
    %swap3A_25 = arith.constant 0 : index
    %swap3A_26 = vector.load %arg4[%swap3A, %swap3A_25] : memref<8192x64xf32, #tpu.memory_space<vmem>>, vector<8192x64xf32>
    tpu.vector_store %arg4[%swap3A, %swap3A_25], %add3A_24 {strides = array<i32>} : memref<8192x64xf32, #tpu.memory_space<vmem>>, vector<8192x64xf32>,
    return
  }
  func.func @transform_0(%arg0: i32) -> i32 {
    %c0_i32 = arith.constant 0 : i32
    return %arg0 : i32
  }
  func.func @transform_1(%arg0: i32) -> (i32, i32) {
    %c0_i32 = arith.constant 0 : i32
    %c0_i32_0 = arith.constant 0 : i32
    %c0_i32_1 = arith.constant 0 : i32
    return %c0_i32, %c0_i32_0 : i32, i32
  }
  func.func @transform_2(%arg0: i32) -> (i32, i32) {
    %c0_i32 = arith.constant 0 : i32
    %c0_i32_0 = arith.constant 0 : i32
    %c0_i32_1 = arith.constant 0 : i32
    return %c0_i32, %c0_i32_0 : i32, i32
  }
  func.func @transform_3(%arg0: i32) -> (i32, i32) {
    %c0_i32 = arith.constant 0 : i32
    %c0_i32_0 = arith.constant 0 : i32
    return %arg0, %c0_i32 : i32, i32
  }
}

</mosaic_0001>

<sc_bundles>
// kernel: kernel.4.cloned.1.call-start
scs
__scs_entry_jumppad:
0x0: {  	(pc) =	sbr.rel $0x88, $3  }
0x1: {  	(tag) =	ssettag $0x0;
	lr =	simm.s32 $0x1  }
0x2: {  	[smem:$0x3F9D] =	sst lr;
	_ =	strace $0xD0000000  }
0x3: {  	_ = 	snop  }
0x4: {  	_ = 	snop  }
0x5: {  	_ = 	snop  }
0x6: {  	_ = 	snop  }
0x7: {  	_ = 	snop  }
__scs_overlays_trampoline_lowered:
0x8: {  	[smem:$0x3FAC] =	sst s0  }
0x9: {  	[smem:$0x3FAD] =	sst s1  }
0xa: {  	[smem:$0x3FAE] =	sst s2  }
0xb: {  	[smem:$0x3FAF] =	sst s3  }
0xc: {  	[smem:$0x3FB0] =	sst s4  }
0xd: {  	[smem:$0x3FB1] =	sst s5  }
0xe: {  	[smem:$0x3FB2] =	sst s6  }
0xf: {  	[smem:$0x3FB3] =	sst s7  }
0x10: {  	[smem:$0x3FB4] =	sst s8  }
0x11: {  	[smem:$0x3FB5] =	sst s9;
	s0 =	simm.s32 @!p0 $0x0  }
0x12: {  	s1 =	sld [smem:$0x3F9B];
	s0 =	simm.s32 @p0 $0x1  }
0x13: {  	[smem:$0x3FB6] =	sst s0;
	s0 =	simm.s32 @!p1 $0x0  }
0x14: {  	s2 =	sld [smem:$0x3F9A];
	s0 =	simm.s32 @p1 $0x1  }
0x15: {  	[smem:$0x3FB7] =	sst s0;
	s0 =	simm.s32 @!p2 $0x0  }
0x16: {  	s3 =	sld [smem:$0x3FDB];
	s0 =	simm.s32 @p2 $0x1  }
0x17: {  	s4 =	simm.s32 $0x1BF5;
	[smem:$0x3FB9] =	sst s0  }
0x18: {  	s0 =	sld [smem:$0x3F9C];
	_ =	swait.ge [sflag:s4], $0x0  }
0x19: {  	s7 =	sld [smem:$0x3F9D]  }
0x1a: {  	s8 =	sadd.s32 $0xFFFFE003, lr  }
0x1b: {  	s9 =	sadd.s32 $0xFFFFFEF7, lr;
	s5 =	simm.s32 $0xFFFFFFFF;
	p2 =	slt.u32 s8, $0xFFFFF086  }
0x1c: {  	p1 =	slt.u32 s9, $0xF7A;
	s5 =	simm.s32 @!p2 $0x0  }
0x1d: {  	s5 =	simm.s32 @p1 $0x1;
	p0 =	seq.s32 s7, s2  }
0x1e: {  	s7 =	smul.u32 @!p0 $0xF7A, s2;
	p2 =	seq.s32 @!p0 s5, $0x0  }
0x1f: {  	s9 =	smul.u32 $0xF7A, s1;
	s8 =	simm.s32 @!p0 $0x1BF5;
	p2 =	por !p2, p0  }
0x20: {  	[sflag:s8] =	ssyncset.s32 @!p0 $0xFFFFF086;
	s6 =	sadd.s32 @!p0 s3, s7;
	s7 =	simm.s32 @!p0 $0x108  }
0x21: {  	s3 =	sadd.s32 s3, s9;
	s6 =	sadd.s32 @!p0 $0x88, s6;
	s7 =	simm.s32 @p2 $0x1082  }
0x22: {  	[simem:s7], [sflag:s8] =	dma.local @!p0 [hbm:s6], $0xF7A  }
0x23: {  	s9 =	sor.u32 $0xD0000000, s2;
	s6 =	simm.s32 $0x108;
	_ =	swait.ge @!p0 [sflag:s8], $0x0  }
0x24: {  	s3 =	sadd.s32 $0x88, s3;
	s6 =	simm.s32 @!p1 $0x1082;
	[sflag:s4] =	ssyncset.s32 $0xFFFFF086  }
0x25: {  	[simem:s6], [sflag:s4] =	dma.local [hbm:s3], $0xF7A  }
0x26: {  	[smem:$0x3F9D] =	sst s1;
	(tag) =	ssettag s2;
	_ =	strace s9  }
0x27: {  	s1 =	sld [smem:$0x3FAD]  }
0x28: {  	s2 =	sld [smem:$0x3FAE]  }
0x29: {  	s4 =	sld [smem:$0x3FB0]  }
0x2a: {  	p0 =	seq.s32 s5, $0x0;
	s5 =	sld [smem:$0x3FB1]  }
0x2b: {  	s6 =	sld [smem:$0x3FB2]  }
0x2c: {  	s7 =	sld [smem:$0x3FB3]  }
0x2d: {  	s3 =	simm.s32 $0x108;
	s8 =	sld [smem:$0x3FB4]  }
0x2e: {  	s3 =	simm.s32 @!p0 $0x1082;
	s9 =	sld [smem:$0x3FB5]  }
0x2f: {  	lr =	sadd.s32 s0, s3;
	s0 =	sld [smem:$0x3FAC]  }
0x30: {  	s3 =	sld [smem:$0x3FAF]  }
0x31: {  	[smem:$0x3FB8] =	sst s10  }
0x32: {  	s10 =	sld [smem:$0x3FB6];
	_ =	sdelay $0x3  }
0x33: {  	p0 =	seq.s32 s10, $0x1;
	s10 =	sld [smem:$0x3FB8];
	_ =	sdelay $0x3  }
0x34: {  	[smem:$0x3FB8] =	sst s10  }
0x35: {  	s10 =	sld [smem:$0x3FB7];
	_ =	sdelay $0x3  }
0x36: {  	p1 =	seq.s32 s10, $0x1;
	s10 =	sld [smem:$0x3FB8];
	_ =	sdelay $0x3  }
0x37: {  	[smem:$0x3FB8] =	sst s10  }
0x38: {  	s10 =	sld [smem:$0x3FB9]  }
0x39: {  	_ = 	snop;
	(pc) =	sbr.ind lr, $3  }
0x3a: {  	_ = 	snop  }
0x3b: {  	_ = 	snop  }
0x3c: {  	p2 =	seq.s32 s10, $0x1;
	s10 =	sld [smem:$0x3FB8]  }
0x3d: {  	_ =	shalt  }
0x3e: {  	_ =	shalt  }
0x3f: {  	_ =	shalt  }
0x40: {  	_ =	shalt  }
0x41: {  	_ =	shalt  }
0x42: {  	_ =	shalt  }
0x43: {  	_ =	shalt  }
0x44: {  	_ =	shalt  }
0x45: {  	_ =	shalt  }
0x46: {  	_ =	shalt  }
0x47: {  	_ =	shalt  }
0x48: {  	_ =	shalt  }
0x49: {  	_ =	shalt  }
0x4a: {  	_ =	shalt  }
0x4b: {  	_ =	shalt  }
0x4c: {  	_ =	shalt  }
0x4d: {  	_ =	shalt  }
0x4e: {  	_ =	shalt  }
0x4f: {  	_ =	shalt  }
0x50: {  	_ =	shalt  }
0x51: {  	_ =	shalt  }
0x52: {  	_ =	shalt  }
0x53: {  	_ =	shalt  }
0x54: {  	_ =	shalt  }
0x55: {  	_ =	shalt  }
0x56: {  	_ =	shalt  }
0x57: {  	_ =	shalt  }
0x58: {  	_ =	shalt  }
0x59: {  	_ =	shalt  }
0x5a: {  	_ =	shalt  }
0x5b: {  	_ =	shalt  }
0x5c: {  	_ =	shalt  }
0x5d: {  	_ =	shalt  }
0x5e: {  	_ =	shalt  }
0x5f: {  	_ =	shalt  }
0x60: {  	_ =	shalt  }
0x61: {  	_ =	shalt  }
0x62: {  	_ =	shalt  }
0x63: {  	_ =	shalt  }
0x64: {  	_ =	shalt  }
0x65: {  	_ =	shalt  }
0x66: {  	_ =	shalt  }
0x67: {  	_ =	shalt  }
0x68: {  	_ =	shalt  }
0x69: {  	_ =	shalt  }
0x6a: {  	_ =	shalt  }
0x6b: {  	_ =	shalt  }
0x6c: {  	_ =	shalt  }
0x6d: {  	_ =	shalt  }
0x6e: {  	_ =	shalt  }
0x6f: {  	_ =	shalt  }
0x70: {  	_ =	shalt  }
0x71: {  	_ =	shalt  }
0x72: {  	_ =	shalt  }
0x73: {  	_ =	shalt  }
0x74: {  	_ =	shalt  }
0x75: {  	_ =	shalt  }
0x76: {  	_ =	shalt  }
0x77: {  	_ =	shalt  }
0x78: {  	_ =	shalt  }
0x79: {  	_ =	shalt  }
0x7a: {  	_ =	shalt  }
0x7b: {  	_ =	shalt  }
0x7c: {  	_ =	shalt  }
0x7d: {  	_ =	shalt  }
0x7e: {  	_ =	shalt  }
0x7f: {  	_ =	shalt  }
0x80: {  	_ =	shalt  }
0x81: {  	_ =	shalt  }
0x82: {  	_ =	shalt  }
0x83: {  	_ =	shalt  }
0x84: {  	_ =	shalt  }
0x85: {  	_ =	shalt  }
0x86: {  	_ =	shalt  }
0x87: {  	_ =	shalt  }
.Lfunc_end0:
.L_simem_size_0:
called_computation.1_lowered:
.L_overlay_start_0:
0x88: {  	s2 =	sld [smem:$0x3FD9]  }
0x89: {  	s3 =	sld [smem:$0x3FFE];
	_ =	sdelay $0x1  }
0x8a: {  	s1 =	srdreg.scid  }
0x8b: {  	s0 =	sand.u32 $0x1, s1  }
0x8c: {  	s17 =	sshll.u32 s0, $0xA;
	s2 =	sadd.s32 s3, s2  }
0x8d: {  	s2 =	sadd.s32 s2, s17  }
0x8e: {  	[smem:$0x3FC4] =	sst s2  }
0x8f: {  	_ = 	snop  }
0x90: {  	s2 =	sld [smem:$0x3FD0];
	(tm) =	ssettm $0x1  }
0x91: {  	s18 =	sld [smem:$0x3FFB];
	_ =	sdelay $0x3  }
0x92: {  	_ =	strace s18  }
0x93: {  	s3 =	sld [smem:$0x3FFC];
	_ =	sdelay $0x3  }
0x94: {  	_ =	strace s3  }
0x95: {  	s3 =	sld [smem:$0x3FFD];
	_ =	sdelay $0x3  }
0x96: {  	_ =	strace s3  }
0x97: {  	_ =	strace $0x8FFFFFFF  }
0x98: {  	s19 =	sld [smem:$0x3FDB];
	_ =	sdelay $0x1  }
0x99: {  	s4 =	simm.s32 $_scs_section_size  }
0x9a: {  	s5 =	simm.s32 $_size__tile_overlayer_lowered;
	s6 =	simm.s32 $_tile_overlayer_lowered  }
0x9b: {  	s22 =	simm.s32 $0x1BFF;
	s21 =	sshll.u32 s6, $0x1;
	s3 =	sadd.s32 s4, s19  }
0x9c: {  	s7 =	simm.s32 $0x0;
	s20 =	sshll.u32 s5, $0x1;
	s5 =	sadd.s32 s21, s3  }
0x9d: {  	[timem:s7], [sflag:s22] =	dma.local [hbm:s5], s20  }
0x9e: {  	_ =	swait.ge [sflag:s22], s20  }
0x9f: {  	s4 =	ssub.s32 $0x0, s20;
	[sflag:s22] =	ssyncset.done $0x0  }
0xa0: {  	[sflag:s22] =	ssyncadd.s32 s4;
	_ =	sdelay $0x1  }
0xa1: {  	s23 =	simm.s32 $0x1B8B  }
0xa2: {  	_ =	swait.ge [sflag:s23], $0x1  }
0xa3: {  	[sflag:s23] =	ssyncset.done $0x0  }
0xa4: {  	s25 =	simm.s32 $0x1B8E;
	s24 =	sld [smem:$0x3FFE];
	[sflag:s23] =	ssyncadd.s32 $0xFFFFFFFF  }
0xa5: {  	s26 =	simm.s32 $execute0_lowered;
	[smem:$0x3FD2] =	sst s25  }
0xa6: {  	s5 =	sshll.u32 s26, $0x1;
	_ =	strace $0x80000046;
	[dreg:$0x1] =	wrdreg $0xFFFFFFFF  }
0xa7: {  	s28 =	simm.s32 $_size_execute0_lowered;
	s3 =	sadd.s32 s3, s5;
	[dreg:$0x0] =	wrdreg $0x0  }
0xa8: {  	s5 =	sshll.u32 s28, $0x1;
	[dreg:$0x2] =	wrdreg s3  }
0xa9: {  	[dreg:$0x3] =	wrdreg s5  }
0xaa: {  	[dreg:$0x4] =	wrdreg $0xC0  }
0xab: {  	_ =	task [dreg:s7], $0x5FFFF  }
0xac: {  	[dreg:$0x1] =	wrdreg $0xFFFFFFFF  }
0xad: {  	[dreg:$0x0] =	wrdreg $0x60  }
0xae: {  	[dreg:$0x2] =	wrdreg s24  }
0xaf: {  	[dreg:$0x3] =	wrdreg s2  }
0xb0: {  	[dreg:$0x4] =	wrdreg $0x9  }
0xb1: {  	_ =	task.clear_ibuf [dreg:s7], $0x5FFFF;
	_ =	strace $0x90000046  }
0xb2: {  	s29 =	simm.s32 $0x9;
	_ =	strace $0x80000048  }
0xb3: {  	_ =	swait.ge [sflag:s29], $0x1  }
0xb4: {  	[sflag:s29] =	ssyncadd.s32 $0xFFFFFFFF  }
0xb5: {  	_ =	strace $0x90000048  }
0xb6: {  	_ =	sfence  }
0xb7: {  	s30 =	sld [smem:$0x0];
	_ =	sdelay $0x2  }
0xb8: {  	s31 =	sshll.u32 s1, $0xD;
	s1 =	sshrl.u32 s1, $0x2  }
0xb9: {  	s3 =	sand.u32 $0x4000, s31;
	s1 =	sadd.s32 s1, s30  }
0xba: {  	s0 =	sor.u32 s3, s0;
	s1 =	sshll.u32 s1, $0x11  }
0xbb: {  	s0 =	sor.u32 s1, s0  }
0xbc: {  	s0 =	sadd.s32 $0x8F2B, s0  }
0xbd: {  	[sflag:s0] =	ssyncadd.remote.s32 $0x1  }
0xbe: {  	_ =	sfence.sel $0xFFFF  }
0xbf: {  	[dreg:$0x0] =	wrdreg $0xFFFFFFFF;
	(pc) =	sbr.abs _section_cstart, $3  }
0xc0: {  	[dreg:$0x1] =	wrdreg $0xFFFFFFFF  }
0xc1: {  	_ =	task.clear_ibuf [dreg:s7], $0x2FFFF;
	_ =	strace $0x9FFFFFFF  }
0xc2: {  	(tm) =	ssettm $0x7FFFFFFF  }
0xc3: {  	_ =	shalt  }
tec
execute0_lowered:
.L_overlay_start_1:
0x0: {  	(tag) =	ssettag $0x1  }
0x1: {  	s0 =	rddreg [dreg:$0x0]  }
0x2: {  	s1 =	srdreg.scid;
	s3 =	stileid.u32  }
0x3: {  	s2 =	rddreg [dreg:$0x1];
	s12 =	simm.s32 $0x5;
	s13 =	simm.s32 $0x80  }
0x4: {  	s20 =	simm.s32 $0x10200;
	s21 =	simm.s32 $0x8000;
	s22 =	simm.s32 $0x10280  }
0x5: {  	s23 =	simm.s32 $0xA000;
	s24 =	simm.s32 $0x10300;
	s25 =	simm.s32 $0xC000  }
0x6: {  	s28 =	simm.s32 $0xE000;
	s29 =	simm.s32 $0x1;
	s30 =	simm.s32 $0x40  }
0x7: {  	s31 =	simm.s32 $0x3;
	s14 =	simm.s32 $0x0;
	s1 =	sand.u32 $0x1, s1  }
0x8: {  	s4 =	sshll.u32 s3, $0x1;
	s3 =	simm.s32 $0x0;
	s5 =	sadd.s32 $0xC00, s0  }
0x9: {  	s8 =	sor.u32 s1, s4;
	[smem:$0x7FF] =	sst s3;
	s1 =	ssub.s32 $0x2, s1  }
.Ltmp0:
0xa: {  	s4 =	sadd.s32 $0xF43000, s0;
	s0 =	simm.s32 $0x4;
	(pc) =	sbr.rel .LBB2_1-.Ltmp0, $4  }
0xb: {  	s9 =	smul.u32 $0x6400, s8;
	_ =	strace $0x80000047;
	s6 =	sshrl.u32 s1, $0x1  }
0xc: {  	s8 =	smul.u32 $0x320000, s8;
	s26 =	ssub.s32 s1, s6;
	s1 =	simm.s32 $0x2  }
0xd: {  	s7 =	sshrl.u32 s9, $0x3;
	s10 =	smax.u32 s26, $0x1;
	s26 =	simm.s32 $0x10380  }
0xe: {  	v0 =	vimm.f32 $0.0e+00;
	v1 =	vimm.f32 $1.000000000e+00;
	s6 =	sadd.s32 s2, s7;
	s7 =	sor.u32 $0x200, s9;
	s9 =	sadd.s32 $0x400, s9  }
.LBB2_11:
0xf: {  	s14 =	sadd.s32 $0x1, s14  }
0x10: {  	p0 =	sne.s32 s14, s10  }
.Ltmp1:
0x11: {  	_ = 	snop;
	(pc) =	sbr.rel @!p0 .LBB2_12-.Ltmp1, $4  }
0x12: {  	_ = 	snop  }
0x13: {  	_ =	swait.ge [sflag:s0], $0x8000  }
0x14: {  	[sflag:s0] =	ssyncset.done $0x0  }
0x15: {  	[sflag:s0] =	ssyncadd.s32 $0xFFFF8000  }
.LBB2_1:
0x16: {  	s11 =	simm.s32 $0x10000  }
0x17: {  	[tilespmem:s11], [sflag:$0x5] =	stream.linear.gather [hbm4b:s6+s3], $0x200, $0x38;
	[tilespmem:$0x10400] =	vst v63  }
0x18: {  	_ =	swait.ge [sflag:s12], $0x200  }
0x19: {  	[sflag:s12] =	ssyncset.done $0x0  }
0x1a: {  	[sflag:s12] =	ssyncadd.s32 $0xFFFFFE00  }
0x1b: {  	[tilespmem:s3], [sflag:$0x1] =	stream.indirect.gather [hbm4b:s4+s13], $0x40, s11, s13, $0xb8;
	[tilespmem:$0x10400] =	vst v63  }
0x1c: {  	s19 =	simm.s32 $0x10080;
	s15 =	simm.s32 $0x2000  }
0x1d: {  	[tilespmem:s15], [sflag:$0x1] =	stream.indirect.gather [hbm4b:s4+s13], $0x40, s19, s13, $0xb8;
	[tilespmem:$0x10400] =	vst v63  }
.Ltmp2:
0x1e: {  	_ = 	snop;
	(pc) =	sbr.rel .LBB2_2-.Ltmp2, $4  }
0x1f: {  	s16 =	simm.s32 $0x10100;
	s17 =	simm.s32 $0x4000  }
0x20: {  	[tilespmem:s17], [sflag:$0x1] =	stream.indirect.gather [hbm4b:s4+s13], $0x40, s16, s13, $0xb8;
	[tilespmem:$0x10400] =	vst v63  }
0x21: {  	s18 =	simm.s32 $0x10180;
	s19 =	simm.s32 $0x6000;
	s15 =	simm.s32 $0x0  }
0x22: {  	[tilespmem:s19], [sflag:$0x1] =	stream.indirect.gather [hbm4b:s4+s13], $0x40, s18, s13, $0xb8;
	[tilespmem:$0x10400] =	vst v63  }
.LBB2_10:
0x23: {  	s15 =	sadd.s32 $0x1, s15  }
0x24: {  	p0 =	sne.s32 s15, $0x19  }
.Ltmp3:
0x25: {  	s11 =	sshll.u32 s16, $0x10;
	(pc) =	sbr.rel @!p0 .LBB2_11-.Ltmp3, $4  }
0x26: {  	s11 =	sadd.s32 s8, s11  }
0x27: {  	s11 =	sshrl.u32 s11, $0x3  }
0x28: {  	s11 =	sadd.s32 s5, s11  }
0x29: {  	[hbm4b:s11+s30] =	stream.strided.scatter [tilespmem:s21], [sflag:$0x4], $0x8000, s13, s30, $0x38;
	[tilespmem:$0x10400] =	vst v63  }
.LBB2_2:
0x2a: {  	p0 =	seq.s32 s15, $0x0  }
0x2b: {  	s17 =	sshll.u32 s15, $0xA;
	s16 =	simm.s32 @!p0 $0x4  }
0x2c: {  	s18 =	sadd.s32 s17, s7;
	_ =	swait.ge @!p0 [sflag:s16], $0x8000  }
0x2d: {  	s18 =	sshrl.u32 s18, $0x3;
	[sflag:s16] =	ssyncset.done @!p0 $0x0  }
0x2e: {  	s18 =	sadd.s32 s2, s18;
	[sflag:s16] =	ssyncadd.s32 @!p0 $0xFFFF8000;
	s16 =	simm.s32 $0x0  }
0x2f: {  	[tilespmem:s20], [sflag:$0x5] =	stream.linear.gather [hbm4b:s18+s16], $0x200, $0x38;
	[tilespmem:$0x10400] =	vst v63  }
0x30: {  	_ =	swait.ge [sflag:s12], $0x200  }
0x31: {  	[sflag:s12] =	ssyncset.done $0x0  }
0x32: {  	[sflag:s12] =	ssyncadd.s32 $0xFFFFFE00  }
0x33: {  	[tilespmem:s21], [sflag:$0x2] =	stream.indirect.gather [hbm4b:s4+s13], $0x40, s20, s13, $0xb8;
	[tilespmem:$0x10400] =	vst v63  }
0x34: {  	_ = 	snop  }
0x35: {  	[tilespmem:s23], [sflag:$0x2] =	stream.indirect.gather [hbm4b:s4+s13], $0x40, s22, s13, $0xb8;
	[tilespmem:$0x10400] =	vst v63  }
0x36: {  	_ = 	snop  }
0x37: {  	[tilespmem:s25], [sflag:$0x2] =	stream.indirect.gather [hbm4b:s4+s13], $0x40, s24, s13, $0xb8;
	[tilespmem:$0x10400] =	vst v63  }
0x38: {  	_ = 	snop  }
0x39: {  	[tilespmem:s28], [sflag:$0x2] =	stream.indirect.gather [hbm4b:s4+s13], $0x40, s26, s13, $0xb8;
	[tilespmem:$0x10400] =	vst v63  }
0x3a: {  	_ =	swait.ge [sflag:s29], $0x2000  }
0x3b: {  	[sflag:s29] =	ssyncset.done $0x0  }
0x3c: {  	[sflag:s29] =	ssyncadd.s32 $0xFFFFE000  }
0x3d: {  	_ =	swait.ge [sflag:s29], $0x2000  }
0x3e: {  	[sflag:s29] =	ssyncset.done $0x0  }
0x3f: {  	[sflag:s29] =	ssyncadd.s32 $0xFFFFE000  }
0x40: {  	_ =	swait.ge [sflag:s29], $0x2000  }
.Ltmp4:
0x41: {  	[sflag:s29] =	ssyncset.done $0x0;
	(pc) =	sbr.rel .LBB2_3-.Ltmp4, $4  }
0x42: {  	[sflag:s29] =	ssyncadd.s32 $0xFFFFE000  }
0x43: {  	_ =	swait.ge [sflag:s29], $0x2000  }
0x44: {  	[sflag:s29] =	ssyncset.done $0x0  }
0x45: {  	s19 =	simm.s32 $0x200;
	s18 =	sshll.u32 s15, $0x1;
	[sflag:s29] =	ssyncadd.s32 $0xFFFFE000  }
.LBB2_5:
0x46: {  	s16 =	sadd.s32 $0x40, s16  }
0x47: {  	p0 =	sne.s32 s16, $0x800  }
.Ltmp5:
0x48: {  	_ = 	snop;
	(pc) =	sbr.rel @!p0 .LBB2_6-.Ltmp5, $2  }
0x49: {  	_ =	sdelay $0x2  }
0x4a: {  	s19 =	sadd.s32 $0x400, s19  }
.LBB2_3:
0x4b: {  	s11 =	sshra.s32 s16, $0x2  }
0x4c: {  	v2 =	vld [tilespmem:s11+$0x10000];
	_ =	sdelay $0x4  }
0x4d: {  	vm0 =	veq.s32 v2, $0x0  }
0x4e: {  	v2 =	vsel vm0, $0x3F800000, v0  }
0x4f: {  	(xrf0) =	vmax.scan.msk.f32 $0xffff, v2;
	_ =	sdelay $0x5  }
0x50: {  	v2, _, _ =	vpop (xrf0)  }
0x51: {  	(v2sf) =	vpush v2, $0xF;
	_ =	sdelay $0xe  }
0x52: {  	s11 =	spop (v2sf)  }
0x53: {  	p0 =	sgt.f32 s11, $0.0e+00  }
.Ltmp6:
0x54: {  	_ = 	snop;
	(pc) =	sbr.rel @!p0 .LBB2_5-.Ltmp6, $1  }
0x55: {  	_ =	sdelay $0x3  }
0x56: {  	v3 =	vld [tilespmem:s19+$0xFFFFFE00];
	_ =	sdelay $0x1  }
0x57: {  	v2 =	vsel vm0, $0x0, v1  }
0x58: {  	v4 =	vbroadcast v2, $0x0;
	_ =	sdelay $0x1  }
0x59: {  	v3 =	vmul.f32 v3, v4;
	_ =	sdelay $0x1  }
0x5a: {  	[tilespmem:s19+$0xFFFFFE00] =	vst v3;
	v3 =	vld [tilespmem:s19+$0xFFFFFE10];
	_ =	sdelay $0x4  }
0x5b: {  	v3 =	vmul.f32 v3, v4;
	_ =	sdelay $0x1  }
0x5c: {  	[tilespmem:s19+$0xFFFFFE10] =	vst v3;
	v3 =	vld [tilespmem:s19+$0xFFFFFE20];
	_ =	sdelay $0x4  }
0x5d: {  	v3 =	vmul.f32 v3, v4;
	_ =	sdelay $0x1  }
0x5e: {  	[tilespmem:s19+$0xFFFFFE20] =	vst v3;
	v3 =	vld [tilespmem:s19+$0xFFFFFE30];
	_ =	sdelay $0x4  }
0x5f: {  	v3 =	vmul.f32 v3, v4;
	_ =	sdelay $0x1  }
0x60: {  	[tilespmem:s19+$0xFFFFFE30] =	vst v3;
	v3 =	vld [tilespmem:s19+$0xFFFFFE40];
	_ =	sdelay $0x2  }
0x61: {  	v50 =	vbroadcast v2, $0x1;
	_ =	sdelay $0x1  }
0x62: {  	v3 =	vmul.f32 v3, v50;
	_ =	sdelay $0x1  }
0x63: {  	[tilespmem:s19+$0xFFFFFE40] =	vst v3;
	v3 =	vld [tilespmem:s19+$0xFFFFFE50];
	_ =	sdelay $0x4  }
0x64: {  	v3 =	vmul.f32 v3, v50;
	_ =	sdelay $0x1  }
0x65: {  	[tilespmem:s19+$0xFFFFFE50] =	vst v3;
	v3 =	vld [tilespmem:s19+$0xFFFFFE60];
	_ =	sdelay $0x4  }
0x66: {  	v3 =	vmul.f32 v3, v50;
	_ =	sdelay $0x1  }
0x67: {  	[tilespmem:s19+$0xFFFFFE60] =	vst v3;
	v3 =	vld [tilespmem:s19+$0xFFFFFE70];
	_ =	sdelay $0x4  }
0x68: {  	v3 =	vmul.f32 v3, v50;
	_ =	sdelay $0x1  }
0x69: {  	[tilespmem:s19+$0xFFFFFE70] =	vst v3;
	v3 =	vld [tilespmem:s19+$0xFFFFFE80];
	_ =	sdelay $0x2  }
0x6a: {  	v51 =	vbroadcast v2, $0x2;
	_ =	sdelay $0x1  }
0x6b: {  	v3 =	vmul.f32 v3, v51;
	_ =	sdelay $0x1  }
0x6c: {  	[tilespmem:s19+$0xFFFFFE80] =	vst v3;
	v3 =	vld [tilespmem:s19+$0xFFFFFE90];
	_ =	sdelay $0x4  }
0x6d: {  	v3 =	vmul.f32 v3, v51;
	_ =	sdelay $0x1  }
0x6e: {  	[tilespmem:s19+$0xFFFFFE90] =	vst v3;
	v3 =	vld [tilespmem:s19+$0xFFFFFEA0];
	_ =	sdelay $0x4  }
0x6f: {  	v3 =	vmul.f32 v3, v51;
	_ =	sdelay $0x1  }
0x70: {  	[tilespmem:s19+$0xFFFFFEA0] =	vst v3;
	v3 =	vld [tilespmem:s19+$0xFFFFFEB0];
	_ =	sdelay $0x4  }
0x71: {  	v3 =	vmul.f32 v3, v51;
	_ =	sdelay $0x1  }
0x72: {  	[tilespmem:s19+$0xFFFFFEB0] =	vst v3;
	v3 =	vld [tilespmem:s19+$0xFFFFFEC0];
	_ =	sdelay $0x2  }
0x73: {  	v52 =	vbroadcast v2, $0x3;
	_ =	sdelay $0x1  }
0x74: {  	v3 =	vmul.f32 v3, v52;
	_ =	sdelay $0x1  }
0x75: {  	[tilespmem:s19+$0xFFFFFEC0] =	vst v3;
	v3 =	vld [tilespmem:s19+$0xFFFFFED0];
	_ =	sdelay $0x4  }
0x76: {  	v3 =	vmul.f32 v3, v52;
	_ =	sdelay $0x1  }
0x77: {  	[tilespmem:s19+$0xFFFFFED0] =	vst v3;
	v3 =	vld [tilespmem:s19+$0xFFFFFEE0];
	_ =	sdelay $0x4  }
0x78: {  	v3 =	vmul.f32 v3, v52;
	_ =	sdelay $0x1  }
0x79: {  	[tilespmem:s19+$0xFFFFFEE0] =	vst v3;
	v3 =	vld [tilespmem:s19+$0xFFFFFEF0];
	_ =	sdelay $0x4  }
0x7a: {  	v3 =	vmul.f32 v3, v52;
	_ =	sdelay $0x1  }
0x7b: {  	[tilespmem:s19+$0xFFFFFEF0] =	vst v3;
	v3 =	vld [tilespmem:s19+$0xFFFFFF00];
	_ =	sdelay $0x2  }
0x7c: {  	v53 =	vbroadcast v2, $0x4;
	_ =	sdelay $0x1  }
0x7d: {  	v3 =	vmul.f32 v3, v53;
	_ =	sdelay $0x1  }
0x7e: {  	[tilespmem:s19+$0xFFFFFF00] =	vst v3;
	v3 =	vld [tilespmem:s19+$0xFFFFFF10];
	_ =	sdelay $0x4  }
0x7f: {  	v3 =	vmul.f32 v3, v53;
	_ =	sdelay $0x1  }
0x80: {  	[tilespmem:s19+$0xFFFFFF10] =	vst v3;
	v3 =	vld [tilespmem:s19+$0xFFFFFF20];
	_ =	sdelay $0x4  }
0x81: {  	v3 =	vmul.f32 v3, v53;
	_ =	sdelay $0x1  }
0x82: {  	[tilespmem:s19+$0xFFFFFF20] =	vst v3;
	v3 =	vld [tilespmem:s19+$0xFFFFFF30];
	_ =	sdelay $0x4  }
0x83: {  	v3 =	vmul.f32 v3, v53;
	_ =	sdelay $0x1  }
0x84: {  	[tilespmem:s19+$0xFFFFFF30] =	vst v3;
	v3 =	vld [tilespmem:s19+$0xFFFFFF40];
	_ =	sdelay $0x2  }
0x85: {  	v54 =	vbroadcast v2, $0x5;
	_ =	sdelay $0x1  }
0x86: {  	v3 =	vmul.f32 v3, v54;
	_ =	sdelay $0x1  }
0x87: {  	[tilespmem:s19+$0xFFFFFF40] =	vst v3;
	v3 =	vld [tilespmem:s19+$0xFFFFFF50];
	_ =	sdelay $0x4  }
0x88: {  	v3 =	vmul.f32 v3, v54;
	_ =	sdelay $0x1  }
0x89: {  	[tilespmem:s19+$0xFFFFFF50] =	vst v3;
	v3 =	vld [tilespmem:s19+$0xFFFFFF60];
	_ =	sdelay $0x4  }
0x8a: {  	v3 =	vmul.f32 v3, v54;
	_ =	sdelay $0x1  }
0x8b: {  	[tilespmem:s19+$0xFFFFFF60] =	vst v3;
	v3 =	vld [tilespmem:s19+$0xFFFFFF70];
	_ =	sdelay $0x4  }
0x8c: {  	v3 =	vmul.f32 v3, v54;
	_ =	sdelay $0x1  }
0x8d: {  	[tilespmem:s19+$0xFFFFFF70] =	vst v3;
	v3 =	vld [tilespmem:s19+$0xFFFFFF80];
	_ =	sdelay $0x2  }
0x8e: {  	v55 =	vbroadcast v2, $0x6;
	_ =	sdelay $0x1  }
0x8f: {  	v3 =	vmul.f32 v3, v55;
	_ =	sdelay $0x1  }
0x90: {  	[tilespmem:s19+$0xFFFFFF80] =	vst v3;
	v3 =	vld [tilespmem:s19+$0xFFFFFF90];
	_ =	sdelay $0x4  }
0x91: {  	v3 =	vmul.f32 v3, v55;
	_ =	sdelay $0x1  }
0x92: {  	[tilespmem:s19+$0xFFFFFF90] =	vst v3;
	v3 =	vld [tilespmem:s19+$0xFFFFFFA0];
	_ =	sdelay $0x4  }
0x93: {  	v3 =	vmul.f32 v3, v55;
	_ =	sdelay $0x1  }
0x94: {  	[tilespmem:s19+$0xFFFFFFA0] =	vst v3;
	v3 =	vld [tilespmem:s19+$0xFFFFFFB0];
	_ =	sdelay $0x4  }
0x95: {  	v3 =	vmul.f32 v3, v55;
	_ =	sdelay $0x1  }
0x96: {  	[tilespmem:s19+$0xFFFFFFB0] =	vst v3;
	v3 =	vld [tilespmem:s19+$0xFFFFFFC0];
	_ =	sdelay $0x2  }
0x97: {  	v56 =	vbroadcast v2, $0x7;
	_ =	sdelay $0x1  }
0x98: {  	v3 =	vmul.f32 v3, v56;
	_ =	sdelay $0x1  }
0x99: {  	[tilespmem:s19+$0xFFFFFFC0] =	vst v3;
	v3 =	vld [tilespmem:s19+$0xFFFFFFD0];
	_ =	sdelay $0x4  }
0x9a: {  	v3 =	vmul.f32 v3, v56;
	_ =	sdelay $0x1  }
0x9b: {  	[tilespmem:s19+$0xFFFFFFD0] =	vst v3;
	v3 =	vld [tilespmem:s19+$0xFFFFFFE0];
	_ =	sdelay $0x4  }
0x9c: {  	v3 =	vmul.f32 v3, v56;
	_ =	sdelay $0x1  }
0x9d: {  	[tilespmem:s19+$0xFFFFFFE0] =	vst v3;
	v3 =	vld [tilespmem:s19+$0xFFFFFFF0];
	_ =	sdelay $0x4  }
0x9e: {  	v3 =	vmul.f32 v3, v56;
	_ =	sdelay $0x1  }
0x9f: {  	[tilespmem:s19+$0xFFFFFFF0] =	vst v3;
	v3 =	vld [tilespmem:s19+$0x0];
	_ =	sdelay $0x2  }
0xa0: {  	v57 =	vbroadcast v2, $0x8;
	_ =	sdelay $0x1  }
0xa1: {  	v3 =	vmul.f32 v3, v57;
	_ =	sdelay $0x1  }
0xa2: {  	[tilespmem:s19+$0x0] =	vst v3;
	v3 =	vld [tilespmem:s19+$0x10];
	_ =	sdelay $0x4  }
0xa3: {  	v3 =	vmul.f32 v3, v57;
	_ =	sdelay $0x1  }
0xa4: {  	[tilespmem:s19+$0x10] =	vst v3;
	v3 =	vld [tilespmem:s19+$0x20];
	_ =	sdelay $0x4  }
0xa5: {  	v3 =	vmul.f32 v3, v57;
	_ =	sdelay $0x1  }
0xa6: {  	[tilespmem:s19+$0x20] =	vst v3;
	v3 =	vld [tilespmem:s19+$0x30];
	_ =	sdelay $0x4  }
0xa7: {  	v3 =	vmul.f32 v3, v57;
	_ =	sdelay $0x1  }
0xa8: {  	[tilespmem:s19+$0x30] =	vst v3;
	v3 =	vld [tilespmem:s19+$0x40];
	_ =	sdelay $0x2  }
0xa9: {  	v58 =	vbroadcast v2, $0x9;
	_ =	sdelay $0x1  }
0xaa: {  	v3 =	vmul.f32 v3, v58;
	_ =	sdelay $0x1  }
0xab: {  	[tilespmem:s19+$0x40] =	vst v3;
	v3 =	vld [tilespmem:s19+$0x50];
	_ =	sdelay $0x4  }
0xac: {  	v3 =	vmul.f32 v3, v58;
	_ =	sdelay $0x1  }
0xad: {  	[tilespmem:s19+$0x50] =	vst v3;
	v3 =	vld [tilespmem:s19+$0x60];
	_ =	sdelay $0x4  }
0xae: {  	v3 =	vmul.f32 v3, v58;
	_ =	sdelay $0x1  }
0xaf: {  	[tilespmem:s19+$0x60] =	vst v3;
	v3 =	vld [tilespmem:s19+$0x70];
	_ =	sdelay $0x4  }
0xb0: {  	v3 =	vmul.f32 v3, v58;
	_ =	sdelay $0x1  }
0xb1: {  	[tilespmem:s19+$0x70] =	vst v3;
	v3 =	vld [tilespmem:s19+$0x80];
	_ =	sdelay $0x2  }
0xb2: {  	v59 =	vbroadcast v2, $0xA;
	_ =	sdelay $0x1  }
0xb3: {  	v3 =	vmul.f32 v3, v59;
	_ =	sdelay $0x1  }
0xb4: {  	[tilespmem:s19+$0x80] =	vst v3;
	v3 =	vld [tilespmem:s19+$0x90];
	_ =	sdelay $0x4  }
0xb5: {  	v3 =	vmul.f32 v3, v59;
	_ =	sdelay $0x1  }
0xb6: {  	[tilespmem:s19+$0x90] =	vst v3;
	v3 =	vld [tilespmem:s19+$0xA0];
	_ =	sdelay $0x4  }
0xb7: {  	v3 =	vmul.f32 v3, v59;
	_ =	sdelay $0x1  }
0xb8: {  	[tilespmem:s19+$0xA0] =	vst v3;
	v3 =	vld [tilespmem:s19+$0xB0];
	_ =	sdelay $0x4  }
0xb9: {  	v3 =	vmul.f32 v3, v59;
	_ =	sdelay $0x1  }
0xba: {  	[tilespmem:s19+$0xB0] =	vst v3;
	v3 =	vld [tilespmem:s19+$0xC0];
	_ =	sdelay $0x2  }
0xbb: {  	v60 =	vbroadcast v2, $0xB;
	_ =	sdelay $0x1  }
0xbc: {  	v3 =	vmul.f32 v3, v60;
	_ =	sdelay $0x1  }
0xbd: {  	[tilespmem:s19+$0xC0] =	vst v3;
	v3 =	vld [tilespmem:s19+$0xD0];
	_ =	sdelay $0x4  }
0xbe: {  	v3 =	vmul.f32 v3, v60;
	_ =	sdelay $0x1  }
0xbf: {  	[tilespmem:s19+$0xD0] =	vst v3;
	v3 =	vld [tilespmem:s19+$0xE0];
	_ =	sdelay $0x4  }
0xc0: {  	v3 =	vmul.f32 v3, v60;
	_ =	sdelay $0x1  }
0xc1: {  	[tilespmem:s19+$0xE0] =	vst v3;
	v3 =	vld [tilespmem:s19+$0xF0];
	_ =	sdelay $0x4  }
0xc2: {  	v3 =	vmul.f32 v3, v60;
	_ =	sdelay $0x1  }
0xc3: {  	[tilespmem:s19+$0xF0] =	vst v3;
	v3 =	vld [tilespmem:s19+$0x100];
	_ =	sdelay $0x2  }
0xc4: {  	v61 =	vbroadcast v2, $0xC;
	_ =	sdelay $0x1  }
0xc5: {  	v3 =	vmul.f32 v3, v61;
	_ =	sdelay $0x1  }
0xc6: {  	[tilespmem:s19+$0x100] =	vst v3;
	v3 =	vld [tilespmem:s19+$0x110];
	_ =	sdelay $0x4  }
0xc7: {  	v3 =	vmul.f32 v3, v61;
	_ =	sdelay $0x1  }
0xc8: {  	[tilespmem:s19+$0x110] =	vst v3;
	v3 =	vld [tilespmem:s19+$0x120];
	_ =	sdelay $0x4  }
0xc9: {  	v3 =	vmul.f32 v3, v61;
	_ =	sdelay $0x1  }
0xca: {  	[tilespmem:s19+$0x120] =	vst v3;
	v3 =	vld [tilespmem:s19+$0x130];
	_ =	sdelay $0x4  }
0xcb: {  	v3 =	vmul.f32 v3, v61;
	_ =	sdelay $0x1  }
0xcc: {  	[tilespmem:s19+$0x130] =	vst v3;
	v3 =	vld [tilespmem:s19+$0x140];
	_ =	sdelay $0x2  }
0xcd: {  	v62 =	vbroadcast v2, $0xD;
	_ =	sdelay $0x1  }
0xce: {  	v3 =	vmul.f32 v3, v62;
	_ =	sdelay $0x1  }
0xcf: {  	[tilespmem:s19+$0x140] =	vst v3;
	v3 =	vld [tilespmem:s19+$0x150];
	_ =	sdelay $0x4  }
0xd0: {  	v3 =	vmul.f32 v3, v62;
	_ =	sdelay $0x1  }
0xd1: {  	[tilespmem:s19+$0x150] =	vst v3;
	v3 =	vld [tilespmem:s19+$0x160];
	_ =	sdelay $0x4  }
0xd2: {  	v3 =	vmul.f32 v3, v62;
	_ =	sdelay $0x1  }
0xd3: {  	[tilespmem:s19+$0x160] =	vst v3;
	v3 =	vld [tilespmem:s19+$0x170];
	_ =	sdelay $0x4  }
0xd4: {  	v3 =	vmul.f32 v3, v62;
	_ =	sdelay $0x1  }
0xd5: {  	[tilespmem:s19+$0x170] =	vst v3;
	v3 =	vld [tilespmem:s19+$0x180];
	_ =	sdelay $0x2  }
0xd6: {  	v63 =	vbroadcast v2, $0xE;
	_ =	sdelay $0x1  }
0xd7: {  	v3 =	vmul.f32 v3, v63;
	_ =	sdelay $0x1  }
0xd8: {  	[tilespmem:s19+$0x180] =	vst v3;
	v3 =	vld [tilespmem:s19+$0x190];
	_ =	sdelay $0x4  }
0xd9: {  	v3 =	vmul.f32 v3, v63;
	_ =	sdelay $0x1  }
0xda: {  	[tilespmem:s19+$0x190] =	vst v3;
	v3 =	vld [tilespmem:s19+$0x1A0];
	_ =	sdelay $0x4  }
0xdb: {  	v3 =	vmul.f32 v3, v63;
	_ =	sdelay $0x1  }
0xdc: {  	[tilespmem:s19+$0x1A0] =	vst v3;
	v3 =	vld [tilespmem:s19+$0x1B0];
	_ =	sdelay $0x4  }
0xdd: {  	v3 =	vmul.f32 v3, v63;
	_ =	sdelay $0x1  }
0xde: {  	[tilespmem:s19+$0x1B0] =	vst v3;
	v3 =	vld [tilespmem:s19+$0x1C0];
	_ =	sdelay $0x2  }
0xdf: {  	v2 =	vbroadcast v2, $0xF;
	_ =	sdelay $0x1  }
0xe0: {  	v3 =	vmul.f32 v3, v2;
	_ =	sdelay $0x1  }
0xe1: {  	[tilespmem:s19+$0x1C0] =	vst v3;
	v3 =	vld [tilespmem:s19+$0x1D0];
	_ =	sdelay $0x4  }
0xe2: {  	v3 =	vmul.f32 v3, v2;
	_ =	sdelay $0x1  }
0xe3: {  	[tilespmem:s19+$0x1D0] =	vst v3;
	v3 =	vld [tilespmem:s19+$0x1E0];
	_ =	sdelay $0x4  }
0xe4: {  	v3 =	vmul.f32 v3, v2;
	_ =	sdelay $0x1  }
0xe5: {  	[tilespmem:s19+$0x1E0] =	vst v3;
	v3 =	vld [tilespmem:s19+$0x1F0];
	_ =	sdelay $0x2  }
.Ltmp7:
0xe6: {  	_ = 	snop;
	(pc) =	sbr.rel .LBB2_5-.Ltmp7, $3  }
0xe7: {  	_ = 	snop  }
0xe8: {  	v2 =	vmul.f32 v3, v2;
	_ =	sdelay $0x1  }
0xe9: {  	[tilespmem:s19+$0x1F0] =	vst v2  }
.LBB2_6:
0xea: {  	s11 =	sshll.u32 s15, $0x11  }
0xeb: {  	s11 =	sadd.s32 s8, s11  }
0xec: {  	s16 =	sor.u32 $0x1, s18;
	s11 =	sshrl.u32 s11, $0x3  }
0xed: {  	p0 =	sgt.u32 s16, $0x30;
	s11 =	sadd.s32 s5, s11  }
0xee: {  	[hbm4b:s11+s30] =	stream.strided.scatter [tilespmem:s3], [sflag:$0x3], $0x8000, s13, s30, $0x38;
	[tilespmem:$0x10400] =	vst v63  }
0xef: {  	s11 =	sadd.s32 @!p0 s17, s9;
	_ =	swait.ge [sflag:s31], $0x8000  }
0xf0: {  	s18 =	simm.s32 @!p0 $0x10000;
	s11 =	sshrl.u32 @!p0 s11, $0x3;
	[sflag:s31] =	ssyncset.done $0x0  }
0xf1: {  	s17 =	simm.s32 @!p0 $0x0;
	s11 =	sadd.s32 @!p0 s2, s11;
	[sflag:s31] =	ssyncadd.s32 $0xFFFF8000  }
0xf2: {  	[tilespmem:s18], [sflag:$0x5] =	stream.linear.gather @!p0 [hbm4b:s11+s17], $0x200, $0x38;
	[tilespmem:$0x10400] =	vst v63  }
0xf3: {  	s11 =	simm.s32 @!p0 $0x5  }
0xf4: {  	_ =	swait.ge @!p0 [sflag:s11], $0x200  }
0xf5: {  	[sflag:s11] =	ssyncset.done @!p0 $0x0  }
0xf6: {  	[sflag:s11] =	ssyncadd.s32 @!p0 $0xFFFFFE00;
	s11 =	simm.s32 @!p0 $0x80  }
0xf7: {  	[tilespmem:s17], [sflag:$0x1] =	stream.indirect.gather @!p0 [hbm4b:s4+s11], $0x40, s18, s11, $0xb8;
	[tilespmem:$0x10400] =	vst v63  }
0xf8: {  	s17 =	simm.s32 @!p0 $0x10080;
	s18 =	simm.s32 @!p0 $0x2000  }
0xf9: {  	[tilespmem:s18], [sflag:$0x1] =	stream.indirect.gather @!p0 [hbm4b:s4+s11], $0x40, s17, s11, $0xb8;
	[tilespmem:$0x10400] =	vst v63  }
0xfa: {  	s17 =	simm.s32 @!p0 $0x10100;
	s18 =	simm.s32 @!p0 $0x4000  }
0xfb: {  	[tilespmem:s18], [sflag:$0x1] =	stream.indirect.gather @!p0 [hbm4b:s4+s11], $0x40, s17, s11, $0xb8;
	[tilespmem:$0x10400] =	vst v63  }
0xfc: {  	s17 =	simm.s32 @!p0 $0x10180;
	s18 =	simm.s32 @!p0 $0x6000  }
0xfd: {  	[tilespmem:s18], [sflag:$0x1] =	stream.indirect.gather @!p0 [hbm4b:s4+s11], $0x40, s17, s11, $0xb8;
	[tilespmem:$0x10400] =	vst v63  }
0xfe: {  	_ =	swait.ge [sflag:s1], $0x2000  }
0xff: {  	[sflag:s1] =	ssyncset.done $0x0  }
0x100: {  	[sflag:s1] =	ssyncadd.s32 $0xFFFFE000  }
0x101: {  	_ =	swait.ge [sflag:s1], $0x2000  }
0x102: {  	[sflag:s1] =	ssyncset.done $0x0  }
0x103: {  	[sflag:s1] =	ssyncadd.s32 $0xFFFFE000  }
0x104: {  	_ =	swait.ge [sflag:s1], $0x2000  }
.Ltmp8:
0x105: {  	[sflag:s1] =	ssyncset.done $0x0;
	(pc) =	sbr.rel .LBB2_7-.Ltmp8, $4  }
0x106: {  	[sflag:s1] =	ssyncadd.s32 $0xFFFFE000  }
0x107: {  	_ =	swait.ge [sflag:s1], $0x2000  }
0x108: {  	[sflag:s1] =	ssyncset.done $0x0  }
0x109: {  	s17 =	simm.s32 $0x0;
	s18 =	simm.s32 $0x8200;
	[sflag:s1] =	ssyncadd.s32 $0xFFFFE000  }
.LBB2_9:
0x10a: {  	s17 =	sadd.s32 $0x40, s17  }
0x10b: {  	p0 =	sne.s32 s17, $0x800  }
.Ltmp9:
0x10c: {  	_ = 	snop;
	(pc) =	sbr.rel @!p0 .LBB2_10-.Ltmp9, $2  }
0x10d: {  	_ =	sdelay $0x2  }
0x10e: {  	s18 =	sadd.s32 $0x400, s18  }
.LBB2_7:
0x10f: {  	s11 =	sshra.s32 s17, $0x2  }
0x110: {  	v2 =	vld [tilespmem:s11+$0x10200];
	_ =	sdelay $0x4  }
0x111: {  	vm0 =	veq.s32 v2, $0x0  }
0x112: {  	v2 =	vsel vm0, $0x3F800000, v0  }
0x113: {  	(xrf0) =	vmax.scan.msk.f32 $0xffff, v2;
	_ =	sdelay $0x5  }
0x114: {  	v2, _, _ =	vpop (xrf0)  }
0x115: {  	(v2sf) =	vpush v2, $0xF;
	_ =	sdelay $0xe  }
0x116: {  	s19 =	spop (v2sf)  }
0x117: {  	p0 =	sgt.f32 s19, $0.0e+00  }
.Ltmp10:
0x118: {  	_ = 	snop;
	(pc) =	sbr.rel @!p0 .LBB2_9-.Ltmp10, $1  }
0x119: {  	_ =	sdelay $0x3  }
0x11a: {  	v3 =	vld [tilespmem:s18+$0xFFFFFE00];
	_ =	sdelay $0x1  }
0x11b: {  	v2 =	vsel vm0, $0x0, v1  }
0x11c: {  	v4 =	vbroadcast v2, $0x0;
	_ =	sdelay $0x1  }
0x11d: {  	v3 =	vmul.f32 v3, v4;
	_ =	sdelay $0x1  }
0x11e: {  	[tilespmem:s18+$0xFFFFFE00] =	vst v3;
	v3 =	vld [tilespmem:s18+$0xFFFFFE10];
	_ =	sdelay $0x4  }
0x11f: {  	v3 =	vmul.f32 v3, v4;
	_ =	sdelay $0x1  }
0x120: {  	[tilespmem:s18+$0xFFFFFE10] =	vst v3;
	v3 =	vld [tilespmem:s18+$0xFFFFFE20];
	_ =	sdelay $0x4  }
0x121: {  	v3 =	vmul.f32 v3, v4;
	_ =	sdelay $0x1  }
0x122: {  	[tilespmem:s18+$0xFFFFFE20] =	vst v3;
	v3 =	vld [tilespmem:s18+$0xFFFFFE30];
	_ =	sdelay $0x4  }
0x123: {  	v3 =	vmul.f32 v3, v4;
	_ =	sdelay $0x1  }
0x124: {  	[tilespmem:s18+$0xFFFFFE30] =	vst v3;
	v3 =	vld [tilespmem:s18+$0xFFFFFE40];
	_ =	sdelay $0x2  }
0x125: {  	v50 =	vbroadcast v2, $0x1;
	_ =	sdelay $0x1  }
0x126: {  	v3 =	vmul.f32 v3, v50;
	_ =	sdelay $0x1  }
0x127: {  	[tilespmem:s18+$0xFFFFFE40] =	vst v3;
	v3 =	vld [tilespmem:s18+$0xFFFFFE50];
	_ =	sdelay $0x4  }
0x128: {  	v3 =	vmul.f32 v3, v50;
	_ =	sdelay $0x1  }
0x129: {  	[tilespmem:s18+$0xFFFFFE50] =	vst v3;
	v3 =	vld [tilespmem:s18+$0xFFFFFE60];
	_ =	sdelay $0x4  }
0x12a: {  	v3 =	vmul.f32 v3, v50;
	_ =	sdelay $0x1  }
0x12b: {  	[tilespmem:s18+$0xFFFFFE60] =	vst v3;
	v3 =	vld [tilespmem:s18+$0xFFFFFE70];
	_ =	sdelay $0x4  }
0x12c: {  	v3 =	vmul.f32 v3, v50;
	_ =	sdelay $0x1  }
0x12d: {  	[tilespmem:s18+$0xFFFFFE70] =	vst v3;
	v3 =	vld [tilespmem:s18+$0xFFFFFE80];
	_ =	sdelay $0x2  }
0x12e: {  	v51 =	vbroadcast v2, $0x2;
	_ =	sdelay $0x1  }
0x12f: {  	v3 =	vmul.f32 v3, v51;
	_ =	sdelay $0x1  }
0x130: {  	[tilespmem:s18+$0xFFFFFE80] =	vst v3;
	v3 =	vld [tilespmem:s18+$0xFFFFFE90];
	_ =	sdelay $0x4  }
0x131: {  	v3 =	vmul.f32 v3, v51;
	_ =	sdelay $0x1  }
0x132: {  	[tilespmem:s18+$0xFFFFFE90] =	vst v3;
	v3 =	vld [tilespmem:s18+$0xFFFFFEA0];
	_ =	sdelay $0x4  }
0x133: {  	v3 =	vmul.f32 v3, v51;
	_ =	sdelay $0x1  }
0x134: {  	[tilespmem:s18+$0xFFFFFEA0] =	vst v3;
	v3 =	vld [tilespmem:s18+$0xFFFFFEB0];
	_ =	sdelay $0x4  }
0x135: {  	v3 =	vmul.f32 v3, v51;
	_ =	sdelay $0x1  }
0x136: {  	[tilespmem:s18+$0xFFFFFEB0] =	vst v3;
	v3 =	vld [tilespmem:s18+$0xFFFFFEC0];
	_ =	sdelay $0x2  }
0x137: {  	v52 =	vbroadcast v2, $0x3;
	_ =	sdelay $0x1  }
0x138: {  	v3 =	vmul.f32 v3, v52;
	_ =	sdelay $0x1  }
0x139: {  	[tilespmem:s18+$0xFFFFFEC0] =	vst v3;
	v3 =	vld [tilespmem:s18+$0xFFFFFED0];
	_ =	sdelay $0x4  }
0x13a: {  	v3 =	vmul.f32 v3, v52;
	_ =	sdelay $0x1  }
0x13b: {  	[tilespmem:s18+$0xFFFFFED0] =	vst v3;
	v3 =	vld [tilespmem:s18+$0xFFFFFEE0];
	_ =	sdelay $0x4  }
0x13c: {  	v3 =	vmul.f32 v3, v52;
	_ =	sdelay $0x1  }
0x13d: {  	[tilespmem:s18+$0xFFFFFEE0] =	vst v3;
	v3 =	vld [tilespmem:s18+$0xFFFFFEF0];
	_ =	sdelay $0x4  }
0x13e: {  	v3 =	vmul.f32 v3, v52;
	_ =	sdelay $0x1  }
0x13f: {  	[tilespmem:s18+$0xFFFFFEF0] =	vst v3;
	v3 =	vld [tilespmem:s18+$0xFFFFFF00];
	_ =	sdelay $0x2  }
0x140: {  	v53 =	vbroadcast v2, $0x4;
	_ =	sdelay $0x1  }
0x141: {  	v3 =	vmul.f32 v3, v53;
	_ =	sdelay $0x1  }
0x142: {  	[tilespmem:s18+$0xFFFFFF00] =	vst v3;
	v3 =	vld [tilespmem:s18+$0xFFFFFF10];
	_ =	sdelay $0x4  }
0x143: {  	v3 =	vmul.f32 v3, v53;
	_ =	sdelay $0x1  }
0x144: {  	[tilespmem:s18+$0xFFFFFF10] =	vst v3;
	v3 =	vld [tilespmem:s18+$0xFFFFFF20];
	_ =	sdelay $0x4  }
0x145: {  	v3 =	vmul.f32 v3, v53;
	_ =	sdelay $0x1  }
0x146: {  	[tilespmem:s18+$0xFFFFFF20] =	vst v3;
	v3 =	vld [tilespmem:s18+$0xFFFFFF30];
	_ =	sdelay $0x4  }
0x147: {  	v3 =	vmul.f32 v3, v53;
	_ =	sdelay $0x1  }
0x148: {  	[tilespmem:s18+$0xFFFFFF30] =	vst v3;
	v3 =	vld [tilespmem:s18+$0xFFFFFF40];
	_ =	sdelay $0x2  }
0x149: {  	v54 =	vbroadcast v2, $0x5;
	_ =	sdelay $0x1  }
0x14a: {  	v3 =	vmul.f32 v3, v54;
	_ =	sdelay $0x1  }
0x14b: {  	[tilespmem:s18+$0xFFFFFF40] =	vst v3;
	v3 =	vld [tilespmem:s18+$0xFFFFFF50];
	_ =	sdelay $0x4  }
0x14c: {  	v3 =	vmul.f32 v3, v54;
	_ =	sdelay $0x1  }
0x14d: {  	[tilespmem:s18+$0xFFFFFF50] =	vst v3;
	v3 =	vld [tilespmem:s18+$0xFFFFFF60];
	_ =	sdelay $0x4  }
0x14e: {  	v3 =	vmul.f32 v3, v54;
	_ =	sdelay $0x1  }
0x14f: {  	[tilespmem:s18+$0xFFFFFF60] =	vst v3;
	v3 =	vld [tilespmem:s18+$0xFFFFFF70];
	_ =	sdelay $0x4  }
0x150: {  	v3 =	vmul.f32 v3, v54;
	_ =	sdelay $0x1  }
0x151: {  	[tilespmem:s18+$0xFFFFFF70] =	vst v3;
	v3 =	vld [tilespmem:s18+$0xFFFFFF80];
	_ =	sdelay $0x2  }
0x152: {  	v55 =	vbroadcast v2, $0x6;
	_ =	sdelay $0x1  }
0x153: {  	v3 =	vmul.f32 v3, v55;
	_ =	sdelay $0x1  }
0x154: {  	[tilespmem:s18+$0xFFFFFF80] =	vst v3;
	v3 =	vld [tilespmem:s18+$0xFFFFFF90];
	_ =	sdelay $0x4  }
0x155: {  	v3 =	vmul.f32 v3, v55;
	_ =	sdelay $0x1  }
0x156: {  	[tilespmem:s18+$0xFFFFFF90] =	vst v3;
	v3 =	vld [tilespmem:s18+$0xFFFFFFA0];
	_ =	sdelay $0x4  }
0x157: {  	v3 =	vmul.f32 v3, v55;
	_ =	sdelay $0x1  }
0x158: {  	[tilespmem:s18+$0xFFFFFFA0] =	vst v3;
	v3 =	vld [tilespmem:s18+$0xFFFFFFB0];
	_ =	sdelay $0x4  }
0x159: {  	v3 =	vmul.f32 v3, v55;
	_ =	sdelay $0x1  }
0x15a: {  	[tilespmem:s18+$0xFFFFFFB0] =	vst v3;
	v3 =	vld [tilespmem:s18+$0xFFFFFFC0];
	_ =	sdelay $0x2  }
0x15b: {  	v56 =	vbroadcast v2, $0x7;
	_ =	sdelay $0x1  }
0x15c: {  	v3 =	vmul.f32 v3, v56;
	_ =	sdelay $0x1  }
0x15d: {  	[tilespmem:s18+$0xFFFFFFC0] =	vst v3;
	v3 =	vld [tilespmem:s18+$0xFFFFFFD0];
	_ =	sdelay $0x4  }
0x15e: {  	v3 =	vmul.f32 v3, v56;
	_ =	sdelay $0x1  }
0x15f: {  	[tilespmem:s18+$0xFFFFFFD0] =	vst v3;
	v3 =	vld [tilespmem:s18+$0xFFFFFFE0];
	_ =	sdelay $0x4  }
0x160: {  	v3 =	vmul.f32 v3, v56;
	_ =	sdelay $0x1  }
0x161: {  	[tilespmem:s18+$0xFFFFFFE0] =	vst v3;
	v3 =	vld [tilespmem:s18+$0xFFFFFFF0];
	_ =	sdelay $0x4  }
0x162: {  	v3 =	vmul.f32 v3, v56;
	_ =	sdelay $0x1  }
0x163: {  	[tilespmem:s18+$0xFFFFFFF0] =	vst v3;
	v3 =	vld [tilespmem:s18+$0x0];
	_ =	sdelay $0x2  }
0x164: {  	v57 =	vbroadcast v2, $0x8;
	_ =	sdelay $0x1  }
0x165: {  	v3 =	vmul.f32 v3, v57;
	_ =	sdelay $0x1  }
0x166: {  	[tilespmem:s18+$0x0] =	vst v3;
	v3 =	vld [tilespmem:s18+$0x10];
	_ =	sdelay $0x4  }
0x167: {  	v3 =	vmul.f32 v3, v57;
	_ =	sdelay $0x1  }
0x168: {  	[tilespmem:s18+$0x10] =	vst v3;
	v3 =	vld [tilespmem:s18+$0x20];
	_ =	sdelay $0x4  }
0x169: {  	v3 =	vmul.f32 v3, v57;
	_ =	sdelay $0x1  }
0x16a: {  	[tilespmem:s18+$0x20] =	vst v3;
	v3 =	vld [tilespmem:s18+$0x30];
	_ =	sdelay $0x4  }
0x16b: {  	v3 =	vmul.f32 v3, v57;
	_ =	sdelay $0x1  }
0x16c: {  	[tilespmem:s18+$0x30] =	vst v3;
	v3 =	vld [tilespmem:s18+$0x40];
	_ =	sdelay $0x2  }
0x16d: {  	v58 =	vbroadcast v2, $0x9;
	_ =	sdelay $0x1  }
0x16e: {  	v3 =	vmul.f32 v3, v58;
	_ =	sdelay $0x1  }
0x16f: {  	[tilespmem:s18+$0x40] =	vst v3;
	v3 =	vld [tilespmem:s18+$0x50];
	_ =	sdelay $0x4  }
0x170: {  	v3 =	vmul.f32 v3, v58;
	_ =	sdelay $0x1  }
0x171: {  	[tilespmem:s18+$0x50] =	vst v3;
	v3 =	vld [tilespmem:s18+$0x60];
	_ =	sdelay $0x4  }
0x172: {  	v3 =	vmul.f32 v3, v58;
	_ =	sdelay $0x1  }
0x173: {  	[tilespmem:s18+$0x60] =	vst v3;
	v3 =	vld [tilespmem:s18+$0x70];
	_ =	sdelay $0x4  }
0x174: {  	v3 =	vmul.f32 v3, v58;
	_ =	sdelay $0x1  }
0x175: {  	[tilespmem:s18+$0x70] =	vst v3;
	v3 =	vld [tilespmem:s18+$0x80];
	_ =	sdelay $0x2  }
0x176: {  	v59 =	vbroadcast v2, $0xA;
	_ =	sdelay $0x1  }
0x177: {  	v3 =	vmul.f32 v3, v59;
	_ =	sdelay $0x1  }
0x178: {  	[tilespmem:s18+$0x80] =	vst v3;
	v3 =	vld [tilespmem:s18+$0x90];
	_ =	sdelay $0x4  }
0x179: {  	v3 =	vmul.f32 v3, v59;
	_ =	sdelay $0x1  }
0x17a: {  	[tilespmem:s18+$0x90] =	vst v3;
	v3 =	vld [tilespmem:s18+$0xA0];
	_ =	sdelay $0x4  }
0x17b: {  	v3 =	vmul.f32 v3, v59;
	_ =	sdelay $0x1  }
0x17c: {  	[tilespmem:s18+$0xA0] =	vst v3;
	v3 =	vld [tilespmem:s18+$0xB0];
	_ =	sdelay $0x4  }
0x17d: {  	v3 =	vmul.f32 v3, v59;
	_ =	sdelay $0x1  }
0x17e: {  	[tilespmem:s18+$0xB0] =	vst v3;
	v3 =	vld [tilespmem:s18+$0xC0];
	_ =	sdelay $0x2  }
0x17f: {  	v60 =	vbroadcast v2, $0xB;
	_ =	sdelay $0x1  }
0x180: {  	v3 =	vmul.f32 v3, v60;
	_ =	sdelay $0x1  }
0x181: {  	[tilespmem:s18+$0xC0] =	vst v3;
	v3 =	vld [tilespmem:s18+$0xD0];
	_ =	sdelay $0x4  }
0x182: {  	v3 =	vmul.f32 v3, v60;
	_ =	sdelay $0x1  }
0x183: {  	[tilespmem:s18+$0xD0] =	vst v3;
	v3 =	vld [tilespmem:s18+$0xE0];
	_ =	sdelay $0x4  }
0x184: {  	v3 =	vmul.f32 v3, v60;
	_ =	sdelay $0x1  }
0x185: {  	[tilespmem:s18+$0xE0] =	vst v3;
	v3 =	vld [tilespmem:s18+$0xF0];
	_ =	sdelay $0x4  }
0x186: {  	v3 =	vmul.f32 v3, v60;
	_ =	sdelay $0x1  }
0x187: {  	[tilespmem:s18+$0xF0] =	vst v3;
	v3 =	vld [tilespmem:s18+$0x100];
	_ =	sdelay $0x2  }
0x188: {  	v61 =	vbroadcast v2, $0xC;
	_ =	sdelay $0x1  }
0x189: {  	v3 =	vmul.f32 v3, v61;
	_ =	sdelay $0x1  }
0x18a: {  	[tilespmem:s18+$0x100] =	vst v3;
	v3 =	vld [tilespmem:s18+$0x110];
	_ =	sdelay $0x4  }
0x18b: {  	v3 =	vmul.f32 v3, v61;
	_ =	sdelay $0x1  }
0x18c: {  	[tilespmem:s18+$0x110] =	vst v3;
	v3 =	vld [tilespmem:s18+$0x120];
	_ =	sdelay $0x4  }
0x18d: {  	v3 =	vmul.f32 v3, v61;
	_ =	sdelay $0x1  }
0x18e: {  	[tilespmem:s18+$0x120] =	vst v3;
	v3 =	vld [tilespmem:s18+$0x130];
	_ =	sdelay $0x4  }
0x18f: {  	v3 =	vmul.f32 v3, v61;
	_ =	sdelay $0x1  }
0x190: {  	[tilespmem:s18+$0x130] =	vst v3;
	v3 =	vld [tilespmem:s18+$0x140];
	_ =	sdelay $0x2  }
0x191: {  	v62 =	vbroadcast v2, $0xD;
	_ =	sdelay $0x1  }
0x192: {  	v3 =	vmul.f32 v3, v62;
	_ =	sdelay $0x1  }
0x193: {  	[tilespmem:s18+$0x140] =	vst v3;
	v3 =	vld [tilespmem:s18+$0x150];
	_ =	sdelay $0x4  }
0x194: {  	v3 =	vmul.f32 v3, v62;
	_ =	sdelay $0x1  }
0x195: {  	[tilespmem:s18+$0x150] =	vst v3;
	v3 =	vld [tilespmem:s18+$0x160];
	_ =	sdelay $0x4  }
0x196: {  	v3 =	vmul.f32 v3, v62;
	_ =	sdelay $0x1  }
0x197: {  	[tilespmem:s18+$0x160] =	vst v3;
	v3 =	vld [tilespmem:s18+$0x170];
	_ =	sdelay $0x4  }
0x198: {  	v3 =	vmul.f32 v3, v62;
	_ =	sdelay $0x1  }
0x199: {  	[tilespmem:s18+$0x170] =	vst v3;
	v3 =	vld [tilespmem:s18+$0x180];
	_ =	sdelay $0x2  }
0x19a: {  	v63 =	vbroadcast v2, $0xE;
	_ =	sdelay $0x1  }
0x19b: {  	v3 =	vmul.f32 v3, v63;
	_ =	sdelay $0x1  }
0x19c: {  	[tilespmem:s18+$0x180] =	vst v3;
	v3 =	vld [tilespmem:s18+$0x190];
	_ =	sdelay $0x4  }
0x19d: {  	v3 =	vmul.f32 v3, v63;
	_ =	sdelay $0x1  }
0x19e: {  	[tilespmem:s18+$0x190] =	vst v3;
	v3 =	vld [tilespmem:s18+$0x1A0];
	_ =	sdelay $0x4  }
0x19f: {  	v3 =	vmul.f32 v3, v63;
	_ =	sdelay $0x1  }
0x1a0: {  	[tilespmem:s18+$0x1A0] =	vst v3;
	v3 =	vld [tilespmem:s18+$0x1B0];
	_ =	sdelay $0x4  }
0x1a1: {  	v3 =	vmul.f32 v3, v63;
	_ =	sdelay $0x1  }
0x1a2: {  	[tilespmem:s18+$0x1B0] =	vst v3;
	v3 =	vld [tilespmem:s18+$0x1C0];
	_ =	sdelay $0x2  }
0x1a3: {  	v2 =	vbroadcast v2, $0xF;
	_ =	sdelay $0x1  }
0x1a4: {  	v3 =	vmul.f32 v3, v2;
	_ =	sdelay $0x1  }
0x1a5: {  	[tilespmem:s18+$0x1C0] =	vst v3;
	v3 =	vld [tilespmem:s18+$0x1D0];
	_ =	sdelay $0x4  }
0x1a6: {  	v3 =	vmul.f32 v3, v2;
	_ =	sdelay $0x1  }
0x1a7: {  	[tilespmem:s18+$0x1D0] =	vst v3;
	v3 =	vld [tilespmem:s18+$0x1E0];
	_ =	sdelay $0x4  }
0x1a8: {  	v3 =	vmul.f32 v3, v2;
	_ =	sdelay $0x1  }
0x1a9: {  	[tilespmem:s18+$0x1E0] =	vst v3;
	v3 =	vld [tilespmem:s18+$0x1F0];
	_ =	sdelay $0x2  }
.Ltmp11:
0x1aa: {  	_ = 	snop;
	(pc) =	sbr.rel .LBB2_9-.Ltmp11, $3  }
0x1ab: {  	_ = 	snop  }
0x1ac: {  	v2 =	vmul.f32 v3, v2;
	_ =	sdelay $0x1  }
0x1ad: {  	[tilespmem:s18+$0x1F0] =	vst v2  }
.LBB2_12:
0x1ae: {  	_ =	sfence.sel $0x180000  }
0x1af: {  	[bflag:$0x0] =	sbarrier.arrive $0xFFFF  }
0x1b0: {  	_ =	strace $0x90000047  }
0x1b1: {  	s0 =	stileid.u32;
	[bflag:$0x2] =	sbarrier.arrive $0xFFFF  }
0x1b2: {  	p0 =	sne.s32 s0, $0x0;
	s0 =	rddreg [dreg:$0x2]  }
0x1b3: {  	s0 =	sadd.s32 @!p0 $0x100000, s0  }
0x1b4: {  	[sflag:s0] =	ssyncadd.tile.s32 @!p0 $0x1;
	_ =	shalt  }
.Lfunc_end2:
_tile_overlayer_lowered:
.L_overlay_start_2:
0x1b5: {  	(tag) =	ssettag $0x2  }
0x1b6: {  	s0 =	rddreg [dreg:$0x0];
	s2 =	stileid.u32  }
0x1b7: {  	s1 =	rddreg [dreg:$0x1];
	p0 =	sne.s32 s2, $0x0  }
0x1b8: {  	s3 =	rddreg [dreg:$0x2];
	[bflag:$0x3] =	sbarrier.arrive $0xFFFF;
	s2 =	simm.s32 @!p0 $0x1C05  }
0x1b9: {  	[timem:s3], [sflag:s2] =	dma.local @!p0 [hbm:s0], s1  }
0x1ba: {  	s0 =	simm.s32 @!p0 $0x5  }
0x1bb: {  	_ =	swait.ge @!p0 [sflag:s0], s1  }
0x1bc: {  	s1 =	ssub.s32 @!p0 $0x0, s1;
	[sflag:s0] =	ssyncset.done @!p0 $0x0  }
0x1bd: {  	[sflag:s0] =	ssyncadd.s32 @!p0 s1  }
0x1be: {  	[bflag:$0x3] =	sbarrier.arrive $0xFFFF  }
0x1bf: {  	_ =	shalt  }

// kernel: sparse-core-data-format-call.cloned.1.call-start
scs
called_computation_lowered:
.L_overlay_start_0:
0x0: {  	s2 =	sld [smem:$0x3FD9]  }
0x1: {  	s3 =	sld [smem:$0x3FFE];
	_ =	sdelay $0x1  }
0x2: {  	s1 =	srdreg.scid  }
0x3: {  	s0 =	sand.u32 $0x1, s1  }
0x4: {  	s18 =	sshll.u32 s0, $0xA;
	s2 =	sadd.s32 s3, s2  }
0x5: {  	s2 =	sadd.s32 s2, s18  }
0x6: {  	[smem:$0x3FC4] =	sst s2  }
0x7: {  	_ = 	snop  }
0x8: {  	s2 =	sld [smem:$0x3FD0];
	(tm) =	ssettm $0x1  }
0x9: {  	s19 =	sld [smem:$0x3FFB];
	_ =	sdelay $0x3  }
0xa: {  	_ =	strace s19  }
0xb: {  	s3 =	sld [smem:$0x3FFC];
	_ =	sdelay $0x3  }
0xc: {  	_ =	strace s3  }
0xd: {  	s3 =	sld [smem:$0x3FFD];
	_ =	sdelay $0x3  }
0xe: {  	_ =	strace s3  }
0xf: {  	_ =	strace $0x8FFFFFFF  }
0x10: {  	s20 =	sld [smem:$0x3FDB];
	_ =	sdelay $0x1  }
0x11: {  	s4 =	simm.s32 $_scs_section_size  }
0x12: {  	s5 =	simm.s32 $_size__tile_overlayer_lowered;
	s6 =	simm.s32 $_tile_overlayer_lowered  }
0x13: {  	s23 =	simm.s32 $0x1BFF;
	s22 =	sshll.u32 s6, $0x1;
	s3 =	sadd.s32 s4, s20  }
0x14: {  	s7 =	simm.s32 $0x0;
	s21 =	sshll.u32 s5, $0x1;
	s5 =	sadd.s32 s22, s3  }
0x15: {  	[timem:s7], [sflag:s23] =	dma.local [hbm:s5], s21  }
0x16: {  	_ =	swait.ge [sflag:s23], s21  }
0x17: {  	s4 =	ssub.s32 $0x0, s21;
	[sflag:s23] =	ssyncset.done $0x0  }
0x18: {  	[sflag:s23] =	ssyncadd.s32 s4;
	_ =	sdelay $0x1  }
0x19: {  	s24 =	simm.s32 $0x1B8B  }
0x1a: {  	_ =	swait.ge [sflag:s24], $0x1  }
0x1b: {  	[sflag:s24] =	ssyncset.done $0x0  }
0x1c: {  	s26 =	simm.s32 $0x1B8E;
	s25 =	sld [smem:$0x3FFE];
	[sflag:s24] =	ssyncadd.s32 $0xFFFFFFFF  }
0x1d: {  	s27 =	simm.s32 $execute0_lowered;
	[smem:$0x3FD2] =	sst s26  }
0x1e: {  	s5 =	sshll.u32 s27, $0x1;
	_ =	strace $0x80000049;
	[dreg:$0x1] =	wrdreg $0xFFFFFFFF  }
0x1f: {  	s28 =	simm.s32 $_size_execute0_lowered;
	s3 =	sadd.s32 s3, s5;
	[dreg:$0x0] =	wrdreg $0x0  }
0x20: {  	s5 =	sshll.u32 s28, $0x1;
	[dreg:$0x2] =	wrdreg s3  }
0x21: {  	[dreg:$0x3] =	wrdreg s5  }
0x22: {  	[dreg:$0x4] =	wrdreg $0xC0  }
0x23: {  	_ =	task [dreg:s7], $0x5FFFF  }
0x24: {  	[dreg:$0x1] =	wrdreg $0xFFFFFFFF  }
0x25: {  	[dreg:$0x0] =	wrdreg $0x60  }
0x26: {  	[dreg:$0x2] =	wrdreg s25  }
0x27: {  	[dreg:$0x3] =	wrdreg s2  }
0x28: {  	[dreg:$0x4] =	wrdreg $0x9  }
0x29: {  	_ =	task.clear_ibuf [dreg:s7], $0x5FFFF;
	_ =	strace $0x90000049  }
0x2a: {  	s29 =	simm.s32 $0x9;
	_ =	strace $0x8000004B  }
0x2b: {  	_ =	swait.ge [sflag:s29], $0x1  }
0x2c: {  	[sflag:s29] =	ssyncadd.s32 $0xFFFFFFFF  }
0x2d: {  	_ =	strace $0x9000004B  }
0x2e: {  	_ =	sfence  }
0x2f: {  	s30 =	sld [smem:$0x0];
	_ =	sdelay $0x2  }
0x30: {  	s31 =	sshll.u32 s1, $0xD;
	s1 =	sshrl.u32 s1, $0x2  }
0x31: {  	s3 =	sand.u32 $0x4000, s31;
	s1 =	sadd.s32 s1, s30  }
0x32: {  	s0 =	sor.u32 s3, s0;
	s1 =	sshll.u32 s1, $0x11  }
0x33: {  	s0 =	sor.u32 s1, s0  }
0x34: {  	s0 =	sadd.s32 $0x8F2B, s0  }
0x35: {  	[sflag:s0] =	ssyncadd.remote.s32 $0x1  }
0x36: {  	_ =	sfence.sel $0xFFFF  }
0x37: {  	[dreg:$0x0] =	wrdreg $0xFFFFFFFF;
	(pc) =	sbr.abs _section_cstart, $3  }
0x38: {  	[dreg:$0x1] =	wrdreg $0xFFFFFFFF  }
0x39: {  	_ =	task.clear_ibuf [dreg:s7], $0x2FFFF;
	_ =	strace $0x9FFFFFFF  }
0x3a: {  	(tm) =	ssettm $0x7FFFFFFF  }
0x3b: {  	_ =	shalt  }
tec
execute0_lowered:
.L_overlay_start_1:
0x0: {  	(tag) =	ssettag $0x1  }
0x1: {  	s0 =	srdreg.scid  }
0x2: {  	s1 =	sshll.u32 s0, $0x4  }
0x3: {  	s0 =	stileid.u32;
	s1 =	sand.u32 $0x10, s1  }
0x4: {  	s1 =	sor.u32 s0, s1  }
0x5: {  	s6 =	rddreg [dreg:$0x0];
	s4 =	simm.s32 $0x1;
	s2 =	sshll.u32 s1, $0x7  }
0x6: {  	s7 =	simm.s32 $0x2;
	s12 =	simm.s32 $0x0;
	s1 =	ssub.s32 $0x1000, s2  }
0x7: {  	s8 =	simm.s32 $0x8000;
	s13 =	simm.s32 $0x0;
	s3 =	sand.u32 $0xF80, s1  }
0x8: {  	s9 =	simm.s32 $0x0;
	s5 =	sshrl.u32 s1, $0xC;
	p0 =	sne.s32 s3, $0x0  }
.Ltmp0:
0x9: {  	s1 =	rddreg [dreg:$0x2];
	s4 =	simm.s32 @!p0 $0x0;
	(pc) =	sbr.rel .LBB1_1-.Ltmp0, $4  }
0xa: {  	s11 =	simm.s32 $0x0;
	s3 =	rddreg [dreg:$0x1];
	s5 =	sadd.s32 s4, s5  }
0xb: {  	_ =	strace $0x8000004A;
	s4 =	simm.s32 $0x1;
	s5 =	smul.u32 $0xC8, s5  }
0xc: {  	s6 =	sadd.s32 $0xC80C00, s6;
	s10 =	smov.u32 s2;
	[sflag:s4] =	ssyncpa.u1 $0x0  }
0xd: {  	p0 =	por $0x0, $0x0;
	[sflag:s7] =	ssyncpa.u1 $0x0;
	s7 =	sor.u32 $0x1, s5  }
.LBB1_4:
0xe: {  	s16 =	sshll.u32 s13, $0x3;
	s17 =	sand.u32 $0x78, s13  }
0xf: {  	s30 =	sand.u32 $0x7E00, s13;
	s12 =	sshll.u32 s12, $0xF;
	s16 =	sand.u32 $0xC00, s16  }
0x10: {  	[tilespmem:s15+$0x810 ss:$0x81] =	vst.msk $0xffff, v2;
	s31 =	sand.u32 $0x7, s13;
	s16 =	sor.u32 s17, s16;
	s17 =	sadd.s32 s3, s30  }
0x11: {  	[tilespmem:s15+$0x1020 ss:$0x81] =	vst.msk $0xffff, v0;
	s13 =	sshll.u32 s31, $0x12;
	s12 =	sadd.s32 s12, s17;
	s16 =	sshrl.u32 s16, $0x3  }
0x12: {  	[tilespmem:s15+$0x0 ss:$0x81] =	vst.msk $0xffff, v1;
	s13 =	sor.u32 $0x400, s13;
	s12 =	sadd.s32 s16, s12  }
0x13: {  	[hbm4b:s12+s13] =	stream.strided.scatter [tilespmem:s14], [sflag:$0x2], $0x2000, s8, s13, $0x20;
	[tilespmem:$0x8080] =	vst v63  }
.LBB1_5:
0x14: {  	s14 =	sadd.s32 $0x1, s9  }
0x15: {  	s12 =	sadd.s32 $0x1000, s10;
	s16 =	smov.u32 s10;
	p2 =	sgt.s32 s14, $0xC7  }
0x16: {  	s16 =	smov.u32 @p2 s12  }
0x17: {  	s14 =	simm.s32 @p2 $0x0;
	p2 =	sgt.s32 s16, $0xFFF  }
0x18: {  	s16 =	smov.u32 @p2 s2;
	p2 =	sne.s32 s11, s7  }
.Ltmp1:
0x19: {  	p1 =	slt.u32 s11, $0x2;
	(pc) =	sbr.rel @!p2 .LBB1_6-.Ltmp1, $4  }
0x1a: {  	s15 =	simm.s32 @!p1 $0x2  }
0x1b: {  	s13 =	smov.u32 s10;
	p0 =	por !p0, !p0;
	_ =	swait.ge @!p1 [sflag:s15], $0x2000  }
0x1c: {  	s12 =	smov.u32 s9;
	[sflag:s15] =	ssyncset.done @!p1 $0x0;
	s9 =	smov.u32 s14  }
0x1d: {  	s11 =	sadd.s32 $0x1, s11;
	[sflag:s15] =	ssyncadd.s32 @!p1 $0xFFFFE000;
	s10 =	smov.u32 s16  }
.LBB1_1:
0x1e: {  	p1 =	sge.u32 s11, s5  }
0x1f: {  	s14 =	sand.u32 @!p1 $0x1FFFFFF, s9  }
0x20: {  	s15 =	smulhi.u32 @!p1 $0x147AE15, s14;
	_ =	sdelay $0x1  }
0x21: {  	s15 =	smul.u32 @!p1 $0xC8, s15  }
0x22: {  	s16 =	sxor.u32 @!p1 $0xFFFFFFFF, s11;
	s17 =	smul.u32 @!p1 $0xC80, s10  }
0x23: {  	s31 =	sadd.s32 $0xFFFFFFFF, s11;
	s16 =	sshll.u32 @!p1 s16, $0xD;
	s14 =	ssub.s32 @!p1 s14, s15  }
0x24: {  	s15 =	sand.u32 @!p1 $0x2000, s16;
	s16 =	sadd.s32 @!p1 s6, s17;
	s14 =	sshll.u32 @!p1 s14, $0x4  }
0x25: {  	s17 =	simm.s32 @!p1 $0x6400;
	s14 =	sadd.s32 @!p1 s14, s16;
	s16 =	simm.s32 @!p1 $0x40  }
0x26: {  	[tilespmem:s15], [sflag:$0x1] =	stream.strided.gather @!p1 [hbm4b:s14+s16], $0x2000, s17, s16, $0x38;
	[tilespmem:$0x8080] =	vst v63  }
0x27: {  	p1 =	sge.u32 s31, s5  }
.Ltmp2:
0x28: {  	_ = 	snop;
	(pc) =	sbr.rel @p1 .LBB1_5-.Ltmp2, $1  }
0x29: {  	_ =	sdelay $0x3  }
0x2a: {  	s14 =	simm.s32 $0x1  }
0x2b: {  	_ =	swait.ge [sflag:s4], $0x2000;
	s14 =	simm.s32 @!p0 $0x0  }
0x2c: {  	[sflag:s4] =	ssyncset.done $0x0;
	s15 =	sshll.u32 s14, $0xD  }
0x2d: {  	[sflag:s4] =	ssyncadd.s32 $0xFFFFE000;
	s18 =	sor.u32 $0x20, s15  }
0x2e: {  	s14 =	smul.u32 $0x8100, s14;
	v3 =	vld [tilespmem:s18+$0x10]  }
0x2f: {  	s30 =	sand.u32 $0x1, s11;
	v2 =	vld [tilespmem:s18+$0xFFFFFFF0]  }
0x30: {  	s15 =	smul.u32 $0x8100, s30;
	s14 =	sshrl.u32 s14, $0x2;
	v0 =	vld [tilespmem:s18+$0x0]  }
0x31: {  	v1 =	vld [tilespmem:s18+$0xFFFFFFE0];
	s16 =	sor.u32 $0x4000, s14  }
0x32: {  	s31 =	sshrl.u32 s15, $0x2;
	s15 =	sadd.s32 $0x0, s16  }
0x33: {  	s17 =	simm.s32 $0x4;
	s18 =	sadd.s32 $0x40, s18;
	s14 =	sor.u32 $0x4000, s31;
	[tilespmem:s15+$0x1830 ss:$0x81] =	vst.msk $0xffff, v3  }
.LBB1_3:
0x34: {  	v3 =	vld [tilespmem:s18+$0x10];
	p1 =	sne.s32 s17, $0x1FC;
	[tilespmem:s15+$0x810 ss:$0x81] =	vst.msk $0xffff, v2;
	s19 =	smov.u32 s17;
	s17 =	sadd.s32 $0x4, s17  }
.Ltmp3:
0x35: {  	v2 =	vld [tilespmem:s18+$0xFFFFFFF0];
	[tilespmem:s15+$0x1020 ss:$0x81] =	vst.msk $0xffff, v0;
	(pc) =	sbr.rel @p1 .LBB1_3-.Ltmp3, $4  }
0x36: {  	v0 =	vld [tilespmem:s18+$0x0];
	[tilespmem:s15+$0x0 ss:$0x81] =	vst.msk $0xffff, v1  }
0x37: {  	s15 =	sshra.s32 s19, $0x2;
	v1 =	vld [tilespmem:s18+$0xFFFFFFE0]  }
0x38: {  	s15 =	sadd.s32 s15, s16  }
0x39: {  	s18 =	sadd.s32 $0x40, s18;
	[tilespmem:s15+$0x1830 ss:$0x81] =	vst.msk $0xffff, v3  }
.Ltmp4:
0x3a: {  	_ = 	snop;
	(pc) =	sbr.rel .LBB1_4-.Ltmp4, $1  }
0x3b: {  	_ =	sdelay $0x3  }
.LBB1_6:
0x3c: {  	_ =	sfence.sel $0x180000  }
0x3d: {  	s2 =	simm.s32 $0x1;
	[bflag:$0x0] =	sbarrier.arrive $0xFFFF  }
0x3e: {  	s31 =	simm.s32 $0x2;
	[sflag:s2] =	ssyncpa.u1 $0x1  }
0x3f: {  	[sflag:s31] =	ssyncpa.u1 $0x1  }
0x40: {  	p0 =	sne.s32 s0, $0x0;
	_ =	strace $0x9000004A  }
0x41: {  	s0 =	sadd.s32 @!p0 $0x100000, s1;
	[bflag:$0x2] =	sbarrier.arrive $0xFFFF  }
0x42: {  	[sflag:s0] =	ssyncadd.tile.s32 @!p0 $0x1;
	_ =	shalt  }
.Lfunc_end1:
_tile_overlayer_lowered:
.L_overlay_start_2:
0x43: {  	(tag) =	ssettag $0x2  }
0x44: {  	s0 =	rddreg [dreg:$0x0];
	s2 =	stileid.u32  }
0x45: {  	s1 =	rddreg [dreg:$0x1];
	p0 =	sne.s32 s2, $0x0  }
0x46: {  	s3 =	rddreg [dreg:$0x2];
	[bflag:$0x3] =	sbarrier.arrive $0xFFFF;
	s2 =	simm.s32 @!p0 $0x1C01  }
0x47: {  	[timem:s3], [sflag:s2] =	dma.local @!p0 [hbm:s0], s1  }
0x48: {  	s0 =	simm.s32 @!p0 $0x1  }
0x49: {  	_ =	swait.ge @!p0 [sflag:s0], s1  }
0x4a: {  	s1 =	ssub.s32 @!p0 $0x0, s1;
	[sflag:s0] =	ssyncset.done @!p0 $0x0  }
0x4b: {  	[sflag:s0] =	ssyncadd.s32 @!p0 s1  }
0x4c: {  	[bflag:$0x3] =	sbarrier.arrive $0xFFFF  }
0x4d: {  	_ =	shalt  }

</sc_bundles>
